<compile_context>
chip_gen: v7x
topology: tpu7x:2x2x1
jax: 0.10.2.dev20260603
libtpu: 0.0.44.dev20260713+nightly
codegen_flags: <defaults>
</compile_context>

<pallas_src>
import functools

import jax
import jax.numpy as jnp
from jax import lax
from jax.experimental import pallas as pl
from jax.experimental.pallas import tpu as pltpu
from jax.experimental.pallas import tpu_sc as plsc

VOCAB = 1000
N_TOK = 1024 * 50
NC, NS, L = 2, 16, 16
NW = NC * NS
IB = 128
N_IB = N_TOK // IB
NCE = 8
CW = 128
LAST_VALID = VOCAB - (NCE - 1) * CW
N_UNITS = N_IB * NCE // NW


def _prep_body(x_ref, lse_ref, st_ref):
    x = x_ref[...]
    m = jnp.max(x, axis=1, keepdims=True)
    s = jnp.sum(jnp.exp(x - m), axis=1, keepdims=True)
    lse_ref[...] = jnp.log(s) + m
    for ce in range(NCE - 1):
        st_ref[pl.ds(ce * VOCAB, VOCAB), :] = x[:, ce * CW:(ce + 1) * CW]
    st_ref[pl.ds((NCE - 1) * VOCAB, VOCAB), :] = jnp.concatenate(
        [x[:, (NCE - 1) * CW:],
         jnp.zeros((VOCAB, CW - LAST_VALID), jnp.float32)], axis=1)


def _prep_tc(table):
    return pl.pallas_call(
        _prep_body,
        out_shape=[
            jax.ShapeDtypeStruct((VOCAB, 1), jnp.float32),
            jax.ShapeDtypeStruct((NCE * VOCAB, CW), jnp.float32),
        ],
    )(table)


def _finalize_body(p_ref, o_ref):
    o_ref[...] = jnp.sum(p_ref[...], keepdims=True) * (1.0 / N_TOK)


def _finalize_tc(partials):
    return pl.pallas_call(
        _finalize_body,
        out_shape=jax.ShapeDtypeStruct((1, 1), jnp.float32),
    )(partials)


def _sc_body(st_hbm, idx_hbm, tgt_hbm, lse_hbm,
             outT_hbm, part_hbm,
             idx0_v, idx1_v, tgt0_v, tgt1_v, ixs0_v, ixs1_v,
             rows0_v, rows1_v, slab0_v, slab1_v, lse_v, acc_v,
             gsem0, gsem1, osem0, osem1, isem0, isem1):
    wid = lax.axis_index("s") * NC + lax.axis_index("c")
    ce = wid % NCE
    ib0 = wid // NCE
    clo = pl.multiple_of(ce * CW, CW)
    last = ce == NCE - 1
    nvalid = jnp.where(last, LAST_VALID, CW)

    idxb = (idx0_v, idx1_v)
    tgtb = (tgt0_v, tgt1_v)
    ixsb = (ixs0_v, ixs1_v)
    rowsb = (rows0_v, rows1_v)
    slabb = (slab0_v, slab1_v)
    gsems = (gsem0, gsem1)
    osems = (osem0, osem1)
    isems = (isem0, isem1)

    def tok0(k):
        return pl.multiple_of((ib0 + 4 * k) * IB, IB)

    def fire_idx(k, b):
        pltpu.async_copy(idx_hbm.at[pl.ds(tok0(k), IB)], idxb[b], isems[b])
        pltpu.async_copy(tgt_hbm.at[pl.ds(tok0(k), IB)], tgtb[b], isems[b])

    def wait_idx(k, b):
        pltpu.make_async_copy(idx_hbm.at[pl.ds(tok0(k), IB)], idxb[b],
                              isems[b]).wait()
        pltpu.make_async_copy(tgt_hbm.at[pl.ds(tok0(k), IB)], tgtb[b],
                              isems[b]).wait()

    def compute_ixs(b):
        off = ce * VOCAB
        for g in range(IB // L):
            s = pl.ds(g * L, L)
            ixsb[b][s] = idxb[b][s] + off

    def fire_gather(b):
        pltpu.async_copy(st_hbm.at[ixsb[b]], rowsb[b], gsems[b])

    def wait_gather(b):
        pltpu.make_async_copy(st_hbm.at[ixsb[b]], rowsb[b], gsems[b]).wait()

    def fire_write(k, b):
        @pl.when(jnp.logical_not(last))
        def _():
            pltpu.async_copy(slabb[b].at[pl.ds(0, CW), :],
                             outT_hbm.at[pl.ds(clo, CW),
                                         pl.ds(tok0(k), IB)], osems[b])

        @pl.when(last)
        def _():
            pltpu.async_copy(slabb[b].at[pl.ds(0, LAST_VALID), :],
                             outT_hbm.at[pl.ds(clo, LAST_VALID),
                                         pl.ds(tok0(k), IB)], osems[b])

    def wait_write(k, b):
        @pl.when(jnp.logical_not(last))
        def _():
            pltpu.make_async_copy(slabb[b].at[pl.ds(0, CW), :],
                                  outT_hbm.at[pl.ds(clo, CW),
                                              pl.ds(tok0(k), IB)],
                                  osems[b]).wait()

        @pl.when(last)
        def _():
            pltpu.make_async_copy(slabb[b].at[pl.ds(0, LAST_VALID), :],
                                  outT_hbm.at[pl.ds(clo, LAST_VALID),
                                              pl.ds(tok0(k), IB)],
                                  osems[b]).wait()

    pltpu.sync_copy(idx_hbm.at[pl.ds(tok0(0), IB)], idx0_v)
    pltpu.sync_copy(tgt_hbm.at[pl.ds(tok0(0), IB)], tgt0_v)
    compute_ixs(0)
    fire_gather(0)
    fire_idx(1, 1)
    pltpu.sync_copy(lse_hbm, lse_v)

    lane = lax.iota(jnp.int32, L)
    perms = [(lane + d) & (L - 1) for d in range(L)]

    def transpose_unit(b):
        rows = rowsb[b]
        slab = slabb[b]

        @plsc.parallel_loop(0, IB // L, unroll=2)
        def tr_i(bi):
            i16 = lane + bi * L

            @plsc.parallel_loop(0, CW // L, unroll=4)
            def tr_c(bc):
                c0 = bc * L
                for d in range(L):
                    cperm = perms[d] + c0
                    v16 = plsc.load_gather(rows, [i16, cperm])
                    plsc.store_scatter(slab, [cperm, i16], v16)

    def loss_unit(b, acc):
        rows = rowsb[b]
        for g in range(IB // L):
            s = pl.ds(g * L, L)
            idx16 = idxb[b][s]
            tgt16 = tgtb[b][s]
            lse16 = plsc.load_gather(lse_v, [idx16])
            tloc = tgt16 - clo
            mask = (tloc >= 0) & (tloc < nvalid)
            tcl = tloc & (CW - 1)
            i16 = lax.iota(jnp.int32, L) + (g * L)
            val16 = plsc.load_gather(rows, [i16, tcl])
            acc = acc + jnp.where(mask, lse16 - val16, 0.0)
        return acc

    def pair_body(p, acc):
        for b in range(2):
            k = p * 2 + b
            wait_gather(b)

            @pl.when(k + 1 < N_UNITS)
            def _():
                wait_idx(k + 1, 1 - b)
                compute_ixs(1 - b)
                fire_gather(1 - b)

            @pl.when(k >= 2)
            def _():
                wait_write(k - 2, b)

            transpose_unit(b)
            acc = loss_unit(b, acc)
            fire_write(k, b)

            @pl.when(k + 2 < N_UNITS)
            def _():
                fire_idx(k + 2, b)

        return acc

    acc = lax.fori_loop(0, N_UNITS // 2, pair_body,
                        jnp.zeros((L,), jnp.float32))
    wait_write(N_UNITS - 2, 0)
    wait_write(N_UNITS - 1, 1)

    acc_v[...] = acc
    pltpu.sync_copy(acc_v, part_hbm.at[pl.ds(wid * L, L)])


def _sc_gather(stacked, idx_f, tgt_f, lse):
    mesh = plsc.VectorSubcoreMesh(core_axis_name="c", subcore_axis_name="s")
    k = functools.partial(
        pl.kernel,
        out_type=[
            jax.ShapeDtypeStruct((VOCAB, N_TOK), jnp.float32),
            jax.ShapeDtypeStruct((NW * L,), jnp.float32),
        ],
        mesh=mesh,
        compiler_params=pltpu.CompilerParams(use_tc_tiling_on_sc=True,
                                             needs_layout_passes=False),
        scratch_types=[
            pltpu.VMEM((IB,), jnp.int32),
            pltpu.VMEM((IB,), jnp.int32),
            pltpu.VMEM((IB,), jnp.int32),
            pltpu.VMEM((IB,), jnp.int32),
            pltpu.VMEM((IB,), jnp.int32),
            pltpu.VMEM((IB,), jnp.int32),
            pltpu.VMEM((IB, CW), jnp.float32),
            pltpu.VMEM((IB, CW), jnp.float32),
            pltpu.VMEM((CW, IB), jnp.float32),
            pltpu.VMEM((CW, IB), jnp.float32),
            pltpu.VMEM((VOCAB,), jnp.float32),
            pltpu.VMEM((L,), jnp.float32),
            pltpu.SemaphoreType.DMA,
            pltpu.SemaphoreType.DMA,
            pltpu.SemaphoreType.DMA,
            pltpu.SemaphoreType.DMA,
            pltpu.SemaphoreType.DMA,
            pltpu.SemaphoreType.DMA,
        ],
    )(_sc_body)
    return k(stacked, idx_f, tgt_f, lse)


def kernel(idx, targets, table):
    idx_f = idx.reshape(-1)
    tgt_f = targets.reshape(-1)
    lse, stacked = _prep_tc(table)
    logitsT, partials = _sc_gather(stacked, idx_f, tgt_f, lse.reshape(-1))
    logits_flat = jnp.transpose(logitsT)
    loss = _finalize_tc(partials.reshape(NW, L)).reshape(())
    return (logits_flat, loss)

# --- scband reference (transcript-rebuilt; emitter-appended) ---
"""Pipeline reference for scband-bigram-language-model-11579231830445 (READ-ONLY COPY).

The authoritative reference and input builder live on the scoring server;
editing this copy changes nothing except your own understanding.
"""

import jax, jax.numpy as jnp
import numpy as np

VOCAB = 1000
B, T = 1024, 50

def setup_inputs(seed: int = 0):
    key = jax.random.key(seed)
    k1, k2, k3 = jax.random.split(key, 3)
    idx = jax.random.randint(k1, (B, T), 0, VOCAB)
    targets = jax.random.randint(k2, (B, T), 0, VOCAB)
    table = jax.random.normal(k3, (VOCAB, VOCAB), dtype=jnp.float32)
    return {"idx": idx, "targets": targets, "table": table}

def reference(idx, targets, table):
    # logits = token_embedding_table(idx) -> gather rows of table
    logits = jnp.take(table, idx, axis=0)  # (B, T, V)
    # rearrange 'b t c -> (b t) c'
    logits_flat = logits.reshape(-1, VOCAB)
    targets_flat = targets.reshape(-1)
    # F.cross_entropy = mean NLL over log_softmax
    logp = jax.nn.log_softmax(logits_flat, axis=-1)
    nll = -jnp.take_along_axis(logp, targets_flat[:, None], axis=1).squeeze(1)
    loss = jnp.mean(nll)
    return (logits_flat, loss)

if __name__ == "__main__":
    import jax
    _d = setup_inputs()
    print(jax.jit(kernel)(*tuple(_d.values())))

</pallas_src>

<mosaic_0001>
#map = affine_map<(d0, d1) -> (0, 0)>
#map1 = affine_map<(d0, d1) -> (0)>
module attributes {stable_mosaic.version = 14 : i64} {
  func.func @_sc_body(%arg0: i32, %arg1: i32, %arg2: memref<8000x128xf32, #tpu.memory_space<hbm>>, %arg3: memref<51200xi32, #tpu.memory_space<hbm>>, %arg4: memref<51200xi32, #tpu.memory_space<hbm>>, %arg5: memref<1000xf32, #tpu.memory_space<hbm>>, %arg6: memref<1000x51200xf32, #tpu.memory_space<hbm>>, %arg7: memref<512xf32, #tpu.memory_space<hbm>>, %arg8: memref<128xi32, #tpu.memory_space<vmem>>, %arg9: memref<128xi32, #tpu.memory_space<vmem>>, %arg10: memref<128xi32, #tpu.memory_space<vmem>>, %arg11: memref<128xi32, #tpu.memory_space<vmem>>, %arg12: memref<128xi32, #tpu.memory_space<vmem>>, %arg13: memref<128xi32, #tpu.memory_space<vmem>>, %arg14: memref<128x128xf32, #tpu.memory_space<vmem>>, %arg15: memref<128x128xf32, #tpu.memory_space<vmem>>, %arg16: memref<128x128xf32, #tpu.memory_space<vmem>>, %arg17: memref<128x128xf32, #tpu.memory_space<vmem>>, %arg18: memref<1000xf32, #tpu.memory_space<vmem>>, %arg19: memref<16xf32, #tpu.memory_space<vmem>>, %arg20: memref<!tpu.dma_semaphore, #tpu.memory_space<semaphore_mem>>, %arg21: memref<!tpu.dma_semaphore, #tpu.memory_space<semaphore_mem>>, %arg22: memref<!tpu.dma_semaphore, #tpu.memory_space<semaphore_mem>>, %arg23: memref<!tpu.dma_semaphore, #tpu.memory_space<semaphore_mem>>, %arg24: memref<!tpu.dma_semaphore, #tpu.memory_space<semaphore_mem>>, %arg25: memref<!tpu.dma_semaphore, #tpu.memory_space<semaphore_mem>>) attributes {dimension_semantics = [#tpu.dimension_semantics<core_parallel>, #tpu.dimension_semantics<subcore_parallel>], iteration_bounds = array<i64: 2, 16>, scalar_prefetch = 0 : i64, scratch_operands = 18 : i64, tpu.core_type = #tpu.core_type<sc_vector_subcore>, window_params = [{transform_indices = #map}, {transform_indices = #map1}, {transform_indices = #map1}, {transform_indices = #map1}, {transform_indices = #map}, {transform_indices = #map1}]} {
    %mul3A = arith.constant 2 : i32
    %mul3A_0 = arith.muli %arg1, %mul3A : i32
    %add3A = arith.addi %mul3A_0, %arg0 : i32
    %jit3A = arith.constant 8 : i32
    %eq3A = arith.constant 0 : i32
    %eq3A_1 = arith.cmpi eq, %jit3A, %eq3A : i32
    %jit3A_2 = arith.constant 1 : i32
    %select_n3A = arith.select %eq3A_1, %jit3A_2, %jit3A : i32
    %rem3A = arith.remsi %add3A, %select_n3A : i32
    %ne3A = arith.constant 0 : i32
    %ne3A_3 = arith.cmpi ne, %rem3A, %ne3A : i32
    %lt3A = arith.constant 0 : i32
    %lt3A_4 = arith.cmpi slt, %rem3A, %lt3A : i32
    %lt3A_5 = arith.constant 0 : i32
    %lt3A_6 = arith.cmpi slt, %select_n3A, %lt3A_5 : i32
    %ne3A_7 = arith.xori %lt3A_4, %lt3A_6 : i1
    %and3A = arith.andi %ne3A_7, %ne3A_3 : i1
    %add3A_8 = arith.addi %rem3A, %select_n3A : i32
    %select_n3A_9 = arith.select %and3A, %add3A_8, %rem3A : i32
    %jit3A_10 = arith.constant 8 : i32
    %div3A = arith.divsi %add3A, %jit3A_10 : i32
    %sign3A = arith.constant 0 : i32
    %sign3A_11 = arith.cmpi sgt, %add3A, %sign3A : i32
    %sign3A_12 = arith.extui %sign3A_11 : i1 to i32
    %sign3A_13 = arith.constant 0 : i32
    %sign3A_14 = arith.cmpi slt, %add3A, %sign3A_13 : i32
    %sign3A_15 = arith.extui %sign3A_14 : i1 to i32
    %sign3A_16 = arith.subi %sign3A_12, %sign3A_15 : i32
    %sign3A_17 = arith.constant 0 : i32
    %sign3A_18 = arith.cmpi sgt, %jit3A_10, %sign3A_17 : i32
    %sign3A_19 = arith.extui %sign3A_18 : i1 to i32
    %sign3A_20 = arith.constant 0 : i32
    %sign3A_21 = arith.cmpi slt, %jit3A_10, %sign3A_20 : i32
    %sign3A_22 = arith.extui %sign3A_21 : i1 to i32
    %sign3A_23 = arith.subi %sign3A_19, %sign3A_22 : i32
    %ne3A_24 = arith.cmpi ne, %sign3A_16, %sign3A_23 : i32
    %rem3A_25 = arith.remsi %add3A, %jit3A_10 : i32
    %ne3A_26 = arith.constant 0 : i32
    %ne3A_27 = arith.cmpi ne, %rem3A_25, %ne3A_26 : i32
    %and3A_28 = arith.andi %ne3A_24, %ne3A_27 : i1
    %sub3A = arith.constant 1 : i32
    %sub3A_29 = arith.subi %div3A, %sub3A : i32
    %select_n3A_30 = arith.select %and3A_28, %sub3A_29, %div3A : i32
    %mul3A_31 = arith.constant 128 : i32
    %mul3A_32 = arith.muli %select_n3A_9, %mul3A_31 : i32
    %multiple_of3A = tpu.assume_multiple %mul3A_32, 128 : i32
    %eq3A_33 = arith.constant 7 : i32
    %eq3A_34 = arith.cmpi eq, %select_n3A_9, %eq3A_33 : i32
    %jit3A_35 = arith.constant 104 : i32
    %jit3A_36 = arith.constant 128 : i32
    %select_n3A_37 = arith.select %eq3A_34, %jit3A_35, %jit3A_36 : i32
    %add3A_38 = arith.constant 0 : i32
    %add3A_39 = arith.addi %select_n3A_30, %add3A_38 : i32
    %mul3A_40 = arith.constant 128 : i32
    %mul3A_41 = arith.muli %add3A_39, %mul3A_40 : i32
    %multiple_of3A_42 = tpu.assume_multiple %mul3A_41, 128 : i32
    "tpu.region"() ({
      %run_scoped3A = tpu.sem_alloc : memref<!tpu.dma_semaphore, #tpu.memory_space<semaphore_mem>>
      %dma_start3A_231 = tpu.memref_slice %arg3[%multiple_of3A_42] : memref<51200xi32, #tpu.memory_space<hbm>> -> memref<128xi32, #tpu.memory_space<hbm>>
      %dma_start3A_232 = tpu.memref_slice %arg3[%multiple_of3A_42] : memref<51200xi32, #tpu.memory_space<hbm>> -> memref<128xi32, #tpu.memory_space<hbm>>
      tpu.enqueue_dma source(%dma_start3A_232 : memref<128xi32, #tpu.memory_space<hbm>>) target(%arg8 : memref<128xi32, #tpu.memory_space<vmem>>) target_semaphore(%run_scoped3A : memref<!tpu.dma_semaphore, #tpu.memory_space<semaphore_mem>>)
      %dma_wait3A = tpu.memref_slice %arg3[%multiple_of3A_42] : memref<51200xi32, #tpu.memory_space<hbm>> -> memref<128xi32, #tpu.memory_space<hbm>>
      %dma_wait3A_233 = tpu.memref_slice %arg3[%multiple_of3A_42] : memref<51200xi32, #tpu.memory_space<hbm>> -> memref<128xi32, #tpu.memory_space<hbm>>
      tpu.wait_dma2 semaphore(%run_scoped3A : memref<!tpu.dma_semaphore, #tpu.memory_space<semaphore_mem>>) src(%dma_wait3A_233 : memref<128xi32, #tpu.memory_space<hbm>>) dst(%arg8 : memref<128xi32, #tpu.memory_space<vmem>>)
      tpu.yield
    }) : () -> ()
    %add3A_43 = arith.constant 0 : i32
    %add3A_44 = arith.addi %select_n3A_30, %add3A_43 : i32
    %mul3A_45 = arith.constant 128 : i32
    %mul3A_46 = arith.muli %add3A_44, %mul3A_45 : i32
    %multiple_of3A_47 = tpu.assume_multiple %mul3A_46, 128 : i32
    "tpu.region"() ({
      %run_scoped3A = tpu.sem_alloc : memref<!tpu.dma_semaphore, #tpu.memory_space<semaphore_mem>>
      %dma_start3A_231 = tpu.memref_slice %arg4[%multiple_of3A_47] : memref<51200xi32, #tpu.memory_space<hbm>> -> memref<128xi32, #tpu.memory_space<hbm>>
      %dma_start3A_232 = tpu.memref_slice %arg4[%multiple_of3A_47] : memref<51200xi32, #tpu.memory_space<hbm>> -> memref<128xi32, #tpu.memory_space<hbm>>
      tpu.enqueue_dma source(%dma_start3A_232 : memref<128xi32, #tpu.memory_space<hbm>>) target(%arg10 : memref<128xi32, #tpu.memory_space<vmem>>) target_semaphore(%run_scoped3A : memref<!tpu.dma_semaphore, #tpu.memory_space<semaphore_mem>>)
      %dma_wait3A = tpu.memref_slice %arg4[%multiple_of3A_47] : memref<51200xi32, #tpu.memory_space<hbm>> -> memref<128xi32, #tpu.memory_space<hbm>>
      %dma_wait3A_233 = tpu.memref_slice %arg4[%multiple_of3A_47] : memref<51200xi32, #tpu.memory_space<hbm>> -> memref<128xi32, #tpu.memory_space<hbm>>
      tpu.wait_dma2 semaphore(%run_scoped3A : memref<!tpu.dma_semaphore, #tpu.memory_space<semaphore_mem>>) src(%dma_wait3A_233 : memref<128xi32, #tpu.memory_space<hbm>>) dst(%arg10 : memref<128xi32, #tpu.memory_space<vmem>>)
      tpu.yield
    }) : () -> ()
    %mul3A_48 = arith.constant 1000 : i32
    %mul3A_49 = arith.muli %select_n3A_9, %mul3A_48 : i32
    %get3A = arith.constant 0 : index
    %get3A_50 = tpu.vector_load %arg8[%get3A] {strides = array<i32>} : memref<128xi32, #tpu.memory_space<vmem>>, vector<16xi32>,
    %add3A_51 = vector.broadcast %mul3A_49 : i32 to vector<16xi32>
    %add3A_52 = arith.addi %get3A_50, %add3A_51 : vector<16xi32>
    %swap3A = arith.constant 0 : index
    %swap3A_53 = tpu.vector_load %arg12[%swap3A] {strides = array<i32>} : memref<128xi32, #tpu.memory_space<vmem>>, vector<16xi32>,
    tpu.vector_store %arg12[%swap3A], %add3A_52 {strides = array<i32>} : memref<128xi32, #tpu.memory_space<vmem>>, vector<16xi32>,
    %get3A_54 = arith.constant 16 : index
    %get3A_55 = tpu.vector_load %arg8[%get3A_54] {strides = array<i32>} : memref<128xi32, #tpu.memory_space<vmem>>, vector<16xi32>,
    %add3A_56 = vector.broadcast %mul3A_49 : i32 to vector<16xi32>
    %add3A_57 = arith.addi %get3A_55, %add3A_56 : vector<16xi32>
    %swap3A_58 = arith.constant 16 : index
    %swap3A_59 = tpu.vector_load %arg12[%swap3A_58] {strides = array<i32>} : memref<128xi32, #tpu.memory_space<vmem>>, vector<16xi32>,
    tpu.vector_store %arg12[%swap3A_58], %add3A_57 {strides = array<i32>} : memref<128xi32, #tpu.memory_space<vmem>>, vector<16xi32>,
    %get3A_60 = arith.constant 32 : index
    %get3A_61 = tpu.vector_load %arg8[%get3A_60] {strides = array<i32>} : memref<128xi32, #tpu.memory_space<vmem>>, vector<16xi32>,
    %add3A_62 = vector.broadcast %mul3A_49 : i32 to vector<16xi32>
    %add3A_63 = arith.addi %get3A_61, %add3A_62 : vector<16xi32>
    %swap3A_64 = arith.constant 32 : index
    %swap3A_65 = tpu.vector_load %arg12[%swap3A_64] {strides = array<i32>} : memref<128xi32, #tpu.memory_space<vmem>>, vector<16xi32>,
    tpu.vector_store %arg12[%swap3A_64], %add3A_63 {strides = array<i32>} : memref<128xi32, #tpu.memory_space<vmem>>, vector<16xi32>,
    %get3A_66 = arith.constant 48 : index
    %get3A_67 = tpu.vector_load %arg8[%get3A_66] {strides = array<i32>} : memref<128xi32, #tpu.memory_space<vmem>>, vector<16xi32>,
    %add3A_68 = vector.broadcast %mul3A_49 : i32 to vector<16xi32>
    %add3A_69 = arith.addi %get3A_67, %add3A_68 : vector<16xi32>
    %swap3A_70 = arith.constant 48 : index
    %swap3A_71 = tpu.vector_load %arg12[%swap3A_70] {strides = array<i32>} : memref<128xi32, #tpu.memory_space<vmem>>, vector<16xi32>,
    tpu.vector_store %arg12[%swap3A_70], %add3A_69 {strides = array<i32>} : memref<128xi32, #tpu.memory_space<vmem>>, vector<16xi32>,
    %get3A_72 = arith.constant 64 : index
    %get3A_73 = tpu.vector_load %arg8[%get3A_72] {strides = array<i32>} : memref<128xi32, #tpu.memory_space<vmem>>, vector<16xi32>,
    %add3A_74 = vector.broadcast %mul3A_49 : i32 to vector<16xi32>
    %add3A_75 = arith.addi %get3A_73, %add3A_74 : vector<16xi32>
    %swap3A_76 = arith.constant 64 : index
    %swap3A_77 = tpu.vector_load %arg12[%swap3A_76] {strides = array<i32>} : memref<128xi32, #tpu.memory_space<vmem>>, vector<16xi32>,
    tpu.vector_store %arg12[%swap3A_76], %add3A_75 {strides = array<i32>} : memref<128xi32, #tpu.memory_space<vmem>>, vector<16xi32>,
    %get3A_78 = arith.constant 80 : index
    %get3A_79 = tpu.vector_load %arg8[%get3A_78] {strides = array<i32>} : memref<128xi32, #tpu.memory_space<vmem>>, vector<16xi32>,
    %add3A_80 = vector.broadcast %mul3A_49 : i32 to vector<16xi32>
    %add3A_81 = arith.addi %get3A_79, %add3A_80 : vector<16xi32>
    %swap3A_82 = arith.constant 80 : index
    %swap3A_83 = tpu.vector_load %arg12[%swap3A_82] {strides = array<i32>} : memref<128xi32, #tpu.memory_space<vmem>>, vector<16xi32>,
    tpu.vector_store %arg12[%swap3A_82], %add3A_81 {strides = array<i32>} : memref<128xi32, #tpu.memory_space<vmem>>, vector<16xi32>,
    %get3A_84 = arith.constant 96 : index
    %get3A_85 = tpu.vector_load %arg8[%get3A_84] {strides = array<i32>} : memref<128xi32, #tpu.memory_space<vmem>>, vector<16xi32>,
    %add3A_86 = vector.broadcast %mul3A_49 : i32 to vector<16xi32>
    %add3A_87 = arith.addi %get3A_85, %add3A_86 : vector<16xi32>
    %swap3A_88 = arith.constant 96 : index
    %swap3A_89 = tpu.vector_load %arg12[%swap3A_88] {strides = array<i32>} : memref<128xi32, #tpu.memory_space<vmem>>, vector<16xi32>,
    tpu.vector_store %arg12[%swap3A_88], %add3A_87 {strides = array<i32>} : memref<128xi32, #tpu.memory_space<vmem>>, vector<16xi32>,
    %get3A_90 = arith.constant 112 : index
    %get3A_91 = tpu.vector_load %arg8[%get3A_90] {strides = array<i32>} : memref<128xi32, #tpu.memory_space<vmem>>, vector<16xi32>,
    %add3A_92 = vector.broadcast %mul3A_49 : i32 to vector<16xi32>
    %add3A_93 = arith.addi %get3A_91, %add3A_92 : vector<16xi32>
    %swap3A_94 = arith.constant 112 : index
    %swap3A_95 = tpu.vector_load %arg12[%swap3A_94] {strides = array<i32>} : memref<128xi32, #tpu.memory_space<vmem>>, vector<16xi32>,
    tpu.vector_store %arg12[%swap3A_94], %add3A_93 {strides = array<i32>} : memref<128xi32, #tpu.memory_space<vmem>>, vector<16xi32>,
    %dma_start3A = arith.constant 0 : i32
    %dma_start3A_96 = arith.constant 0 : i32
    %dma_start3A_97 = tpu.memref_slice %arg2[%dma_start3A, %dma_start3A_96] : memref<8000x128xf32, #tpu.memory_space<hbm>> -> memref<8000x128xf32, #tpu.memory_space<hbm>>
    tpu.enqueue_indirect_dma source(%dma_start3A_97 : memref<8000x128xf32, #tpu.memory_space<hbm>>) target(%arg14 : memref<128x128xf32, #tpu.memory_space<vmem>>) offsets(%arg12 : memref<128xi32, #tpu.memory_space<vmem>>) semaphore(%arg20 : memref<!tpu.dma_semaphore, #tpu.memory_space<semaphore_mem>>)
    %add3A_98 = arith.constant 4 : i32
    %add3A_99 = arith.addi %select_n3A_30, %add3A_98 : i32
    %mul3A_100 = arith.constant 128 : i32
    %mul3A_101 = arith.muli %add3A_99, %mul3A_100 : i32
    %multiple_of3A_102 = tpu.assume_multiple %mul3A_101, 128 : i32
    %dma_start3A_103 = tpu.memref_slice %arg3[%multiple_of3A_102] : memref<51200xi32, #tpu.memory_space<hbm>> -> memref<128xi32, #tpu.memory_space<hbm>>
    %dma_start3A_104 = tpu.memref_slice %arg3[%multiple_of3A_102] : memref<51200xi32, #tpu.memory_space<hbm>> -> memref<128xi32, #tpu.memory_space<hbm>>
    tpu.enqueue_dma source(%dma_start3A_104 : memref<128xi32, #tpu.memory_space<hbm>>) target(%arg9 : memref<128xi32, #tpu.memory_space<vmem>>) target_semaphore(%arg25 : memref<!tpu.dma_semaphore, #tpu.memory_space<semaphore_mem>>)
    %add3A_105 = arith.constant 4 : i32
    %add3A_106 = arith.addi %select_n3A_30, %add3A_105 : i32
    %mul3A_107 = arith.constant 128 : i32
    %mul3A_108 = arith.muli %add3A_106, %mul3A_107 : i32
    %multiple_of3A_109 = tpu.assume_multiple %mul3A_108, 128 : i32
    %dma_start3A_110 = tpu.memref_slice %arg4[%multiple_of3A_109] : memref<51200xi32, #tpu.memory_space<hbm>> -> memref<128xi32, #tpu.memory_space<hbm>>
    %dma_start3A_111 = tpu.memref_slice %arg4[%multiple_of3A_109] : memref<51200xi32, #tpu.memory_space<hbm>> -> memref<128xi32, #tpu.memory_space<hbm>>
    tpu.enqueue_dma source(%dma_start3A_111 : memref<128xi32, #tpu.memory_space<hbm>>) target(%arg11 : memref<128xi32, #tpu.memory_space<vmem>>) target_semaphore(%arg25 : memref<!tpu.dma_semaphore, #tpu.memory_space<semaphore_mem>>)
    "tpu.region"() ({
      %run_scoped3A = tpu.sem_alloc : memref<!tpu.dma_semaphore, #tpu.memory_space<semaphore_mem>>
      tpu.enqueue_dma source(%arg5 : memref<1000xf32, #tpu.memory_space<hbm>>) target(%arg18 : memref<1000xf32, #tpu.memory_space<vmem>>) target_semaphore(%run_scoped3A : memref<!tpu.dma_semaphore, #tpu.memory_space<semaphore_mem>>)
      tpu.wait_dma2 semaphore(%run_scoped3A : memref<!tpu.dma_semaphore, #tpu.memory_space<semaphore_mem>>) src(%arg5 : memref<1000xf32, #tpu.memory_space<hbm>>) dst(%arg18 : memref<1000xf32, #tpu.memory_space<vmem>>)
      tpu.yield
    }) : () -> ()
    %iota3A = tpu.iota {dimensions = array<i32: 0>} : vector<16xi32>
    %add3A_112 = arith.constant 0 : i32
    %add3A_113 = vector.broadcast %add3A_112 : i32 to vector<16xi32>
    %add3A_114 = arith.addi %iota3A, %add3A_113 : vector<16xi32>
    %and3A_115 = arith.constant 15 : i32
    %and3A_116 = vector.broadcast %and3A_115 : i32 to vector<16xi32>
    %and3A_117 = arith.andi %add3A_114, %and3A_116 : vector<16xi32>
    %add3A_118 = arith.constant 1 : i32
    %add3A_119 = vector.broadcast %add3A_118 : i32 to vector<16xi32>
    %add3A_120 = arith.addi %iota3A, %add3A_119 : vector<16xi32>
    %and3A_121 = arith.constant 15 : i32
    %and3A_122 = vector.broadcast %and3A_121 : i32 to vector<16xi32>
    %and3A_123 = arith.andi %add3A_120, %and3A_122 : vector<16xi32>
    %add3A_124 = arith.constant 2 : i32
    %add3A_125 = vector.broadcast %add3A_124 : i32 to vector<16xi32>
    %add3A_126 = arith.addi %iota3A, %add3A_125 : vector<16xi32>
    %and3A_127 = arith.constant 15 : i32
    %and3A_128 = vector.broadcast %and3A_127 : i32 to vector<16xi32>
    %and3A_129 = arith.andi %add3A_126, %and3A_128 : vector<16xi32>
    %add3A_130 = arith.constant 3 : i32
    %add3A_131 = vector.broadcast %add3A_130 : i32 to vector<16xi32>
    %add3A_132 = arith.addi %iota3A, %add3A_131 : vector<16xi32>
    %and3A_133 = arith.constant 15 : i32
    %and3A_134 = vector.broadcast %and3A_133 : i32 to vector<16xi32>
    %and3A_135 = arith.andi %add3A_132, %and3A_134 : vector<16xi32>
    %add3A_136 = arith.constant 4 : i32
    %add3A_137 = vector.broadcast %add3A_136 : i32 to vector<16xi32>
    %add3A_138 = arith.addi %iota3A, %add3A_137 : vector<16xi32>
    %and3A_139 = arith.constant 15 : i32
    %and3A_140 = vector.broadcast %and3A_139 : i32 to vector<16xi32>
    %and3A_141 = arith.andi %add3A_138, %and3A_140 : vector<16xi32>
    %add3A_142 = arith.constant 5 : i32
    %add3A_143 = vector.broadcast %add3A_142 : i32 to vector<16xi32>
    %add3A_144 = arith.addi %iota3A, %add3A_143 : vector<16xi32>
    %and3A_145 = arith.constant 15 : i32
    %and3A_146 = vector.broadcast %and3A_145 : i32 to vector<16xi32>
    %and3A_147 = arith.andi %add3A_144, %and3A_146 : vector<16xi32>
    %add3A_148 = arith.constant 6 : i32
    %add3A_149 = vector.broadcast %add3A_148 : i32 to vector<16xi32>
    %add3A_150 = arith.addi %iota3A, %add3A_149 : vector<16xi32>
    %and3A_151 = arith.constant 15 : i32
    %and3A_152 = vector.broadcast %and3A_151 : i32 to vector<16xi32>
    %and3A_153 = arith.andi %add3A_150, %and3A_152 : vector<16xi32>
    %add3A_154 = arith.constant 7 : i32
    %add3A_155 = vector.broadcast %add3A_154 : i32 to vector<16xi32>
    %add3A_156 = arith.addi %iota3A, %add3A_155 : vector<16xi32>
    %and3A_157 = arith.constant 15 : i32
    %and3A_158 = vector.broadcast %and3A_157 : i32 to vector<16xi32>
    %and3A_159 = arith.andi %add3A_156, %and3A_158 : vector<16xi32>
    %add3A_160 = arith.constant 8 : i32
    %add3A_161 = vector.broadcast %add3A_160 : i32 to vector<16xi32>
    %add3A_162 = arith.addi %iota3A, %add3A_161 : vector<16xi32>
    %and3A_163 = arith.constant 15 : i32
    %and3A_164 = vector.broadcast %and3A_163 : i32 to vector<16xi32>
    %and3A_165 = arith.andi %add3A_162, %and3A_164 : vector<16xi32>
    %add3A_166 = arith.constant 9 : i32
    %add3A_167 = vector.broadcast %add3A_166 : i32 to vector<16xi32>
    %add3A_168 = arith.addi %iota3A, %add3A_167 : vector<16xi32>
    %and3A_169 = arith.constant 15 : i32
    %and3A_170 = vector.broadcast %and3A_169 : i32 to vector<16xi32>
    %and3A_171 = arith.andi %add3A_168, %and3A_170 : vector<16xi32>
    %add3A_172 = arith.constant 10 : i32
    %add3A_173 = vector.broadcast %add3A_172 : i32 to vector<16xi32>
    %add3A_174 = arith.addi %iota3A, %add3A_173 : vector<16xi32>
    %and3A_175 = arith.constant 15 : i32
    %and3A_176 = vector.broadcast %and3A_175 : i32 to vector<16xi32>
    %and3A_177 = arith.andi %add3A_174, %and3A_176 : vector<16xi32>
    %add3A_178 = arith.constant 11 : i32
    %add3A_179 = vector.broadcast %add3A_178 : i32 to vector<16xi32>
    %add3A_180 = arith.addi %iota3A, %add3A_179 : vector<16xi32>
    %and3A_181 = arith.constant 15 : i32
    %and3A_182 = vector.broadcast %and3A_181 : i32 to vector<16xi32>
    %and3A_183 = arith.andi %add3A_180, %and3A_182 : vector<16xi32>
    %add3A_184 = arith.constant 12 : i32
    %add3A_185 = vector.broadcast %add3A_184 : i32 to vector<16xi32>
    %add3A_186 = arith.addi %iota3A, %add3A_185 : vector<16xi32>
    %and3A_187 = arith.constant 15 : i32
    %and3A_188 = vector.broadcast %and3A_187 : i32 to vector<16xi32>
    %and3A_189 = arith.andi %add3A_186, %and3A_188 : vector<16xi32>
    %add3A_190 = arith.constant 13 : i32
    %add3A_191 = vector.broadcast %add3A_190 : i32 to vector<16xi32>
    %add3A_192 = arith.addi %iota3A, %add3A_191 : vector<16xi32>
    %and3A_193 = arith.constant 15 : i32
    %and3A_194 = vector.broadcast %and3A_193 : i32 to vector<16xi32>
    %and3A_195 = arith.andi %add3A_192, %and3A_194 : vector<16xi32>
    %add3A_196 = arith.constant 14 : i32
    %add3A_197 = vector.broadcast %add3A_196 : i32 to vector<16xi32>
    %add3A_198 = arith.addi %iota3A, %add3A_197 : vector<16xi32>
    %and3A_199 = arith.constant 15 : i32
    %and3A_200 = vector.broadcast %and3A_199 : i32 to vector<16xi32>
    %and3A_201 = arith.andi %add3A_198, %and3A_200 : vector<16xi32>
    %add3A_202 = arith.constant 15 : i32
    %add3A_203 = vector.broadcast %add3A_202 : i32 to vector<16xi32>
    %add3A_204 = arith.addi %iota3A, %add3A_203 : vector<16xi32>
    %and3A_205 = arith.constant 15 : i32
    %and3A_206 = vector.broadcast %and3A_205 : i32 to vector<16xi32>
    %and3A_207 = arith.andi %add3A_204, %and3A_206 : vector<16xi32>
    %broadcast_in_dim3A = arith.constant 0.000000e+00 : f32
    %broadcast_in_dim3A_208 = vector.broadcast %broadcast_in_dim3A : f32 to vector<16xf32>
    %scan3A = arith.constant 0 : i32
    %scan3A_209 = arith.constant 50 : i32
    %scan3A_210 = arith.addi %scan3A, %scan3A_209 : i32
    %scan3A_211 = arith.constant 1 : i32
    %scan3A_212 = scf.for %scan3A_231 = %scan3A to %scan3A_210 step %scan3A_211 iter_args(%scan3A_232 = %broadcast_in_dim3A_208) -> (vector<16xf32>)  : i32 {
      %mul3A_233 = arith.constant 2 : i32
      %mul3A_234 = arith.muli %scan3A_231, %mul3A_233 : i32
      %add3A_235 = arith.constant 0 : i32
      %add3A_236 = arith.addi %mul3A_234, %add3A_235 : i32
      %dma_wait3A = arith.constant 0 : i32
      %dma_wait3A_237 = arith.constant 0 : i32
      %dma_wait3A_238 = tpu.memref_slice %arg2[%dma_wait3A, %dma_wait3A_237] : memref<8000x128xf32, #tpu.memory_space<hbm>> -> memref<8000x128xf32, #tpu.memory_space<hbm>>
      tpu.wait_indirect_dma semaphore(%arg20 : memref<!tpu.dma_semaphore, #tpu.memory_space<semaphore_mem>>) src(%dma_wait3A_238 : memref<8000x128xf32, #tpu.memory_space<hbm>>) dst(%arg14 : memref<128x128xf32, #tpu.memory_space<vmem>>)
      %add3A_239 = arith.constant 1 : i32
      %add3A_240 = arith.addi %add3A_236, %add3A_239 : i32
      %lt3A_241 = arith.constant 100 : i32
      %lt3A_242 = arith.cmpi slt, %add3A_240, %lt3A_241 : i32
      %convert_element_type3A_243 = arith.extui %lt3A_242 : i1 to i32
      %cond3A_244 = arith.constant 0 : i32
      %cond3A_245 = arith.cmpi ne, %convert_element_type3A_243, %cond3A_244 : i32
      scf.if %cond3A_245 {
        %add3A_719 = arith.constant 1 : i32
        %add3A_720 = arith.addi %add3A_236, %add3A_719 : i32
        %mul3A_721 = arith.constant 4 : i32
        %mul3A_722 = arith.muli %mul3A_721, %add3A_720 : i32
        %add3A_723 = arith.addi %select_n3A_30, %mul3A_722 : i32
        %mul3A_724 = arith.constant 128 : i32
        %mul3A_725 = arith.muli %add3A_723, %mul3A_724 : i32
        %multiple_of3A_726 = tpu.assume_multiple %mul3A_725, 128 : i32
        %dma_wait3A_727 = tpu.memref_slice %arg3[%multiple_of3A_726] : memref<51200xi32, #tpu.memory_space<hbm>> -> memref<128xi32, #tpu.memory_space<hbm>>
        %dma_wait3A_728 = tpu.memref_slice %arg3[%multiple_of3A_726] : memref<51200xi32, #tpu.memory_space<hbm>> -> memref<128xi32, #tpu.memory_space<hbm>>
        tpu.wait_dma2 semaphore(%arg25 : memref<!tpu.dma_semaphore, #tpu.memory_space<semaphore_mem>>) src(%dma_wait3A_728 : memref<128xi32, #tpu.memory_space<hbm>>) dst(%arg9 : memref<128xi32, #tpu.memory_space<vmem>>)
        %mul3A_729 = arith.constant 4 : i32
        %mul3A_730 = arith.muli %mul3A_729, %add3A_720 : i32
        %add3A_731 = arith.addi %select_n3A_30, %mul3A_730 : i32
        %mul3A_732 = arith.constant 128 : i32
        %mul3A_733 = arith.muli %add3A_731, %mul3A_732 : i32
        %multiple_of3A_734 = tpu.assume_multiple %mul3A_733, 128 : i32
        %dma_wait3A_735 = tpu.memref_slice %arg4[%multiple_of3A_734] : memref<51200xi32, #tpu.memory_space<hbm>> -> memref<128xi32, #tpu.memory_space<hbm>>
        %dma_wait3A_736 = tpu.memref_slice %arg4[%multiple_of3A_734] : memref<51200xi32, #tpu.memory_space<hbm>> -> memref<128xi32, #tpu.memory_space<hbm>>
        tpu.wait_dma2 semaphore(%arg25 : memref<!tpu.dma_semaphore, #tpu.memory_space<semaphore_mem>>) src(%dma_wait3A_736 : memref<128xi32, #tpu.memory_space<hbm>>) dst(%arg11 : memref<128xi32, #tpu.memory_space<vmem>>)
        %mul3A_737 = arith.constant 1000 : i32
        %mul3A_738 = arith.muli %select_n3A_9, %mul3A_737 : i32
        %get3A_739 = arith.constant 0 : index
        %get3A_740 = tpu.vector_load %arg9[%get3A_739] {strides = array<i32>} : memref<128xi32, #tpu.memory_space<vmem>>, vector<16xi32>,
        %add3A_741 = vector.broadcast %mul3A_738 : i32 to vector<16xi32>
        %add3A_742 = arith.addi %get3A_740, %add3A_741 : vector<16xi32>
        %swap3A_743 = arith.constant 0 : index
        %swap3A_744 = tpu.vector_load %arg13[%swap3A_743] {strides = array<i32>} : memref<128xi32, #tpu.memory_space<vmem>>, vector<16xi32>,
        tpu.vector_store %arg13[%swap3A_743], %add3A_742 {strides = array<i32>} : memref<128xi32, #tpu.memory_space<vmem>>, vector<16xi32>,
        %get3A_745 = arith.constant 16 : index
        %get3A_746 = tpu.vector_load %arg9[%get3A_745] {strides = array<i32>} : memref<128xi32, #tpu.memory_space<vmem>>, vector<16xi32>,
        %add3A_747 = vector.broadcast %mul3A_738 : i32 to vector<16xi32>
        %add3A_748 = arith.addi %get3A_746, %add3A_747 : vector<16xi32>
        %swap3A_749 = arith.constant 16 : index
        %swap3A_750 = tpu.vector_load %arg13[%swap3A_749] {strides = array<i32>} : memref<128xi32, #tpu.memory_space<vmem>>, vector<16xi32>,
        tpu.vector_store %arg13[%swap3A_749], %add3A_748 {strides = array<i32>} : memref<128xi32, #tpu.memory_space<vmem>>, vector<16xi32>,
        %get3A_751 = arith.constant 32 : index
        %get3A_752 = tpu.vector_load %arg9[%get3A_751] {strides = array<i32>} : memref<128xi32, #tpu.memory_space<vmem>>, vector<16xi32>,
        %add3A_753 = vector.broadcast %mul3A_738 : i32 to vector<16xi32>
        %add3A_754 = arith.addi %get3A_752, %add3A_753 : vector<16xi32>
        %swap3A_755 = arith.constant 32 : index
        %swap3A_756 = tpu.vector_load %arg13[%swap3A_755] {strides = array<i32>} : memref<128xi32, #tpu.memory_space<vmem>>, vector<16xi32>,
        tpu.vector_store %arg13[%swap3A_755], %add3A_754 {strides = array<i32>} : memref<128xi32, #tpu.memory_space<vmem>>, vector<16xi32>,
        %get3A_757 = arith.constant 48 : index
        %get3A_758 = tpu.vector_load %arg9[%get3A_757] {strides = array<i32>} : memref<128xi32, #tpu.memory_space<vmem>>, vector<16xi32>,
        %add3A_759 = vector.broadcast %mul3A_738 : i32 to vector<16xi32>
        %add3A_760 = arith.addi %get3A_758, %add3A_759 : vector<16xi32>
        %swap3A_761 = arith.constant 48 : index
        %swap3A_762 = tpu.vector_load %arg13[%swap3A_761] {strides = array<i32>} : memref<128xi32, #tpu.memory_space<vmem>>, vector<16xi32>,
        tpu.vector_store %arg13[%swap3A_761], %add3A_760 {strides = array<i32>} : memref<128xi32, #tpu.memory_space<vmem>>, vector<16xi32>,
        %get3A_763 = arith.constant 64 : index
        %get3A_764 = tpu.vector_load %arg9[%get3A_763] {strides = array<i32>} : memref<128xi32, #tpu.memory_space<vmem>>, vector<16xi32>,
        %add3A_765 = vector.broadcast %mul3A_738 : i32 to vector<16xi32>
        %add3A_766 = arith.addi %get3A_764, %add3A_765 : vector<16xi32>
        %swap3A_767 = arith.constant 64 : index
        %swap3A_768 = tpu.vector_load %arg13[%swap3A_767] {strides = array<i32>} : memref<128xi32, #tpu.memory_space<vmem>>, vector<16xi32>,
        tpu.vector_store %arg13[%swap3A_767], %add3A_766 {strides = array<i32>} : memref<128xi32, #tpu.memory_space<vmem>>, vector<16xi32>,
        %get3A_769 = arith.constant 80 : index
        %get3A_770 = tpu.vector_load %arg9[%get3A_769] {strides = array<i32>} : memref<128xi32, #tpu.memory_space<vmem>>, vector<16xi32>,
        %add3A_771 = vector.broadcast %mul3A_738 : i32 to vector<16xi32>
        %add3A_772 = arith.addi %get3A_770, %add3A_771 : vector<16xi32>
        %swap3A_773 = arith.constant 80 : index
        %swap3A_774 = tpu.vector_load %arg13[%swap3A_773] {strides = array<i32>} : memref<128xi32, #tpu.memory_space<vmem>>, vector<16xi32>,
        tpu.vector_store %arg13[%swap3A_773], %add3A_772 {strides = array<i32>} : memref<128xi32, #tpu.memory_space<vmem>>, vector<16xi32>,
        %get3A_775 = arith.constant 96 : index
        %get3A_776 = tpu.vector_load %arg9[%get3A_775] {strides = array<i32>} : memref<128xi32, #tpu.memory_space<vmem>>, vector<16xi32>,
        %add3A_777 = vector.broadcast %mul3A_738 : i32 to vector<16xi32>
        %add3A_778 = arith.addi %get3A_776, %add3A_777 : vector<16xi32>
        %swap3A_779 = arith.constant 96 : index
        %swap3A_780 = tpu.vector_load %arg13[%swap3A_779] {strides = array<i32>} : memref<128xi32, #tpu.memory_space<vmem>>, vector<16xi32>,
        tpu.vector_store %arg13[%swap3A_779], %add3A_778 {strides = array<i32>} : memref<128xi32, #tpu.memory_space<vmem>>, vector<16xi32>,
        %get3A_781 = arith.constant 112 : index
        %get3A_782 = tpu.vector_load %arg9[%get3A_781] {strides = array<i32>} : memref<128xi32, #tpu.memory_space<vmem>>, vector<16xi32>,
        %add3A_783 = vector.broadcast %mul3A_738 : i32 to vector<16xi32>
        %add3A_784 = arith.addi %get3A_782, %add3A_783 : vector<16xi32>
        %swap3A_785 = arith.constant 112 : index
        %swap3A_786 = tpu.vector_load %arg13[%swap3A_785] {strides = array<i32>} : memref<128xi32, #tpu.memory_space<vmem>>, vector<16xi32>,
        tpu.vector_store %arg13[%swap3A_785], %add3A_784 {strides = array<i32>} : memref<128xi32, #tpu.memory_space<vmem>>, vector<16xi32>,
        %dma_start3A_787 = arith.constant 0 : i32
        %dma_start3A_788 = arith.constant 0 : i32
        %dma_start3A_789 = tpu.memref_slice %arg2[%dma_start3A_787, %dma_start3A_788] : memref<8000x128xf32, #tpu.memory_space<hbm>> -> memref<8000x128xf32, #tpu.memory_space<hbm>>
        tpu.enqueue_indirect_dma source(%dma_start3A_789 : memref<8000x128xf32, #tpu.memory_space<hbm>>) target(%arg15 : memref<128x128xf32, #tpu.memory_space<vmem>>) offsets(%arg13 : memref<128xi32, #tpu.memory_space<vmem>>) semaphore(%arg21 : memref<!tpu.dma_semaphore, #tpu.memory_space<semaphore_mem>>)
      } else {
      }
      %ge3A = arith.constant 2 : i32
      %ge3A_246 = arith.cmpi sge, %add3A_236, %ge3A : i32
      %convert_element_type3A_247 = arith.extui %ge3A_246 : i1 to i32
      %cond3A_248 = arith.constant 0 : i32
      %cond3A_249 = arith.cmpi ne, %convert_element_type3A_247, %cond3A_248 : i32
      scf.if %cond3A_249 {
        %sub3A_719 = arith.constant 2 : i32
        %sub3A_720 = arith.subi %add3A_236, %sub3A_719 : i32
        %not3A_721 = arith.constant true
        %not3A_722 = arith.xori %eq3A_34, %not3A_721 : i1
        %convert_element_type3A_723 = arith.extui %not3A_722 : i1 to i32
        %cond3A_724 = arith.constant 0 : i32
        %cond3A_725 = arith.cmpi ne, %convert_element_type3A_723, %cond3A_724 : i32
        scf.if %cond3A_725 {
          %mul3A_729 = arith.constant 4 : i32
          %mul3A_730 = arith.muli %mul3A_729, %sub3A_720 : i32
          %add3A_731 = arith.addi %select_n3A_30, %mul3A_730 : i32
          %mul3A_732 = arith.constant 128 : i32
          %mul3A_733 = arith.muli %add3A_731, %mul3A_732 : i32
          %multiple_of3A_734 = tpu.assume_multiple %mul3A_733, 128 : i32
          %dma_wait3A_735 = arith.constant 0 : i32
          %dma_wait3A_736 = arith.constant 0 : i32
          %dma_wait3A_737 = tpu.memref_slice %arg16[%dma_wait3A_735, %dma_wait3A_736] : memref<128x128xf32, #tpu.memory_space<vmem>> -> memref<128x128xf32, #tpu.memory_space<vmem>>
          %dma_wait3A_738 = tpu.memref_slice %arg6[%multiple_of3A, %multiple_of3A_734] : memref<1000x51200xf32, #tpu.memory_space<hbm>> -> memref<128x128xf32, #tpu.memory_space<hbm>>
          %dma_wait3A_739 = tpu.memref_slice %arg6[%multiple_of3A, %multiple_of3A_734] : memref<1000x51200xf32, #tpu.memory_space<hbm>> -> memref<128x128xf32, #tpu.memory_space<hbm>>
          %dma_wait3A_740 = arith.constant 0 : i32
          %dma_wait3A_741 = arith.constant 0 : i32
          %dma_wait3A_742 = tpu.memref_slice %arg16[%dma_wait3A_740, %dma_wait3A_741] : memref<128x128xf32, #tpu.memory_space<vmem>> -> memref<128x128xf32, #tpu.memory_space<vmem>>
          tpu.wait_dma2 semaphore(%arg22 : memref<!tpu.dma_semaphore, #tpu.memory_space<semaphore_mem>>) src(%dma_wait3A_742 : memref<128x128xf32, #tpu.memory_space<vmem>>) dst(%dma_wait3A_739 : memref<128x128xf32, #tpu.memory_space<hbm>>)
        } else {
        }
        %convert_element_type3A_726 = arith.extui %eq3A_34 : i1 to i32
        %cond3A_727 = arith.constant 0 : i32
        %cond3A_728 = arith.cmpi ne, %convert_element_type3A_726, %cond3A_727 : i32
        scf.if %cond3A_728 {
          %mul3A_729 = arith.constant 4 : i32
          %mul3A_730 = arith.muli %mul3A_729, %sub3A_720 : i32
          %add3A_731 = arith.addi %select_n3A_30, %mul3A_730 : i32
          %mul3A_732 = arith.constant 128 : i32
          %mul3A_733 = arith.muli %add3A_731, %mul3A_732 : i32
          %multiple_of3A_734 = tpu.assume_multiple %mul3A_733, 128 : i32
          %dma_wait3A_735 = arith.constant 0 : i32
          %dma_wait3A_736 = arith.constant 0 : i32
          %dma_wait3A_737 = tpu.memref_slice %arg16[%dma_wait3A_735, %dma_wait3A_736] : memref<128x128xf32, #tpu.memory_space<vmem>> -> memref<104x128xf32, #tpu.memory_space<vmem>>
          %dma_wait3A_738 = tpu.memref_slice %arg6[%multiple_of3A, %multiple_of3A_734] : memref<1000x51200xf32, #tpu.memory_space<hbm>> -> memref<104x128xf32, #tpu.memory_space<hbm>>
          %dma_wait3A_739 = tpu.memref_slice %arg6[%multiple_of3A, %multiple_of3A_734] : memref<1000x51200xf32, #tpu.memory_space<hbm>> -> memref<104x128xf32, #tpu.memory_space<hbm>>
          %dma_wait3A_740 = arith.constant 0 : i32
          %dma_wait3A_741 = arith.constant 0 : i32
          %dma_wait3A_742 = tpu.memref_slice %arg16[%dma_wait3A_740, %dma_wait3A_741] : memref<128x128xf32, #tpu.memory_space<vmem>> -> memref<104x128xf32, #tpu.memory_space<vmem>>
          tpu.wait_dma2 semaphore(%arg22 : memref<!tpu.dma_semaphore, #tpu.memory_space<semaphore_mem>>) src(%dma_wait3A_742 : memref<104x128xf32, #tpu.memory_space<vmem>>) dst(%dma_wait3A_739 : memref<104x128xf32, #tpu.memory_space<hbm>>)
        } else {
        }
      } else {
      }
      %parallel_loop3A = arith.constant 0 : i32
      %parallel_loop3A_250 = arith.constant 8 : i32
      %parallel_loop3A_251 = arith.constant 1 : i32
      scf.for %parallel_loop3A_719 = %parallel_loop3A to %parallel_loop3A_250 step %parallel_loop3A_251  : i32 {
        %parallel_loop3A_720 = arith.constant 16 : i32
        %parallel_loop3A_721 = arith.muli %parallel_loop3A_719, %parallel_loop3A_720 : i32
        %parallel_loop3A_722 = vector.broadcast %parallel_loop3A_721 : i32 to vector<16xi32>
        %parallel_loop3A_723 = arith.addi %iota3A, %parallel_loop3A_722 : vector<16xi32>
        %parallel_loop3A_724 = arith.constant 0 : i32
        %parallel_loop3A_725 = arith.constant 8 : i32
        %parallel_loop3A_726 = arith.constant 1 : i32
        scf.for %parallel_loop3A_727 = %parallel_loop3A_724 to %parallel_loop3A_725 step %parallel_loop3A_726  : i32 {
          %parallel_loop3A_728 = arith.constant 16 : i32
          %parallel_loop3A_729 = arith.muli %parallel_loop3A_727, %parallel_loop3A_728 : i32
          %parallel_loop3A_730 = vector.broadcast %parallel_loop3A_729 : i32 to vector<16xi32>
          %parallel_loop3A_731 = arith.addi %and3A_117, %parallel_loop3A_730 : vector<16xi32>
          %parallel_loop3A_732 = tpu.vector_load_idx %arg14[%parallel_loop3A_723, %parallel_loop3A_731] : memref<128x128xf32, #tpu.memory_space<vmem>>[vector<16xi32>, vector<16xi32>], vector<16xf32>,
          tpu.vector_store_idx %arg16[%parallel_loop3A_731, %parallel_loop3A_723], %parallel_loop3A_732 : memref<128x128xf32, #tpu.memory_space<vmem>>[vector<16xi32>, vector<16xi32>], vector<16xf32>,
          %parallel_loop3A_733 = vector.broadcast %parallel_loop3A_729 : i32 to vector<16xi32>
          %parallel_loop3A_734 = arith.addi %and3A_123, %parallel_loop3A_733 : vector<16xi32>
          %parallel_loop3A_735 = tpu.vector_load_idx %arg14[%parallel_loop3A_723, %parallel_loop3A_734] : memref<128x128xf32, #tpu.memory_space<vmem>>[vector<16xi32>, vector<16xi32>], vector<16xf32>,
          tpu.vector_store_idx %arg16[%parallel_loop3A_734, %parallel_loop3A_723], %parallel_loop3A_735 : memref<128x128xf32, #tpu.memory_space<vmem>>[vector<16xi32>, vector<16xi32>], vector<16xf32>,
          %parallel_loop3A_736 = vector.broadcast %parallel_loop3A_729 : i32 to vector<16xi32>
          %parallel_loop3A_737 = arith.addi %and3A_129, %parallel_loop3A_736 : vector<16xi32>
          %parallel_loop3A_738 = tpu.vector_load_idx %arg14[%parallel_loop3A_723, %parallel_loop3A_737] : memref<128x128xf32, #tpu.memory_space<vmem>>[vector<16xi32>, vector<16xi32>], vector<16xf32>,
          tpu.vector_store_idx %arg16[%parallel_loop3A_737, %parallel_loop3A_723], %parallel_loop3A_738 : memref<128x128xf32, #tpu.memory_space<vmem>>[vector<16xi32>, vector<16xi32>], vector<16xf32>,
          %parallel_loop3A_739 = vector.broadcast %parallel_loop3A_729 : i32 to vector<16xi32>
          %parallel_loop3A_740 = arith.addi %and3A_135, %parallel_loop3A_739 : vector<16xi32>
          %parallel_loop3A_741 = tpu.vector_load_idx %arg14[%parallel_loop3A_723, %parallel_loop3A_740] : memref<128x128xf32, #tpu.memory_space<vmem>>[vector<16xi32>, vector<16xi32>], vector<16xf32>,
          tpu.vector_store_idx %arg16[%parallel_loop3A_740, %parallel_loop3A_723], %parallel_loop3A_741 : memref<128x128xf32, #tpu.memory_space<vmem>>[vector<16xi32>, vector<16xi32>], vector<16xf32>,
          %parallel_loop3A_742 = vector.broadcast %parallel_loop3A_729 : i32 to vector<16xi32>
          %parallel_loop3A_743 = arith.addi %and3A_141, %parallel_loop3A_742 : vector<16xi32>
          %parallel_loop3A_744 = tpu.vector_load_idx %arg14[%parallel_loop3A_723, %parallel_loop3A_743] : memref<128x128xf32, #tpu.memory_space<vmem>>[vector<16xi32>, vector<16xi32>], vector<16xf32>,
          tpu.vector_store_idx %arg16[%parallel_loop3A_743, %parallel_loop3A_723], %parallel_loop3A_744 : memref<128x128xf32, #tpu.memory_space<vmem>>[vector<16xi32>, vector<16xi32>], vector<16xf32>,
          %parallel_loop3A_745 = vector.broadcast %parallel_loop3A_729 : i32 to vector<16xi32>
          %parallel_loop3A_746 = arith.addi %and3A_147, %parallel_loop3A_745 : vector<16xi32>
          %parallel_loop3A_747 = tpu.vector_load_idx %arg14[%parallel_loop3A_723, %parallel_loop3A_746] : memref<128x128xf32, #tpu.memory_space<vmem>>[vector<16xi32>, vector<16xi32>], vector<16xf32>,
          tpu.vector_store_idx %arg16[%parallel_loop3A_746, %parallel_loop3A_723], %parallel_loop3A_747 : memref<128x128xf32, #tpu.memory_space<vmem>>[vector<16xi32>, vector<16xi32>], vector<16xf32>,
          %parallel_loop3A_748 = vector.broadcast %parallel_loop3A_729 : i32 to vector<16xi32>
          %parallel_loop3A_749 = arith.addi %and3A_153, %parallel_loop3A_748 : vector<16xi32>
          %parallel_loop3A_750 = tpu.vector_load_idx %arg14[%parallel_loop3A_723, %parallel_loop3A_749] : memref<128x128xf32, #tpu.memory_space<vmem>>[vector<16xi32>, vector<16xi32>], vector<16xf32>,
          tpu.vector_store_idx %arg16[%parallel_loop3A_749, %parallel_loop3A_723], %parallel_loop3A_750 : memref<128x128xf32, #tpu.memory_space<vmem>>[vector<16xi32>, vector<16xi32>], vector<16xf32>,
          %parallel_loop3A_751 = vector.broadcast %parallel_loop3A_729 : i32 to vector<16xi32>
          %parallel_loop3A_752 = arith.addi %and3A_159, %parallel_loop3A_751 : vector<16xi32>
          %parallel_loop3A_753 = tpu.vector_load_idx %arg14[%parallel_loop3A_723, %parallel_loop3A_752] : memref<128x128xf32, #tpu.memory_space<vmem>>[vector<16xi32>, vector<16xi32>], vector<16xf32>,
          tpu.vector_store_idx %arg16[%parallel_loop3A_752, %parallel_loop3A_723], %parallel_loop3A_753 : memref<128x128xf32, #tpu.memory_space<vmem>>[vector<16xi32>, vector<16xi32>], vector<16xf32>,
          %parallel_loop3A_754 = vector.broadcast %parallel_loop3A_729 : i32 to vector<16xi32>
          %parallel_loop3A_755 = arith.addi %and3A_165, %parallel_loop3A_754 : vector<16xi32>
          %parallel_loop3A_756 = tpu.vector_load_idx %arg14[%parallel_loop3A_723, %parallel_loop3A_755] : memref<128x128xf32, #tpu.memory_space<vmem>>[vector<16xi32>, vector<16xi32>], vector<16xf32>,
          tpu.vector_store_idx %arg16[%parallel_loop3A_755, %parallel_loop3A_723], %parallel_loop3A_756 : memref<128x128xf32, #tpu.memory_space<vmem>>[vector<16xi32>, vector<16xi32>], vector<16xf32>,
          %parallel_loop3A_757 = vector.broadcast %parallel_loop3A_729 : i32 to vector<16xi32>
          %parallel_loop3A_758 = arith.addi %and3A_171, %parallel_loop3A_757 : vector<16xi32>
          %parallel_loop3A_759 = tpu.vector_load_idx %arg14[%parallel_loop3A_723, %parallel_loop3A_758] : memref<128x128xf32, #tpu.memory_space<vmem>>[vector<16xi32>, vector<16xi32>], vector<16xf32>,
          tpu.vector_store_idx %arg16[%parallel_loop3A_758, %parallel_loop3A_723], %parallel_loop3A_759 : memref<128x128xf32, #tpu.memory_space<vmem>>[vector<16xi32>, vector<16xi32>], vector<16xf32>,
          %parallel_loop3A_760 = vector.broadcast %parallel_loop3A_729 : i32 to vector<16xi32>
          %parallel_loop3A_761 = arith.addi %and3A_177, %parallel_loop3A_760 : vector<16xi32>
          %parallel_loop3A_762 = tpu.vector_load_idx %arg14[%parallel_loop3A_723, %parallel_loop3A_761] : memref<128x128xf32, #tpu.memory_space<vmem>>[vector<16xi32>, vector<16xi32>], vector<16xf32>,
          tpu.vector_store_idx %arg16[%parallel_loop3A_761, %parallel_loop3A_723], %parallel_loop3A_762 : memref<128x128xf32, #tpu.memory_space<vmem>>[vector<16xi32>, vector<16xi32>], vector<16xf32>,
          %parallel_loop3A_763 = vector.broadcast %parallel_loop3A_729 : i32 to vector<16xi32>
          %parallel_loop3A_764 = arith.addi %and3A_183, %parallel_loop3A_763 : vector<16xi32>
          %parallel_loop3A_765 = tpu.vector_load_idx %arg14[%parallel_loop3A_723, %parallel_loop3A_764] : memref<128x128xf32, #tpu.memory_space<vmem>>[vector<16xi32>, vector<16xi32>], vector<16xf32>,
          tpu.vector_store_idx %arg16[%parallel_loop3A_764, %parallel_loop3A_723], %parallel_loop3A_765 : memref<128x128xf32, #tpu.memory_space<vmem>>[vector<16xi32>, vector<16xi32>], vector<16xf32>,
          %parallel_loop3A_766 = vector.broadcast %parallel_loop3A_729 : i32 to vector<16xi32>
          %parallel_loop3A_767 = arith.addi %and3A_189, %parallel_loop3A_766 : vector<16xi32>
          %parallel_loop3A_768 = tpu.vector_load_idx %arg14[%parallel_loop3A_723, %parallel_loop3A_767] : memref<128x128xf32, #tpu.memory_space<vmem>>[vector<16xi32>, vector<16xi32>], vector<16xf32>,
          tpu.vector_store_idx %arg16[%parallel_loop3A_767, %parallel_loop3A_723], %parallel_loop3A_768 : memref<128x128xf32, #tpu.memory_space<vmem>>[vector<16xi32>, vector<16xi32>], vector<16xf32>,
          %parallel_loop3A_769 = vector.broadcast %parallel_loop3A_729 : i32 to vector<16xi32>
          %parallel_loop3A_770 = arith.addi %and3A_195, %parallel_loop3A_769 : vector<16xi32>
          %parallel_loop3A_771 = tpu.vector_load_idx %arg14[%parallel_loop3A_723, %parallel_loop3A_770] : memref<128x128xf32, #tpu.memory_space<vmem>>[vector<16xi32>, vector<16xi32>], vector<16xf32>,
          tpu.vector_store_idx %arg16[%parallel_loop3A_770, %parallel_loop3A_723], %parallel_loop3A_771 : memref<128x128xf32, #tpu.memory_space<vmem>>[vector<16xi32>, vector<16xi32>], vector<16xf32>,
          %parallel_loop3A_772 = vector.broadcast %parallel_loop3A_729 : i32 to vector<16xi32>
          %parallel_loop3A_773 = arith.addi %and3A_201, %parallel_loop3A_772 : vector<16xi32>
          %parallel_loop3A_774 = tpu.vector_load_idx %arg14[%parallel_loop3A_723, %parallel_loop3A_773] : memref<128x128xf32, #tpu.memory_space<vmem>>[vector<16xi32>, vector<16xi32>], vector<16xf32>,
          tpu.vector_store_idx %arg16[%parallel_loop3A_773, %parallel_loop3A_723], %parallel_loop3A_774 : memref<128x128xf32, #tpu.memory_space<vmem>>[vector<16xi32>, vector<16xi32>], vector<16xf32>,
          %parallel_loop3A_775 = vector.broadcast %parallel_loop3A_729 : i32 to vector<16xi32>
          %parallel_loop3A_776 = arith.addi %and3A_207, %parallel_loop3A_775 : vector<16xi32>
          %parallel_loop3A_777 = tpu.vector_load_idx %arg14[%parallel_loop3A_723, %parallel_loop3A_776] : memref<128x128xf32, #tpu.memory_space<vmem>>[vector<16xi32>, vector<16xi32>], vector<16xf32>,
          tpu.vector_store_idx %arg16[%parallel_loop3A_776, %parallel_loop3A_723], %parallel_loop3A_777 : memref<128x128xf32, #tpu.memory_space<vmem>>[vector<16xi32>, vector<16xi32>], vector<16xf32>,
        } {sc.loop_unroll_factor = 4 : i64, sc.parallel_access}
      } {sc.loop_unroll_factor = 2 : i64, sc.parallel_access}
      %get3A_252 = arith.constant 0 : index
      %get3A_253 = tpu.vector_load %arg8[%get3A_252] {strides = array<i32>} : memref<128xi32, #tpu.memory_space<vmem>>, vector<16xi32>,
      %get3A_254 = arith.constant 0 : index
      %get3A_255 = tpu.vector_load %arg10[%get3A_254] {strides = array<i32>} : memref<128xi32, #tpu.memory_space<vmem>>, vector<16xi32>,
      %gather3A = tpu.vector_load_idx %arg18[%get3A_253] : memref<1000xf32, #tpu.memory_space<vmem>>[vector<16xi32>], vector<16xf32>,
      %sub3A_256 = vector.broadcast %multiple_of3A : i32 to vector<16xi32>
      %sub3A_257 = arith.subi %get3A_255, %sub3A_256 : vector<16xi32>
      %ge3A_258 = arith.constant 0 : i32
      %ge3A_259 = vector.broadcast %ge3A_258 : i32 to vector<16xi32>
      %ge3A_260 = arith.cmpi sge, %sub3A_257, %ge3A_259 : vector<16xi32>
      %lt3A_261 = vector.broadcast %select_n3A_37 : i32 to vector<16xi32>
      %lt3A_262 = arith.cmpi slt, %sub3A_257, %lt3A_261 : vector<16xi32>
      %and3A_263 = arith.andi %ge3A_260, %lt3A_262 : vector<16xi1>
      %and3A_264 = arith.constant 127 : i32
      %and3A_265 = vector.broadcast %and3A_264 : i32 to vector<16xi32>
      %and3A_266 = arith.andi %sub3A_257, %and3A_265 : vector<16xi32>
      %iota3A_267 = tpu.iota {dimensions = array<i32: 0>} : vector<16xi32>
      %add3A_268 = arith.constant 0 : i32
      %add3A_269 = vector.broadcast %add3A_268 : i32 to vector<16xi32>
      %add3A_270 = arith.addi %iota3A_267, %add3A_269 : vector<16xi32>
      %gather3A_271 = tpu.vector_load_idx %arg14[%add3A_270, %and3A_266] : memref<128x128xf32, #tpu.memory_space<vmem>>[vector<16xi32>, vector<16xi32>], vector<16xf32>,
      %sub3A_272 = arith.subf %gather3A, %gather3A_271 : vector<16xf32>
      %jit3A_273 = arith.constant 0.000000e+00 : f32
      %broadcast_in_dim3A_274 = vector.broadcast %jit3A_273 : f32 to vector<16xf32>
      %select_n3A_275 = arith.select %and3A_263, %sub3A_272, %broadcast_in_dim3A_274 : vector<16xi1>, vector<16xf32>
      %add3A_276 = arith.addf %scan3A_232, %select_n3A_275 : vector<16xf32>
      %get3A_277 = arith.constant 16 : index
      %get3A_278 = tpu.vector_load %arg8[%get3A_277] {strides = array<i32>} : memref<128xi32, #tpu.memory_space<vmem>>, vector<16xi32>,
      %get3A_279 = arith.constant 16 : index
      %get3A_280 = tpu.vector_load %arg10[%get3A_279] {strides = array<i32>} : memref<128xi32, #tpu.memory_space<vmem>>, vector<16xi32>,
      %gather3A_281 = tpu.vector_load_idx %arg18[%get3A_278] : memref<1000xf32, #tpu.memory_space<vmem>>[vector<16xi32>], vector<16xf32>,
      %sub3A_282 = vector.broadcast %multiple_of3A : i32 to vector<16xi32>
      %sub3A_283 = arith.subi %get3A_280, %sub3A_282 : vector<16xi32>
      %ge3A_284 = arith.constant 0 : i32
      %ge3A_285 = vector.broadcast %ge3A_284 : i32 to vector<16xi32>
      %ge3A_286 = arith.cmpi sge, %sub3A_283, %ge3A_285 : vector<16xi32>
      %lt3A_287 = vector.broadcast %select_n3A_37 : i32 to vector<16xi32>
      %lt3A_288 = arith.cmpi slt, %sub3A_283, %lt3A_287 : vector<16xi32>
      %and3A_289 = arith.andi %ge3A_286, %lt3A_288 : vector<16xi1>
      %and3A_290 = arith.constant 127 : i32
      %and3A_291 = vector.broadcast %and3A_290 : i32 to vector<16xi32>
      %and3A_292 = arith.andi %sub3A_283, %and3A_291 : vector<16xi32>
      %iota3A_293 = tpu.iota {dimensions = array<i32: 0>} : vector<16xi32>
      %add3A_294 = arith.constant 16 : i32
      %add3A_295 = vector.broadcast %add3A_294 : i32 to vector<16xi32>
      %add3A_296 = arith.addi %iota3A_293, %add3A_295 : vector<16xi32>
      %gather3A_297 = tpu.vector_load_idx %arg14[%add3A_296, %and3A_292] : memref<128x128xf32, #tpu.memory_space<vmem>>[vector<16xi32>, vector<16xi32>], vector<16xf32>,
      %sub3A_298 = arith.subf %gather3A_281, %gather3A_297 : vector<16xf32>
      %jit3A_299 = arith.constant 0.000000e+00 : f32
      %broadcast_in_dim3A_300 = vector.broadcast %jit3A_299 : f32 to vector<16xf32>
      %select_n3A_301 = arith.select %and3A_289, %sub3A_298, %broadcast_in_dim3A_300 : vector<16xi1>, vector<16xf32>
      %add3A_302 = arith.addf %add3A_276, %select_n3A_301 : vector<16xf32>
      %get3A_303 = arith.constant 32 : index
      %get3A_304 = tpu.vector_load %arg8[%get3A_303] {strides = array<i32>} : memref<128xi32, #tpu.memory_space<vmem>>, vector<16xi32>,
      %get3A_305 = arith.constant 32 : index
      %get3A_306 = tpu.vector_load %arg10[%get3A_305] {strides = array<i32>} : memref<128xi32, #tpu.memory_space<vmem>>, vector<16xi32>,
      %gather3A_307 = tpu.vector_load_idx %arg18[%get3A_304] : memref<1000xf32, #tpu.memory_space<vmem>>[vector<16xi32>], vector<16xf32>,
      %sub3A_308 = vector.broadcast %multiple_of3A : i32 to vector<16xi32>
      %sub3A_309 = arith.subi %get3A_306, %sub3A_308 : vector<16xi32>
      %ge3A_310 = arith.constant 0 : i32
      %ge3A_311 = vector.broadcast %ge3A_310 : i32 to vector<16xi32>
      %ge3A_312 = arith.cmpi sge, %sub3A_309, %ge3A_311 : vector<16xi32>
      %lt3A_313 = vector.broadcast %select_n3A_37 : i32 to vector<16xi32>
      %lt3A_314 = arith.cmpi slt, %sub3A_309, %lt3A_313 : vector<16xi32>
      %and3A_315 = arith.andi %ge3A_312, %lt3A_314 : vector<16xi1>
      %and3A_316 = arith.constant 127 : i32
      %and3A_317 = vector.broadcast %and3A_316 : i32 to vector<16xi32>
      %and3A_318 = arith.andi %sub3A_309, %and3A_317 : vector<16xi32>
      %iota3A_319 = tpu.iota {dimensions = array<i32: 0>} : vector<16xi32>
      %add3A_320 = arith.constant 32 : i32
      %add3A_321 = vector.broadcast %add3A_320 : i32 to vector<16xi32>
      %add3A_322 = arith.addi %iota3A_319, %add3A_321 : vector<16xi32>
      %gather3A_323 = tpu.vector_load_idx %arg14[%add3A_322, %and3A_318] : memref<128x128xf32, #tpu.memory_space<vmem>>[vector<16xi32>, vector<16xi32>], vector<16xf32>,
      %sub3A_324 = arith.subf %gather3A_307, %gather3A_323 : vector<16xf32>
      %jit3A_325 = arith.constant 0.000000e+00 : f32
      %broadcast_in_dim3A_326 = vector.broadcast %jit3A_325 : f32 to vector<16xf32>
      %select_n3A_327 = arith.select %and3A_315, %sub3A_324, %broadcast_in_dim3A_326 : vector<16xi1>, vector<16xf32>
      %add3A_328 = arith.addf %add3A_302, %select_n3A_327 : vector<16xf32>
      %get3A_329 = arith.constant 48 : index
      %get3A_330 = tpu.vector_load %arg8[%get3A_329] {strides = array<i32>} : memref<128xi32, #tpu.memory_space<vmem>>, vector<16xi32>,
      %get3A_331 = arith.constant 48 : index
      %get3A_332 = tpu.vector_load %arg10[%get3A_331] {strides = array<i32>} : memref<128xi32, #tpu.memory_space<vmem>>, vector<16xi32>,
      %gather3A_333 = tpu.vector_load_idx %arg18[%get3A_330] : memref<1000xf32, #tpu.memory_space<vmem>>[vector<16xi32>], vector<16xf32>,
      %sub3A_334 = vector.broadcast %multiple_of3A : i32 to vector<16xi32>
      %sub3A_335 = arith.subi %get3A_332, %sub3A_334 : vector<16xi32>
      %ge3A_336 = arith.constant 0 : i32
      %ge3A_337 = vector.broadcast %ge3A_336 : i32 to vector<16xi32>
      %ge3A_338 = arith.cmpi sge, %sub3A_335, %ge3A_337 : vector<16xi32>
      %lt3A_339 = vector.broadcast %select_n3A_37 : i32 to vector<16xi32>
      %lt3A_340 = arith.cmpi slt, %sub3A_335, %lt3A_339 : vector<16xi32>
      %and3A_341 = arith.andi %ge3A_338, %lt3A_340 : vector<16xi1>
      %and3A_342 = arith.constant 127 : i32
      %and3A_343 = vector.broadcast %and3A_342 : i32 to vector<16xi32>
      %and3A_344 = arith.andi %sub3A_335, %and3A_343 : vector<16xi32>
      %iota3A_345 = tpu.iota {dimensions = array<i32: 0>} : vector<16xi32>
      %add3A_346 = arith.constant 48 : i32
      %add3A_347 = vector.broadcast %add3A_346 : i32 to vector<16xi32>
      %add3A_348 = arith.addi %iota3A_345, %add3A_347 : vector<16xi32>
      %gather3A_349 = tpu.vector_load_idx %arg14[%add3A_348, %and3A_344] : memref<128x128xf32, #tpu.memory_space<vmem>>[vector<16xi32>, vector<16xi32>], vector<16xf32>,
      %sub3A_350 = arith.subf %gather3A_333, %gather3A_349 : vector<16xf32>
      %jit3A_351 = arith.constant 0.000000e+00 : f32
      %broadcast_in_dim3A_352 = vector.broadcast %jit3A_351 : f32 to vector<16xf32>
      %select_n3A_353 = arith.select %and3A_341, %sub3A_350, %broadcast_in_dim3A_352 : vector<16xi1>, vector<16xf32>
      %add3A_354 = arith.addf %add3A_328, %select_n3A_353 : vector<16xf32>
      %get3A_355 = arith.constant 64 : index
      %get3A_356 = tpu.vector_load %arg8[%get3A_355] {strides = array<i32>} : memref<128xi32, #tpu.memory_space<vmem>>, vector<16xi32>,
      %get3A_357 = arith.constant 64 : index
      %get3A_358 = tpu.vector_load %arg10[%get3A_357] {strides = array<i32>} : memref<128xi32, #tpu.memory_space<vmem>>, vector<16xi32>,
      %gather3A_359 = tpu.vector_load_idx %arg18[%get3A_356] : memref<1000xf32, #tpu.memory_space<vmem>>[vector<16xi32>], vector<16xf32>,
      %sub3A_360 = vector.broadcast %multiple_of3A : i32 to vector<16xi32>
      %sub3A_361 = arith.subi %get3A_358, %sub3A_360 : vector<16xi32>
      %ge3A_362 = arith.constant 0 : i32
      %ge3A_363 = vector.broadcast %ge3A_362 : i32 to vector<16xi32>
      %ge3A_364 = arith.cmpi sge, %sub3A_361, %ge3A_363 : vector<16xi32>
      %lt3A_365 = vector.broadcast %select_n3A_37 : i32 to vector<16xi32>
      %lt3A_366 = arith.cmpi slt, %sub3A_361, %lt3A_365 : vector<16xi32>
      %and3A_367 = arith.andi %ge3A_364, %lt3A_366 : vector<16xi1>
      %and3A_368 = arith.constant 127 : i32
      %and3A_369 = vector.broadcast %and3A_368 : i32 to vector<16xi32>
      %and3A_370 = arith.andi %sub3A_361, %and3A_369 : vector<16xi32>
      %iota3A_371 = tpu.iota {dimensions = array<i32: 0>} : vector<16xi32>
      %add3A_372 = arith.constant 64 : i32
      %add3A_373 = vector.broadcast %add3A_372 : i32 to vector<16xi32>
      %add3A_374 = arith.addi %iota3A_371, %add3A_373 : vector<16xi32>
      %gather3A_375 = tpu.vector_load_idx %arg14[%add3A_374, %and3A_370] : memref<128x128xf32, #tpu.memory_space<vmem>>[vector<16xi32>, vector<16xi32>], vector<16xf32>,
      %sub3A_376 = arith.subf %gather3A_359, %gather3A_375 : vector<16xf32>
      %jit3A_377 = arith.constant 0.000000e+00 : f32
      %broadcast_in_dim3A_378 = vector.broadcast %jit3A_377 : f32 to vector<16xf32>
      %select_n3A_379 = arith.select %and3A_367, %sub3A_376, %broadcast_in_dim3A_378 : vector<16xi1>, vector<16xf32>
      %add3A_380 = arith.addf %add3A_354, %select_n3A_379 : vector<16xf32>
      %get3A_381 = arith.constant 80 : index
      %get3A_382 = tpu.vector_load %arg8[%get3A_381] {strides = array<i32>} : memref<128xi32, #tpu.memory_space<vmem>>, vector<16xi32>,
      %get3A_383 = arith.constant 80 : index
      %get3A_384 = tpu.vector_load %arg10[%get3A_383] {strides = array<i32>} : memref<128xi32, #tpu.memory_space<vmem>>, vector<16xi32>,
      %gather3A_385 = tpu.vector_load_idx %arg18[%get3A_382] : memref<1000xf32, #tpu.memory_space<vmem>>[vector<16xi32>], vector<16xf32>,
      %sub3A_386 = vector.broadcast %multiple_of3A : i32 to vector<16xi32>
      %sub3A_387 = arith.subi %get3A_384, %sub3A_386 : vector<16xi32>
      %ge3A_388 = arith.constant 0 : i32
      %ge3A_389 = vector.broadcast %ge3A_388 : i32 to vector<16xi32>
      %ge3A_390 = arith.cmpi sge, %sub3A_387, %ge3A_389 : vector<16xi32>
      %lt3A_391 = vector.broadcast %select_n3A_37 : i32 to vector<16xi32>
      %lt3A_392 = arith.cmpi slt, %sub3A_387, %lt3A_391 : vector<16xi32>
      %and3A_393 = arith.andi %ge3A_390, %lt3A_392 : vector<16xi1>
      %and3A_394 = arith.constant 127 : i32
      %and3A_395 = vector.broadcast %and3A_394 : i32 to vector<16xi32>
      %and3A_396 = arith.andi %sub3A_387, %and3A_395 : vector<16xi32>
      %iota3A_397 = tpu.iota {dimensions = array<i32: 0>} : vector<16xi32>
      %add3A_398 = arith.constant 80 : i32
      %add3A_399 = vector.broadcast %add3A_398 : i32 to vector<16xi32>
      %add3A_400 = arith.addi %iota3A_397, %add3A_399 : vector<16xi32>
      %gather3A_401 = tpu.vector_load_idx %arg14[%add3A_400, %and3A_396] : memref<128x128xf32, #tpu.memory_space<vmem>>[vector<16xi32>, vector<16xi32>], vector<16xf32>,
      %sub3A_402 = arith.subf %gather3A_385, %gather3A_401 : vector<16xf32>
      %jit3A_403 = arith.constant 0.000000e+00 : f32
      %broadcast_in_dim3A_404 = vector.broadcast %jit3A_403 : f32 to vector<16xf32>
      %select_n3A_405 = arith.select %and3A_393, %sub3A_402, %broadcast_in_dim3A_404 : vector<16xi1>, vector<16xf32>
      %add3A_406 = arith.addf %add3A_380, %select_n3A_405 : vector<16xf32>
      %get3A_407 = arith.constant 96 : index
      %get3A_408 = tpu.vector_load %arg8[%get3A_407] {strides = array<i32>} : memref<128xi32, #tpu.memory_space<vmem>>, vector<16xi32>,
      %get3A_409 = arith.constant 96 : index
      %get3A_410 = tpu.vector_load %arg10[%get3A_409] {strides = array<i32>} : memref<128xi32, #tpu.memory_space<vmem>>, vector<16xi32>,
      %gather3A_411 = tpu.vector_load_idx %arg18[%get3A_408] : memref<1000xf32, #tpu.memory_space<vmem>>[vector<16xi32>], vector<16xf32>,
      %sub3A_412 = vector.broadcast %multiple_of3A : i32 to vector<16xi32>
      %sub3A_413 = arith.subi %get3A_410, %sub3A_412 : vector<16xi32>
      %ge3A_414 = arith.constant 0 : i32
      %ge3A_415 = vector.broadcast %ge3A_414 : i32 to vector<16xi32>
      %ge3A_416 = arith.cmpi sge, %sub3A_413, %ge3A_415 : vector<16xi32>
      %lt3A_417 = vector.broadcast %select_n3A_37 : i32 to vector<16xi32>
      %lt3A_418 = arith.cmpi slt, %sub3A_413, %lt3A_417 : vector<16xi32>
      %and3A_419 = arith.andi %ge3A_416, %lt3A_418 : vector<16xi1>
      %and3A_420 = arith.constant 127 : i32
      %and3A_421 = vector.broadcast %and3A_420 : i32 to vector<16xi32>
      %and3A_422 = arith.andi %sub3A_413, %and3A_421 : vector<16xi32>
      %iota3A_423 = tpu.iota {dimensions = array<i32: 0>} : vector<16xi32>
      %add3A_424 = arith.constant 96 : i32
      %add3A_425 = vector.broadcast %add3A_424 : i32 to vector<16xi32>
      %add3A_426 = arith.addi %iota3A_423, %add3A_425 : vector<16xi32>
      %gather3A_427 = tpu.vector_load_idx %arg14[%add3A_426, %and3A_422] : memref<128x128xf32, #tpu.memory_space<vmem>>[vector<16xi32>, vector<16xi32>], vector<16xf32>,
      %sub3A_428 = arith.subf %gather3A_411, %gather3A_427 : vector<16xf32>
      %jit3A_429 = arith.constant 0.000000e+00 : f32
      %broadcast_in_dim3A_430 = vector.broadcast %jit3A_429 : f32 to vector<16xf32>
      %select_n3A_431 = arith.select %and3A_419, %sub3A_428, %broadcast_in_dim3A_430 : vector<16xi1>, vector<16xf32>
      %add3A_432 = arith.addf %add3A_406, %select_n3A_431 : vector<16xf32>
      %get3A_433 = arith.constant 112 : index
      %get3A_434 = tpu.vector_load %arg8[%get3A_433] {strides = array<i32>} : memref<128xi32, #tpu.memory_space<vmem>>, vector<16xi32>,
      %get3A_435 = arith.constant 112 : index
      %get3A_436 = tpu.vector_load %arg10[%get3A_435] {strides = array<i32>} : memref<128xi32, #tpu.memory_space<vmem>>, vector<16xi32>,
      %gather3A_437 = tpu.vector_load_idx %arg18[%get3A_434] : memref<1000xf32, #tpu.memory_space<vmem>>[vector<16xi32>], vector<16xf32>,
      %sub3A_438 = vector.broadcast %multiple_of3A : i32 to vector<16xi32>
      %sub3A_439 = arith.subi %get3A_436, %sub3A_438 : vector<16xi32>
      %ge3A_440 = arith.constant 0 : i32
      %ge3A_441 = vector.broadcast %ge3A_440 : i32 to vector<16xi32>
      %ge3A_442 = arith.cmpi sge, %sub3A_439, %ge3A_441 : vector<16xi32>
      %lt3A_443 = vector.broadcast %select_n3A_37 : i32 to vector<16xi32>
      %lt3A_444 = arith.cmpi slt, %sub3A_439, %lt3A_443 : vector<16xi32>
      %and3A_445 = arith.andi %ge3A_442, %lt3A_444 : vector<16xi1>
      %and3A_446 = arith.constant 127 : i32
      %and3A_447 = vector.broadcast %and3A_446 : i32 to vector<16xi32>
      %and3A_448 = arith.andi %sub3A_439, %and3A_447 : vector<16xi32>
      %iota3A_449 = tpu.iota {dimensions = array<i32: 0>} : vector<16xi32>
      %add3A_450 = arith.constant 112 : i32
      %add3A_451 = vector.broadcast %add3A_450 : i32 to vector<16xi32>
      %add3A_452 = arith.addi %iota3A_449, %add3A_451 : vector<16xi32>
      %gather3A_453 = tpu.vector_load_idx %arg14[%add3A_452, %and3A_448] : memref<128x128xf32, #tpu.memory_space<vmem>>[vector<16xi32>, vector<16xi32>], vector<16xf32>,
      %sub3A_454 = arith.subf %gather3A_437, %gather3A_453 : vector<16xf32>
      %jit3A_455 = arith.constant 0.000000e+00 : f32
      %broadcast_in_dim3A_456 = vector.broadcast %jit3A_455 : f32 to vector<16xf32>
      %select_n3A_457 = arith.select %and3A_445, %sub3A_454, %broadcast_in_dim3A_456 : vector<16xi1>, vector<16xf32>
      %add3A_458 = arith.addf %add3A_432, %select_n3A_457 : vector<16xf32>
      %not3A_459 = arith.constant true
      %not3A_460 = arith.xori %eq3A_34, %not3A_459 : i1
      %convert_element_type3A_461 = arith.extui %not3A_460 : i1 to i32
      %cond3A_462 = arith.constant 0 : i32
      %cond3A_463 = arith.cmpi ne, %convert_element_type3A_461, %cond3A_462 : i32
      scf.if %cond3A_463 {
        %mul3A_719 = arith.constant 4 : i32
        %mul3A_720 = arith.muli %mul3A_719, %add3A_236 : i32
        %add3A_721 = arith.addi %select_n3A_30, %mul3A_720 : i32
        %mul3A_722 = arith.constant 128 : i32
        %mul3A_723 = arith.muli %add3A_721, %mul3A_722 : i32
        %multiple_of3A_724 = tpu.assume_multiple %mul3A_723, 128 : i32
        %dma_start3A_725 = arith.constant 0 : i32
        %dma_start3A_726 = arith.constant 0 : i32
        %dma_start3A_727 = tpu.memref_slice %arg16[%dma_start3A_725, %dma_start3A_726] : memref<128x128xf32, #tpu.memory_space<vmem>> -> memref<128x128xf32, #tpu.memory_space<vmem>>
        %dma_start3A_728 = tpu.memref_slice %arg6[%multiple_of3A, %multiple_of3A_724] : memref<1000x51200xf32, #tpu.memory_space<hbm>> -> memref<128x128xf32, #tpu.memory_space<hbm>>
        %dma_start3A_729 = tpu.memref_slice %arg6[%multiple_of3A, %multiple_of3A_724] : memref<1000x51200xf32, #tpu.memory_space<hbm>> -> memref<128x128xf32, #tpu.memory_space<hbm>>
        %dma_start3A_730 = arith.constant 0 : i32
        %dma_start3A_731 = arith.constant 0 : i32
        %dma_start3A_732 = tpu.memref_slice %arg16[%dma_start3A_730, %dma_start3A_731] : memref<128x128xf32, #tpu.memory_space<vmem>> -> memref<128x128xf32, #tpu.memory_space<vmem>>
        tpu.enqueue_dma source(%dma_start3A_732 : memref<128x128xf32, #tpu.memory_space<vmem>>) target(%dma_start3A_729 : memref<128x128xf32, #tpu.memory_space<hbm>>) target_semaphore(%arg22 : memref<!tpu.dma_semaphore, #tpu.memory_space<semaphore_mem>>)
      } else {
      }
      %convert_element_type3A_464 = arith.extui %eq3A_34 : i1 to i32
      %cond3A_465 = arith.constant 0 : i32
      %cond3A_466 = arith.cmpi ne, %convert_element_type3A_464, %cond3A_465 : i32
      scf.if %cond3A_466 {
        %mul3A_719 = arith.constant 4 : i32
        %mul3A_720 = arith.muli %mul3A_719, %add3A_236 : i32
        %add3A_721 = arith.addi %select_n3A_30, %mul3A_720 : i32
        %mul3A_722 = arith.constant 128 : i32
        %mul3A_723 = arith.muli %add3A_721, %mul3A_722 : i32
        %multiple_of3A_724 = tpu.assume_multiple %mul3A_723, 128 : i32
        %dma_start3A_725 = arith.constant 0 : i32
        %dma_start3A_726 = arith.constant 0 : i32
        %dma_start3A_727 = tpu.memref_slice %arg16[%dma_start3A_725, %dma_start3A_726] : memref<128x128xf32, #tpu.memory_space<vmem>> -> memref<104x128xf32, #tpu.memory_space<vmem>>
        %dma_start3A_728 = tpu.memref_slice %arg6[%multiple_of3A, %multiple_of3A_724] : memref<1000x51200xf32, #tpu.memory_space<hbm>> -> memref<104x128xf32, #tpu.memory_space<hbm>>
        %dma_start3A_729 = tpu.memref_slice %arg6[%multiple_of3A, %multiple_of3A_724] : memref<1000x51200xf32, #tpu.memory_space<hbm>> -> memref<104x128xf32, #tpu.memory_space<hbm>>
        %dma_start3A_730 = arith.constant 0 : i32
        %dma_start3A_731 = arith.constant 0 : i32
        %dma_start3A_732 = tpu.memref_slice %arg16[%dma_start3A_730, %dma_start3A_731] : memref<128x128xf32, #tpu.memory_space<vmem>> -> memref<104x128xf32, #tpu.memory_space<vmem>>
        tpu.enqueue_dma source(%dma_start3A_732 : memref<104x128xf32, #tpu.memory_space<vmem>>) target(%dma_start3A_729 : memref<104x128xf32, #tpu.memory_space<hbm>>) target_semaphore(%arg22 : memref<!tpu.dma_semaphore, #tpu.memory_space<semaphore_mem>>)
      } else {
      }
      %add3A_467 = arith.constant 2 : i32
      %add3A_468 = arith.addi %add3A_236, %add3A_467 : i32
      %lt3A_469 = arith.constant 100 : i32
      %lt3A_470 = arith.cmpi slt, %add3A_468, %lt3A_469 : i32
      %convert_element_type3A_471 = arith.extui %lt3A_470 : i1 to i32
      %cond3A_472 = arith.constant 0 : i32
      %cond3A_473 = arith.cmpi ne, %convert_element_type3A_471, %cond3A_472 : i32
      scf.if %cond3A_473 {
        %add3A_719 = arith.constant 2 : i32
        %add3A_720 = arith.addi %add3A_236, %add3A_719 : i32
        %mul3A_721 = arith.constant 4 : i32
        %mul3A_722 = arith.muli %mul3A_721, %add3A_720 : i32
        %add3A_723 = arith.addi %select_n3A_30, %mul3A_722 : i32
        %mul3A_724 = arith.constant 128 : i32
        %mul3A_725 = arith.muli %add3A_723, %mul3A_724 : i32
        %multiple_of3A_726 = tpu.assume_multiple %mul3A_725, 128 : i32
        %dma_start3A_727 = tpu.memref_slice %arg3[%multiple_of3A_726] : memref<51200xi32, #tpu.memory_space<hbm>> -> memref<128xi32, #tpu.memory_space<hbm>>
        %dma_start3A_728 = tpu.memref_slice %arg3[%multiple_of3A_726] : memref<51200xi32, #tpu.memory_space<hbm>> -> memref<128xi32, #tpu.memory_space<hbm>>
        tpu.enqueue_dma source(%dma_start3A_728 : memref<128xi32, #tpu.memory_space<hbm>>) target(%arg8 : memref<128xi32, #tpu.memory_space<vmem>>) target_semaphore(%arg24 : memref<!tpu.dma_semaphore, #tpu.memory_space<semaphore_mem>>)
        %mul3A_729 = arith.constant 4 : i32
        %mul3A_730 = arith.muli %mul3A_729, %add3A_720 : i32
        %add3A_731 = arith.addi %select_n3A_30, %mul3A_730 : i32
        %mul3A_732 = arith.constant 128 : i32
        %mul3A_733 = arith.muli %add3A_731, %mul3A_732 : i32
        %multiple_of3A_734 = tpu.assume_multiple %mul3A_733, 128 : i32
        %dma_start3A_735 = tpu.memref_slice %arg4[%multiple_of3A_734] : memref<51200xi32, #tpu.memory_space<hbm>> -> memref<128xi32, #tpu.memory_space<hbm>>
        %dma_start3A_736 = tpu.memref_slice %arg4[%multiple_of3A_734] : memref<51200xi32, #tpu.memory_space<hbm>> -> memref<128xi32, #tpu.memory_space<hbm>>
        tpu.enqueue_dma source(%dma_start3A_736 : memref<128xi32, #tpu.memory_space<hbm>>) target(%arg10 : memref<128xi32, #tpu.memory_space<vmem>>) target_semaphore(%arg24 : memref<!tpu.dma_semaphore, #tpu.memory_space<semaphore_mem>>)
      } else {
      }
      %mul3A_474 = arith.constant 2 : i32
      %mul3A_475 = arith.muli %scan3A_231, %mul3A_474 : i32
      %add3A_476 = arith.constant 1 : i32
      %add3A_477 = arith.addi %mul3A_475, %add3A_476 : i32
      %dma_wait3A_478 = arith.constant 0 : i32
      %dma_wait3A_479 = arith.constant 0 : i32
      %dma_wait3A_480 = tpu.memref_slice %arg2[%dma_wait3A_478, %dma_wait3A_479] : memref<8000x128xf32, #tpu.memory_space<hbm>> -> memref<8000x128xf32, #tpu.memory_space<hbm>>
      tpu.wait_indirect_dma semaphore(%arg21 : memref<!tpu.dma_semaphore, #tpu.memory_space<semaphore_mem>>) src(%dma_wait3A_480 : memref<8000x128xf32, #tpu.memory_space<hbm>>) dst(%arg15 : memref<128x128xf32, #tpu.memory_space<vmem>>)
      %add3A_481 = arith.constant 1 : i32
      %add3A_482 = arith.addi %add3A_477, %add3A_481 : i32
      %lt3A_483 = arith.constant 100 : i32
      %lt3A_484 = arith.cmpi slt, %add3A_482, %lt3A_483 : i32
      %convert_element_type3A_485 = arith.extui %lt3A_484 : i1 to i32
      %cond3A_486 = arith.constant 0 : i32
      %cond3A_487 = arith.cmpi ne, %convert_element_type3A_485, %cond3A_486 : i32
      scf.if %cond3A_487 {
        %add3A_719 = arith.constant 1 : i32
        %add3A_720 = arith.addi %add3A_477, %add3A_719 : i32
        %mul3A_721 = arith.constant 4 : i32
        %mul3A_722 = arith.muli %mul3A_721, %add3A_720 : i32
        %add3A_723 = arith.addi %select_n3A_30, %mul3A_722 : i32
        %mul3A_724 = arith.constant 128 : i32
        %mul3A_725 = arith.muli %add3A_723, %mul3A_724 : i32
        %multiple_of3A_726 = tpu.assume_multiple %mul3A_725, 128 : i32
        %dma_wait3A_727 = tpu.memref_slice %arg3[%multiple_of3A_726] : memref<51200xi32, #tpu.memory_space<hbm>> -> memref<128xi32, #tpu.memory_space<hbm>>
        %dma_wait3A_728 = tpu.memref_slice %arg3[%multiple_of3A_726] : memref<51200xi32, #tpu.memory_space<hbm>> -> memref<128xi32, #tpu.memory_space<hbm>>
        tpu.wait_dma2 semaphore(%arg24 : memref<!tpu.dma_semaphore, #tpu.memory_space<semaphore_mem>>) src(%dma_wait3A_728 : memref<128xi32, #tpu.memory_space<hbm>>) dst(%arg8 : memref<128xi32, #tpu.memory_space<vmem>>)
        %mul3A_729 = arith.constant 4 : i32
        %mul3A_730 = arith.muli %mul3A_729, %add3A_720 : i32
        %add3A_731 = arith.addi %select_n3A_30, %mul3A_730 : i32
        %mul3A_732 = arith.constant 128 : i32
        %mul3A_733 = arith.muli %add3A_731, %mul3A_732 : i32
        %multiple_of3A_734 = tpu.assume_multiple %mul3A_733, 128 : i32
        %dma_wait3A_735 = tpu.memref_slice %arg4[%multiple_of3A_734] : memref<51200xi32, #tpu.memory_space<hbm>> -> memref<128xi32, #tpu.memory_space<hbm>>
        %dma_wait3A_736 = tpu.memref_slice %arg4[%multiple_of3A_734] : memref<51200xi32, #tpu.memory_space<hbm>> -> memref<128xi32, #tpu.memory_space<hbm>>
        tpu.wait_dma2 semaphore(%arg24 : memref<!tpu.dma_semaphore, #tpu.memory_space<semaphore_mem>>) src(%dma_wait3A_736 : memref<128xi32, #tpu.memory_space<hbm>>) dst(%arg10 : memref<128xi32, #tpu.memory_space<vmem>>)
        %mul3A_737 = arith.constant 1000 : i32
        %mul3A_738 = arith.muli %select_n3A_9, %mul3A_737 : i32
        %get3A_739 = arith.constant 0 : index
        %get3A_740 = tpu.vector_load %arg8[%get3A_739] {strides = array<i32>} : memref<128xi32, #tpu.memory_space<vmem>>, vector<16xi32>,
        %add3A_741 = vector.broadcast %mul3A_738 : i32 to vector<16xi32>
        %add3A_742 = arith.addi %get3A_740, %add3A_741 : vector<16xi32>
        %swap3A_743 = arith.constant 0 : index
        %swap3A_744 = tpu.vector_load %arg12[%swap3A_743] {strides = array<i32>} : memref<128xi32, #tpu.memory_space<vmem>>, vector<16xi32>,
        tpu.vector_store %arg12[%swap3A_743], %add3A_742 {strides = array<i32>} : memref<128xi32, #tpu.memory_space<vmem>>, vector<16xi32>,
        %get3A_745 = arith.constant 16 : index
        %get3A_746 = tpu.vector_load %arg8[%get3A_745] {strides = array<i32>} : memref<128xi32, #tpu.memory_space<vmem>>, vector<16xi32>,
        %add3A_747 = vector.broadcast %mul3A_738 : i32 to vector<16xi32>
        %add3A_748 = arith.addi %get3A_746, %add3A_747 : vector<16xi32>
        %swap3A_749 = arith.constant 16 : index
        %swap3A_750 = tpu.vector_load %arg12[%swap3A_749] {strides = array<i32>} : memref<128xi32, #tpu.memory_space<vmem>>, vector<16xi32>,
        tpu.vector_store %arg12[%swap3A_749], %add3A_748 {strides = array<i32>} : memref<128xi32, #tpu.memory_space<vmem>>, vector<16xi32>,
        %get3A_751 = arith.constant 32 : index
        %get3A_752 = tpu.vector_load %arg8[%get3A_751] {strides = array<i32>} : memref<128xi32, #tpu.memory_space<vmem>>, vector<16xi32>,
        %add3A_753 = vector.broadcast %mul3A_738 : i32 to vector<16xi32>
        %add3A_754 = arith.addi %get3A_752, %add3A_753 : vector<16xi32>
        %swap3A_755 = arith.constant 32 : index
        %swap3A_756 = tpu.vector_load %arg12[%swap3A_755] {strides = array<i32>} : memref<128xi32, #tpu.memory_space<vmem>>, vector<16xi32>,
        tpu.vector_store %arg12[%swap3A_755], %add3A_754 {strides = array<i32>} : memref<128xi32, #tpu.memory_space<vmem>>, vector<16xi32>,
        %get3A_757 = arith.constant 48 : index
        %get3A_758 = tpu.vector_load %arg8[%get3A_757] {strides = array<i32>} : memref<128xi32, #tpu.memory_space<vmem>>, vector<16xi32>,
        %add3A_759 = vector.broadcast %mul3A_738 : i32 to vector<16xi32>
        %add3A_760 = arith.addi %get3A_758, %add3A_759 : vector<16xi32>
        %swap3A_761 = arith.constant 48 : index
        %swap3A_762 = tpu.vector_load %arg12[%swap3A_761] {strides = array<i32>} : memref<128xi32, #tpu.memory_space<vmem>>, vector<16xi32>,
        tpu.vector_store %arg12[%swap3A_761], %add3A_760 {strides = array<i32>} : memref<128xi32, #tpu.memory_space<vmem>>, vector<16xi32>,
        %get3A_763 = arith.constant 64 : index
        %get3A_764 = tpu.vector_load %arg8[%get3A_763] {strides = array<i32>} : memref<128xi32, #tpu.memory_space<vmem>>, vector<16xi32>,
        %add3A_765 = vector.broadcast %mul3A_738 : i32 to vector<16xi32>
        %add3A_766 = arith.addi %get3A_764, %add3A_765 : vector<16xi32>
        %swap3A_767 = arith.constant 64 : index
        %swap3A_768 = tpu.vector_load %arg12[%swap3A_767] {strides = array<i32>} : memref<128xi32, #tpu.memory_space<vmem>>, vector<16xi32>,
        tpu.vector_store %arg12[%swap3A_767], %add3A_766 {strides = array<i32>} : memref<128xi32, #tpu.memory_space<vmem>>, vector<16xi32>,
        %get3A_769 = arith.constant 80 : index
        %get3A_770 = tpu.vector_load %arg8[%get3A_769] {strides = array<i32>} : memref<128xi32, #tpu.memory_space<vmem>>, vector<16xi32>,
        %add3A_771 = vector.broadcast %mul3A_738 : i32 to vector<16xi32>
        %add3A_772 = arith.addi %get3A_770, %add3A_771 : vector<16xi32>
        %swap3A_773 = arith.constant 80 : index
        %swap3A_774 = tpu.vector_load %arg12[%swap3A_773] {strides = array<i32>} : memref<128xi32, #tpu.memory_space<vmem>>, vector<16xi32>,
        tpu.vector_store %arg12[%swap3A_773], %add3A_772 {strides = array<i32>} : memref<128xi32, #tpu.memory_space<vmem>>, vector<16xi32>,
        %get3A_775 = arith.constant 96 : index
        %get3A_776 = tpu.vector_load %arg8[%get3A_775] {strides = array<i32>} : memref<128xi32, #tpu.memory_space<vmem>>, vector<16xi32>,
        %add3A_777 = vector.broadcast %mul3A_738 : i32 to vector<16xi32>
        %add3A_778 = arith.addi %get3A_776, %add3A_777 : vector<16xi32>
        %swap3A_779 = arith.constant 96 : index
        %swap3A_780 = tpu.vector_load %arg12[%swap3A_779] {strides = array<i32>} : memref<128xi32, #tpu.memory_space<vmem>>, vector<16xi32>,
        tpu.vector_store %arg12[%swap3A_779], %add3A_778 {strides = array<i32>} : memref<128xi32, #tpu.memory_space<vmem>>, vector<16xi32>,
        %get3A_781 = arith.constant 112 : index
        %get3A_782 = tpu.vector_load %arg8[%get3A_781] {strides = array<i32>} : memref<128xi32, #tpu.memory_space<vmem>>, vector<16xi32>,
        %add3A_783 = vector.broadcast %mul3A_738 : i32 to vector<16xi32>
        %add3A_784 = arith.addi %get3A_782, %add3A_783 : vector<16xi32>
        %swap3A_785 = arith.constant 112 : index
        %swap3A_786 = tpu.vector_load %arg12[%swap3A_785] {strides = array<i32>} : memref<128xi32, #tpu.memory_space<vmem>>, vector<16xi32>,
        tpu.vector_store %arg12[%swap3A_785], %add3A_784 {strides = array<i32>} : memref<128xi32, #tpu.memory_space<vmem>>, vector<16xi32>,
        %dma_start3A_787 = arith.constant 0 : i32
        %dma_start3A_788 = arith.constant 0 : i32
        %dma_start3A_789 = tpu.memref_slice %arg2[%dma_start3A_787, %dma_start3A_788] : memref<8000x128xf32, #tpu.memory_space<hbm>> -> memref<8000x128xf32, #tpu.memory_space<hbm>>
        tpu.enqueue_indirect_dma source(%dma_start3A_789 : memref<8000x128xf32, #tpu.memory_space<hbm>>) target(%arg14 : memref<128x128xf32, #tpu.memory_space<vmem>>) offsets(%arg12 : memref<128xi32, #tpu.memory_space<vmem>>) semaphore(%arg20 : memref<!tpu.dma_semaphore, #tpu.memory_space<semaphore_mem>>)
      } else {
      }
      %ge3A_488 = arith.constant 2 : i32
      %ge3A_489 = arith.cmpi sge, %add3A_477, %ge3A_488 : i32
      %convert_element_type3A_490 = arith.extui %ge3A_489 : i1 to i32
      %cond3A_491 = arith.constant 0 : i32
      %cond3A_492 = arith.cmpi ne, %convert_element_type3A_490, %cond3A_491 : i32
      scf.if %cond3A_492 {
        %sub3A_719 = arith.constant 2 : i32
        %sub3A_720 = arith.subi %add3A_477, %sub3A_719 : i32
        %not3A_721 = arith.constant true
        %not3A_722 = arith.xori %eq3A_34, %not3A_721 : i1
        %convert_element_type3A_723 = arith.extui %not3A_722 : i1 to i32
        %cond3A_724 = arith.constant 0 : i32
        %cond3A_725 = arith.cmpi ne, %convert_element_type3A_723, %cond3A_724 : i32
        scf.if %cond3A_725 {
          %mul3A_729 = arith.constant 4 : i32
          %mul3A_730 = arith.muli %mul3A_729, %sub3A_720 : i32
          %add3A_731 = arith.addi %select_n3A_30, %mul3A_730 : i32
          %mul3A_732 = arith.constant 128 : i32
          %mul3A_733 = arith.muli %add3A_731, %mul3A_732 : i32
          %multiple_of3A_734 = tpu.assume_multiple %mul3A_733, 128 : i32
          %dma_wait3A_735 = arith.constant 0 : i32
          %dma_wait3A_736 = arith.constant 0 : i32
          %dma_wait3A_737 = tpu.memref_slice %arg17[%dma_wait3A_735, %dma_wait3A_736] : memref<128x128xf32, #tpu.memory_space<vmem>> -> memref<128x128xf32, #tpu.memory_space<vmem>>
          %dma_wait3A_738 = tpu.memref_slice %arg6[%multiple_of3A, %multiple_of3A_734] : memref<1000x51200xf32, #tpu.memory_space<hbm>> -> memref<128x128xf32, #tpu.memory_space<hbm>>
          %dma_wait3A_739 = tpu.memref_slice %arg6[%multiple_of3A, %multiple_of3A_734] : memref<1000x51200xf32, #tpu.memory_space<hbm>> -> memref<128x128xf32, #tpu.memory_space<hbm>>
          %dma_wait3A_740 = arith.constant 0 : i32
          %dma_wait3A_741 = arith.constant 0 : i32
          %dma_wait3A_742 = tpu.memref_slice %arg17[%dma_wait3A_740, %dma_wait3A_741] : memref<128x128xf32, #tpu.memory_space<vmem>> -> memref<128x128xf32, #tpu.memory_space<vmem>>
          tpu.wait_dma2 semaphore(%arg23 : memref<!tpu.dma_semaphore, #tpu.memory_space<semaphore_mem>>) src(%dma_wait3A_742 : memref<128x128xf32, #tpu.memory_space<vmem>>) dst(%dma_wait3A_739 : memref<128x128xf32, #tpu.memory_space<hbm>>)
        } else {
        }
        %convert_element_type3A_726 = arith.extui %eq3A_34 : i1 to i32
        %cond3A_727 = arith.constant 0 : i32
        %cond3A_728 = arith.cmpi ne, %convert_element_type3A_726, %cond3A_727 : i32
        scf.if %cond3A_728 {
          %mul3A_729 = arith.constant 4 : i32
          %mul3A_730 = arith.muli %mul3A_729, %sub3A_720 : i32
          %add3A_731 = arith.addi %select_n3A_30, %mul3A_730 : i32
          %mul3A_732 = arith.constant 128 : i32
          %mul3A_733 = arith.muli %add3A_731, %mul3A_732 : i32
          %multiple_of3A_734 = tpu.assume_multiple %mul3A_733, 128 : i32
          %dma_wait3A_735 = arith.constant 0 : i32
          %dma_wait3A_736 = arith.constant 0 : i32
          %dma_wait3A_737 = tpu.memref_slice %arg17[%dma_wait3A_735, %dma_wait3A_736] : memref<128x128xf32, #tpu.memory_space<vmem>> -> memref<104x128xf32, #tpu.memory_space<vmem>>
          %dma_wait3A_738 = tpu.memref_slice %arg6[%multiple_of3A, %multiple_of3A_734] : memref<1000x51200xf32, #tpu.memory_space<hbm>> -> memref<104x128xf32, #tpu.memory_space<hbm>>
          %dma_wait3A_739 = tpu.memref_slice %arg6[%multiple_of3A, %multiple_of3A_734] : memref<1000x51200xf32, #tpu.memory_space<hbm>> -> memref<104x128xf32, #tpu.memory_space<hbm>>
          %dma_wait3A_740 = arith.constant 0 : i32
          %dma_wait3A_741 = arith.constant 0 : i32
          %dma_wait3A_742 = tpu.memref_slice %arg17[%dma_wait3A_740, %dma_wait3A_741] : memref<128x128xf32, #tpu.memory_space<vmem>> -> memref<104x128xf32, #tpu.memory_space<vmem>>
          tpu.wait_dma2 semaphore(%arg23 : memref<!tpu.dma_semaphore, #tpu.memory_space<semaphore_mem>>) src(%dma_wait3A_742 : memref<104x128xf32, #tpu.memory_space<vmem>>) dst(%dma_wait3A_739 : memref<104x128xf32, #tpu.memory_space<hbm>>)
        } else {
        }
      } else {
      }
      %parallel_loop3A_493 = arith.constant 0 : i32
      %parallel_loop3A_494 = arith.constant 8 : i32
      %parallel_loop3A_495 = arith.constant 1 : i32
      scf.for %parallel_loop3A_719 = %parallel_loop3A_493 to %parallel_loop3A_494 step %parallel_loop3A_495  : i32 {
        %parallel_loop3A_720 = arith.constant 16 : i32
        %parallel_loop3A_721 = arith.muli %parallel_loop3A_719, %parallel_loop3A_720 : i32
        %parallel_loop3A_722 = vector.broadcast %parallel_loop3A_721 : i32 to vector<16xi32>
        %parallel_loop3A_723 = arith.addi %iota3A, %parallel_loop3A_722 : vector<16xi32>
        %parallel_loop3A_724 = arith.constant 0 : i32
        %parallel_loop3A_725 = arith.constant 8 : i32
        %parallel_loop3A_726 = arith.constant 1 : i32
        scf.for %parallel_loop3A_727 = %parallel_loop3A_724 to %parallel_loop3A_725 step %parallel_loop3A_726  : i32 {
          %parallel_loop3A_728 = arith.constant 16 : i32
          %parallel_loop3A_729 = arith.muli %parallel_loop3A_727, %parallel_loop3A_728 : i32
          %parallel_loop3A_730 = vector.broadcast %parallel_loop3A_729 : i32 to vector<16xi32>
          %parallel_loop3A_731 = arith.addi %and3A_117, %parallel_loop3A_730 : vector<16xi32>
          %parallel_loop3A_732 = tpu.vector_load_idx %arg15[%parallel_loop3A_723, %parallel_loop3A_731] : memref<128x128xf32, #tpu.memory_space<vmem>>[vector<16xi32>, vector<16xi32>], vector<16xf32>,
          tpu.vector_store_idx %arg17[%parallel_loop3A_731, %parallel_loop3A_723], %parallel_loop3A_732 : memref<128x128xf32, #tpu.memory_space<vmem>>[vector<16xi32>, vector<16xi32>], vector<16xf32>,
          %parallel_loop3A_733 = vector.broadcast %parallel_loop3A_729 : i32 to vector<16xi32>
          %parallel_loop3A_734 = arith.addi %and3A_123, %parallel_loop3A_733 : vector<16xi32>
          %parallel_loop3A_735 = tpu.vector_load_idx %arg15[%parallel_loop3A_723, %parallel_loop3A_734] : memref<128x128xf32, #tpu.memory_space<vmem>>[vector<16xi32>, vector<16xi32>], vector<16xf32>,
          tpu.vector_store_idx %arg17[%parallel_loop3A_734, %parallel_loop3A_723], %parallel_loop3A_735 : memref<128x128xf32, #tpu.memory_space<vmem>>[vector<16xi32>, vector<16xi32>], vector<16xf32>,
          %parallel_loop3A_736 = vector.broadcast %parallel_loop3A_729 : i32 to vector<16xi32>
          %parallel_loop3A_737 = arith.addi %and3A_129, %parallel_loop3A_736 : vector<16xi32>
          %parallel_loop3A_738 = tpu.vector_load_idx %arg15[%parallel_loop3A_723, %parallel_loop3A_737] : memref<128x128xf32, #tpu.memory_space<vmem>>[vector<16xi32>, vector<16xi32>], vector<16xf32>,
          tpu.vector_store_idx %arg17[%parallel_loop3A_737, %parallel_loop3A_723], %parallel_loop3A_738 : memref<128x128xf32, #tpu.memory_space<vmem>>[vector<16xi32>, vector<16xi32>], vector<16xf32>,
          %parallel_loop3A_739 = vector.broadcast %parallel_loop3A_729 : i32 to vector<16xi32>
          %parallel_loop3A_740 = arith.addi %and3A_135, %parallel_loop3A_739 : vector<16xi32>
          %parallel_loop3A_741 = tpu.vector_load_idx %arg15[%parallel_loop3A_723, %parallel_loop3A_740] : memref<128x128xf32, #tpu.memory_space<vmem>>[vector<16xi32>, vector<16xi32>], vector<16xf32>,
          tpu.vector_store_idx %arg17[%parallel_loop3A_740, %parallel_loop3A_723], %parallel_loop3A_741 : memref<128x128xf32, #tpu.memory_space<vmem>>[vector<16xi32>, vector<16xi32>], vector<16xf32>,
          %parallel_loop3A_742 = vector.broadcast %parallel_loop3A_729 : i32 to vector<16xi32>
          %parallel_loop3A_743 = arith.addi %and3A_141, %parallel_loop3A_742 : vector<16xi32>
          %parallel_loop3A_744 = tpu.vector_load_idx %arg15[%parallel_loop3A_723, %parallel_loop3A_743] : memref<128x128xf32, #tpu.memory_space<vmem>>[vector<16xi32>, vector<16xi32>], vector<16xf32>,
          tpu.vector_store_idx %arg17[%parallel_loop3A_743, %parallel_loop3A_723], %parallel_loop3A_744 : memref<128x128xf32, #tpu.memory_space<vmem>>[vector<16xi32>, vector<16xi32>], vector<16xf32>,
          %parallel_loop3A_745 = vector.broadcast %parallel_loop3A_729 : i32 to vector<16xi32>
          %parallel_loop3A_746 = arith.addi %and3A_147, %parallel_loop3A_745 : vector<16xi32>
          %parallel_loop3A_747 = tpu.vector_load_idx %arg15[%parallel_loop3A_723, %parallel_loop3A_746] : memref<128x128xf32, #tpu.memory_space<vmem>>[vector<16xi32>, vector<16xi32>], vector<16xf32>,
          tpu.vector_store_idx %arg17[%parallel_loop3A_746, %parallel_loop3A_723], %parallel_loop3A_747 : memref<128x128xf32, #tpu.memory_space<vmem>>[vector<16xi32>, vector<16xi32>], vector<16xf32>,
          %parallel_loop3A_748 = vector.broadcast %parallel_loop3A_729 : i32 to vector<16xi32>
          %parallel_loop3A_749 = arith.addi %and3A_153, %parallel_loop3A_748 : vector<16xi32>
          %parallel_loop3A_750 = tpu.vector_load_idx %arg15[%parallel_loop3A_723, %parallel_loop3A_749] : memref<128x128xf32, #tpu.memory_space<vmem>>[vector<16xi32>, vector<16xi32>], vector<16xf32>,
          tpu.vector_store_idx %arg17[%parallel_loop3A_749, %parallel_loop3A_723], %parallel_loop3A_750 : memref<128x128xf32, #tpu.memory_space<vmem>>[vector<16xi32>, vector<16xi32>], vector<16xf32>,
          %parallel_loop3A_751 = vector.broadcast %parallel_loop3A_729 : i32 to vector<16xi32>
          %parallel_loop3A_752 = arith.addi %and3A_159, %parallel_loop3A_751 : vector<16xi32>
          %parallel_loop3A_753 = tpu.vector_load_idx %arg15[%parallel_loop3A_723, %parallel_loop3A_752] : memref<128x128xf32, #tpu.memory_space<vmem>>[vector<16xi32>, vector<16xi32>], vector<16xf32>,
          tpu.vector_store_idx %arg17[%parallel_loop3A_752, %parallel_loop3A_723], %parallel_loop3A_753 : memref<128x128xf32, #tpu.memory_space<vmem>>[vector<16xi32>, vector<16xi32>], vector<16xf32>,
          %parallel_loop3A_754 = vector.broadcast %parallel_loop3A_729 : i32 to vector<16xi32>
          %parallel_loop3A_755 = arith.addi %and3A_165, %parallel_loop3A_754 : vector<16xi32>
          %parallel_loop3A_756 = tpu.vector_load_idx %arg15[%parallel_loop3A_723, %parallel_loop3A_755] : memref<128x128xf32, #tpu.memory_space<vmem>>[vector<16xi32>, vector<16xi32>], vector<16xf32>,
          tpu.vector_store_idx %arg17[%parallel_loop3A_755, %parallel_loop3A_723], %parallel_loop3A_756 : memref<128x128xf32, #tpu.memory_space<vmem>>[vector<16xi32>, vector<16xi32>], vector<16xf32>,
          %parallel_loop3A_757 = vector.broadcast %parallel_loop3A_729 : i32 to vector<16xi32>
          %parallel_loop3A_758 = arith.addi %and3A_171, %parallel_loop3A_757 : vector<16xi32>
          %parallel_loop3A_759 = tpu.vector_load_idx %arg15[%parallel_loop3A_723, %parallel_loop3A_758] : memref<128x128xf32, #tpu.memory_space<vmem>>[vector<16xi32>, vector<16xi32>], vector<16xf32>,
          tpu.vector_store_idx %arg17[%parallel_loop3A_758, %parallel_loop3A_723], %parallel_loop3A_759 : memref<128x128xf32, #tpu.memory_space<vmem>>[vector<16xi32>, vector<16xi32>], vector<16xf32>,
          %parallel_loop3A_760 = vector.broadcast %parallel_loop3A_729 : i32 to vector<16xi32>
          %parallel_loop3A_761 = arith.addi %and3A_177, %parallel_loop3A_760 : vector<16xi32>
          %parallel_loop3A_762 = tpu.vector_load_idx %arg15[%parallel_loop3A_723, %parallel_loop3A_761] : memref<128x128xf32, #tpu.memory_space<vmem>>[vector<16xi32>, vector<16xi32>], vector<16xf32>,
          tpu.vector_store_idx %arg17[%parallel_loop3A_761, %parallel_loop3A_723], %parallel_loop3A_762 : memref<128x128xf32, #tpu.memory_space<vmem>>[vector<16xi32>, vector<16xi32>], vector<16xf32>,
          %parallel_loop3A_763 = vector.broadcast %parallel_loop3A_729 : i32 to vector<16xi32>
          %parallel_loop3A_764 = arith.addi %and3A_183, %parallel_loop3A_763 : vector<16xi32>
          %parallel_loop3A_765 = tpu.vector_load_idx %arg15[%parallel_loop3A_723, %parallel_loop3A_764] : memref<128x128xf32, #tpu.memory_space<vmem>>[vector<16xi32>, vector<16xi32>], vector<16xf32>,
          tpu.vector_store_idx %arg17[%parallel_loop3A_764, %parallel_loop3A_723], %parallel_loop3A_765 : memref<128x128xf32, #tpu.memory_space<vmem>>[vector<16xi32>, vector<16xi32>], vector<16xf32>,
          %parallel_loop3A_766 = vector.broadcast %parallel_loop3A_729 : i32 to vector<16xi32>
          %parallel_loop3A_767 = arith.addi %and3A_189, %parallel_loop3A_766 : vector<16xi32>
          %parallel_loop3A_768 = tpu.vector_load_idx %arg15[%parallel_loop3A_723, %parallel_loop3A_767] : memref<128x128xf32, #tpu.memory_space<vmem>>[vector<16xi32>, vector<16xi32>], vector<16xf32>,
          tpu.vector_store_idx %arg17[%parallel_loop3A_767, %parallel_loop3A_723], %parallel_loop3A_768 : memref<128x128xf32, #tpu.memory_space<vmem>>[vector<16xi32>, vector<16xi32>], vector<16xf32>,
          %parallel_loop3A_769 = vector.broadcast %parallel_loop3A_729 : i32 to vector<16xi32>
          %parallel_loop3A_770 = arith.addi %and3A_195, %parallel_loop3A_769 : vector<16xi32>
          %parallel_loop3A_771 = tpu.vector_load_idx %arg15[%parallel_loop3A_723, %parallel_loop3A_770] : memref<128x128xf32, #tpu.memory_space<vmem>>[vector<16xi32>, vector<16xi32>], vector<16xf32>,
          tpu.vector_store_idx %arg17[%parallel_loop3A_770, %parallel_loop3A_723], %parallel_loop3A_771 : memref<128x128xf32, #tpu.memory_space<vmem>>[vector<16xi32>, vector<16xi32>], vector<16xf32>,
          %parallel_loop3A_772 = vector.broadcast %parallel_loop3A_729 : i32 to vector<16xi32>
          %parallel_loop3A_773 = arith.addi %and3A_201, %parallel_loop3A_772 : vector<16xi32>
          %parallel_loop3A_774 = tpu.vector_load_idx %arg15[%parallel_loop3A_723, %parallel_loop3A_773] : memref<128x128xf32, #tpu.memory_space<vmem>>[vector<16xi32>, vector<16xi32>], vector<16xf32>,
          tpu.vector_store_idx %arg17[%parallel_loop3A_773, %parallel_loop3A_723], %parallel_loop3A_774 : memref<128x128xf32, #tpu.memory_space<vmem>>[vector<16xi32>, vector<16xi32>], vector<16xf32>,
          %parallel_loop3A_775 = vector.broadcast %parallel_loop3A_729 : i32 to vector<16xi32>
          %parallel_loop3A_776 = arith.addi %and3A_207, %parallel_loop3A_775 : vector<16xi32>
          %parallel_loop3A_777 = tpu.vector_load_idx %arg15[%parallel_loop3A_723, %parallel_loop3A_776] : memref<128x128xf32, #tpu.memory_space<vmem>>[vector<16xi32>, vector<16xi32>], vector<16xf32>,
          tpu.vector_store_idx %arg17[%parallel_loop3A_776, %parallel_loop3A_723], %parallel_loop3A_777 : memref<128x128xf32, #tpu.memory_space<vmem>>[vector<16xi32>, vector<16xi32>], vector<16xf32>,
        } {sc.loop_unroll_factor = 4 : i64, sc.parallel_access}
      } {sc.loop_unroll_factor = 2 : i64, sc.parallel_access}
      %get3A_496 = arith.constant 0 : index
      %get3A_497 = tpu.vector_load %arg9[%get3A_496] {strides = array<i32>} : memref<128xi32, #tpu.memory_space<vmem>>, vector<16xi32>,
      %get3A_498 = arith.constant 0 : index
      %get3A_499 = tpu.vector_load %arg11[%get3A_498] {strides = array<i32>} : memref<128xi32, #tpu.memory_space<vmem>>, vector<16xi32>,
      %gather3A_500 = tpu.vector_load_idx %arg18[%get3A_497] : memref<1000xf32, #tpu.memory_space<vmem>>[vector<16xi32>], vector<16xf32>,
      %sub3A_501 = vector.broadcast %multiple_of3A : i32 to vector<16xi32>
      %sub3A_502 = arith.subi %get3A_499, %sub3A_501 : vector<16xi32>
      %ge3A_503 = arith.constant 0 : i32
      %ge3A_504 = vector.broadcast %ge3A_503 : i32 to vector<16xi32>
      %ge3A_505 = arith.cmpi sge, %sub3A_502, %ge3A_504 : vector<16xi32>
      %lt3A_506 = vector.broadcast %select_n3A_37 : i32 to vector<16xi32>
      %lt3A_507 = arith.cmpi slt, %sub3A_502, %lt3A_506 : vector<16xi32>
      %and3A_508 = arith.andi %ge3A_505, %lt3A_507 : vector<16xi1>
      %and3A_509 = arith.constant 127 : i32
      %and3A_510 = vector.broadcast %and3A_509 : i32 to vector<16xi32>
      %and3A_511 = arith.andi %sub3A_502, %and3A_510 : vector<16xi32>
      %iota3A_512 = tpu.iota {dimensions = array<i32: 0>} : vector<16xi32>
      %add3A_513 = arith.constant 0 : i32
      %add3A_514 = vector.broadcast %add3A_513 : i32 to vector<16xi32>
      %add3A_515 = arith.addi %iota3A_512, %add3A_514 : vector<16xi32>
      %gather3A_516 = tpu.vector_load_idx %arg15[%add3A_515, %and3A_511] : memref<128x128xf32, #tpu.memory_space<vmem>>[vector<16xi32>, vector<16xi32>], vector<16xf32>,
      %sub3A_517 = arith.subf %gather3A_500, %gather3A_516 : vector<16xf32>
      %jit3A_518 = arith.constant 0.000000e+00 : f32
      %broadcast_in_dim3A_519 = vector.broadcast %jit3A_518 : f32 to vector<16xf32>
      %select_n3A_520 = arith.select %and3A_508, %sub3A_517, %broadcast_in_dim3A_519 : vector<16xi1>, vector<16xf32>
      %add3A_521 = arith.addf %add3A_458, %select_n3A_520 : vector<16xf32>
      %get3A_522 = arith.constant 16 : index
      %get3A_523 = tpu.vector_load %arg9[%get3A_522] {strides = array<i32>} : memref<128xi32, #tpu.memory_space<vmem>>, vector<16xi32>,
      %get3A_524 = arith.constant 16 : index
      %get3A_525 = tpu.vector_load %arg11[%get3A_524] {strides = array<i32>} : memref<128xi32, #tpu.memory_space<vmem>>, vector<16xi32>,
      %gather3A_526 = tpu.vector_load_idx %arg18[%get3A_523] : memref<1000xf32, #tpu.memory_space<vmem>>[vector<16xi32>], vector<16xf32>,
      %sub3A_527 = vector.broadcast %multiple_of3A : i32 to vector<16xi32>
      %sub3A_528 = arith.subi %get3A_525, %sub3A_527 : vector<16xi32>
      %ge3A_529 = arith.constant 0 : i32
      %ge3A_530 = vector.broadcast %ge3A_529 : i32 to vector<16xi32>
      %ge3A_531 = arith.cmpi sge, %sub3A_528, %ge3A_530 : vector<16xi32>
      %lt3A_532 = vector.broadcast %select_n3A_37 : i32 to vector<16xi32>
      %lt3A_533 = arith.cmpi slt, %sub3A_528, %lt3A_532 : vector<16xi32>
      %and3A_534 = arith.andi %ge3A_531, %lt3A_533 : vector<16xi1>
      %and3A_535 = arith.constant 127 : i32
      %and3A_536 = vector.broadcast %and3A_535 : i32 to vector<16xi32>
      %and3A_537 = arith.andi %sub3A_528, %and3A_536 : vector<16xi32>
      %iota3A_538 = tpu.iota {dimensions = array<i32: 0>} : vector<16xi32>
      %add3A_539 = arith.constant 16 : i32
      %add3A_540 = vector.broadcast %add3A_539 : i32 to vector<16xi32>
      %add3A_541 = arith.addi %iota3A_538, %add3A_540 : vector<16xi32>
      %gather3A_542 = tpu.vector_load_idx %arg15[%add3A_541, %and3A_537] : memref<128x128xf32, #tpu.memory_space<vmem>>[vector<16xi32>, vector<16xi32>], vector<16xf32>,
      %sub3A_543 = arith.subf %gather3A_526, %gather3A_542 : vector<16xf32>
      %jit3A_544 = arith.constant 0.000000e+00 : f32
      %broadcast_in_dim3A_545 = vector.broadcast %jit3A_544 : f32 to vector<16xf32>
      %select_n3A_546 = arith.select %and3A_534, %sub3A_543, %broadcast_in_dim3A_545 : vector<16xi1>, vector<16xf32>
      %add3A_547 = arith.addf %add3A_521, %select_n3A_546 : vector<16xf32>
      %get3A_548 = arith.constant 32 : index
      %get3A_549 = tpu.vector_load %arg9[%get3A_548] {strides = array<i32>} : memref<128xi32, #tpu.memory_space<vmem>>, vector<16xi32>,
      %get3A_550 = arith.constant 32 : index
      %get3A_551 = tpu.vector_load %arg11[%get3A_550] {strides = array<i32>} : memref<128xi32, #tpu.memory_space<vmem>>, vector<16xi32>,
      %gather3A_552 = tpu.vector_load_idx %arg18[%get3A_549] : memref<1000xf32, #tpu.memory_space<vmem>>[vector<16xi32>], vector<16xf32>,
      %sub3A_553 = vector.broadcast %multiple_of3A : i32 to vector<16xi32>
      %sub3A_554 = arith.subi %get3A_551, %sub3A_553 : vector<16xi32>
      %ge3A_555 = arith.constant 0 : i32
      %ge3A_556 = vector.broadcast %ge3A_555 : i32 to vector<16xi32>
      %ge3A_557 = arith.cmpi sge, %sub3A_554, %ge3A_556 : vector<16xi32>
      %lt3A_558 = vector.broadcast %select_n3A_37 : i32 to vector<16xi32>
      %lt3A_559 = arith.cmpi slt, %sub3A_554, %lt3A_558 : vector<16xi32>
      %and3A_560 = arith.andi %ge3A_557, %lt3A_559 : vector<16xi1>
      %and3A_561 = arith.constant 127 : i32
      %and3A_562 = vector.broadcast %and3A_561 : i32 to vector<16xi32>
      %and3A_563 = arith.andi %sub3A_554, %and3A_562 : vector<16xi32>
      %iota3A_564 = tpu.iota {dimensions = array<i32: 0>} : vector<16xi32>
      %add3A_565 = arith.constant 32 : i32
      %add3A_566 = vector.broadcast %add3A_565 : i32 to vector<16xi32>
      %add3A_567 = arith.addi %iota3A_564, %add3A_566 : vector<16xi32>
      %gather3A_568 = tpu.vector_load_idx %arg15[%add3A_567, %and3A_563] : memref<128x128xf32, #tpu.memory_space<vmem>>[vector<16xi32>, vector<16xi32>], vector<16xf32>,
      %sub3A_569 = arith.subf %gather3A_552, %gather3A_568 : vector<16xf32>
      %jit3A_570 = arith.constant 0.000000e+00 : f32
      %broadcast_in_dim3A_571 = vector.broadcast %jit3A_570 : f32 to vector<16xf32>
      %select_n3A_572 = arith.select %and3A_560, %sub3A_569, %broadcast_in_dim3A_571 : vector<16xi1>, vector<16xf32>
      %add3A_573 = arith.addf %add3A_547, %select_n3A_572 : vector<16xf32>
      %get3A_574 = arith.constant 48 : index
      %get3A_575 = tpu.vector_load %arg9[%get3A_574] {strides = array<i32>} : memref<128xi32, #tpu.memory_space<vmem>>, vector<16xi32>,
      %get3A_576 = arith.constant 48 : index
      %get3A_577 = tpu.vector_load %arg11[%get3A_576] {strides = array<i32>} : memref<128xi32, #tpu.memory_space<vmem>>, vector<16xi32>,
      %gather3A_578 = tpu.vector_load_idx %arg18[%get3A_575] : memref<1000xf32, #tpu.memory_space<vmem>>[vector<16xi32>], vector<16xf32>,
      %sub3A_579 = vector.broadcast %multiple_of3A : i32 to vector<16xi32>
      %sub3A_580 = arith.subi %get3A_577, %sub3A_579 : vector<16xi32>
      %ge3A_581 = arith.constant 0 : i32
      %ge3A_582 = vector.broadcast %ge3A_581 : i32 to vector<16xi32>
      %ge3A_583 = arith.cmpi sge, %sub3A_580, %ge3A_582 : vector<16xi32>
      %lt3A_584 = vector.broadcast %select_n3A_37 : i32 to vector<16xi32>
      %lt3A_585 = arith.cmpi slt, %sub3A_580, %lt3A_584 : vector<16xi32>
      %and3A_586 = arith.andi %ge3A_583, %lt3A_585 : vector<16xi1>
      %and3A_587 = arith.constant 127 : i32
      %and3A_588 = vector.broadcast %and3A_587 : i32 to vector<16xi32>
      %and3A_589 = arith.andi %sub3A_580, %and3A_588 : vector<16xi32>
      %iota3A_590 = tpu.iota {dimensions = array<i32: 0>} : vector<16xi32>
      %add3A_591 = arith.constant 48 : i32
      %add3A_592 = vector.broadcast %add3A_591 : i32 to vector<16xi32>
      %add3A_593 = arith.addi %iota3A_590, %add3A_592 : vector<16xi32>
      %gather3A_594 = tpu.vector_load_idx %arg15[%add3A_593, %and3A_589] : memref<128x128xf32, #tpu.memory_space<vmem>>[vector<16xi32>, vector<16xi32>], vector<16xf32>,
      %sub3A_595 = arith.subf %gather3A_578, %gather3A_594 : vector<16xf32>
      %jit3A_596 = arith.constant 0.000000e+00 : f32
      %broadcast_in_dim3A_597 = vector.broadcast %jit3A_596 : f32 to vector<16xf32>
      %select_n3A_598 = arith.select %and3A_586, %sub3A_595, %broadcast_in_dim3A_597 : vector<16xi1>, vector<16xf32>
      %add3A_599 = arith.addf %add3A_573, %select_n3A_598 : vector<16xf32>
      %get3A_600 = arith.constant 64 : index
      %get3A_601 = tpu.vector_load %arg9[%get3A_600] {strides = array<i32>} : memref<128xi32, #tpu.memory_space<vmem>>, vector<16xi32>,
      %get3A_602 = arith.constant 64 : index
      %get3A_603 = tpu.vector_load %arg11[%get3A_602] {strides = array<i32>} : memref<128xi32, #tpu.memory_space<vmem>>, vector<16xi32>,
      %gather3A_604 = tpu.vector_load_idx %arg18[%get3A_601] : memref<1000xf32, #tpu.memory_space<vmem>>[vector<16xi32>], vector<16xf32>,
      %sub3A_605 = vector.broadcast %multiple_of3A : i32 to vector<16xi32>
      %sub3A_606 = arith.subi %get3A_603, %sub3A_605 : vector<16xi32>
      %ge3A_607 = arith.constant 0 : i32
      %ge3A_608 = vector.broadcast %ge3A_607 : i32 to vector<16xi32>
      %ge3A_609 = arith.cmpi sge, %sub3A_606, %ge3A_608 : vector<16xi32>
      %lt3A_610 = vector.broadcast %select_n3A_37 : i32 to vector<16xi32>
      %lt3A_611 = arith.cmpi slt, %sub3A_606, %lt3A_610 : vector<16xi32>
      %and3A_612 = arith.andi %ge3A_609, %lt3A_611 : vector<16xi1>
      %and3A_613 = arith.constant 127 : i32
      %and3A_614 = vector.broadcast %and3A_613 : i32 to vector<16xi32>
      %and3A_615 = arith.andi %sub3A_606, %and3A_614 : vector<16xi32>
      %iota3A_616 = tpu.iota {dimensions = array<i32: 0>} : vector<16xi32>
      %add3A_617 = arith.constant 64 : i32
      %add3A_618 = vector.broadcast %add3A_617 : i32 to vector<16xi32>
      %add3A_619 = arith.addi %iota3A_616, %add3A_618 : vector<16xi32>
      %gather3A_620 = tpu.vector_load_idx %arg15[%add3A_619, %and3A_615] : memref<128x128xf32, #tpu.memory_space<vmem>>[vector<16xi32>, vector<16xi32>], vector<16xf32>,
      %sub3A_621 = arith.subf %gather3A_604, %gather3A_620 : vector<16xf32>
      %jit3A_622 = arith.constant 0.000000e+00 : f32
      %broadcast_in_dim3A_623 = vector.broadcast %jit3A_622 : f32 to vector<16xf32>
      %select_n3A_624 = arith.select %and3A_612, %sub3A_621, %broadcast_in_dim3A_623 : vector<16xi1>, vector<16xf32>
      %add3A_625 = arith.addf %add3A_599, %select_n3A_624 : vector<16xf32>
      %get3A_626 = arith.constant 80 : index
      %get3A_627 = tpu.vector_load %arg9[%get3A_626] {strides = array<i32>} : memref<128xi32, #tpu.memory_space<vmem>>, vector<16xi32>,
      %get3A_628 = arith.constant 80 : index
      %get3A_629 = tpu.vector_load %arg11[%get3A_628] {strides = array<i32>} : memref<128xi32, #tpu.memory_space<vmem>>, vector<16xi32>,
      %gather3A_630 = tpu.vector_load_idx %arg18[%get3A_627] : memref<1000xf32, #tpu.memory_space<vmem>>[vector<16xi32>], vector<16xf32>,
      %sub3A_631 = vector.broadcast %multiple_of3A : i32 to vector<16xi32>
      %sub3A_632 = arith.subi %get3A_629, %sub3A_631 : vector<16xi32>
      %ge3A_633 = arith.constant 0 : i32
      %ge3A_634 = vector.broadcast %ge3A_633 : i32 to vector<16xi32>
      %ge3A_635 = arith.cmpi sge, %sub3A_632, %ge3A_634 : vector<16xi32>
      %lt3A_636 = vector.broadcast %select_n3A_37 : i32 to vector<16xi32>
      %lt3A_637 = arith.cmpi slt, %sub3A_632, %lt3A_636 : vector<16xi32>
      %and3A_638 = arith.andi %ge3A_635, %lt3A_637 : vector<16xi1>
      %and3A_639 = arith.constant 127 : i32
      %and3A_640 = vector.broadcast %and3A_639 : i32 to vector<16xi32>
      %and3A_641 = arith.andi %sub3A_632, %and3A_640 : vector<16xi32>
      %iota3A_642 = tpu.iota {dimensions = array<i32: 0>} : vector<16xi32>
      %add3A_643 = arith.constant 80 : i32
      %add3A_644 = vector.broadcast %add3A_643 : i32 to vector<16xi32>
      %add3A_645 = arith.addi %iota3A_642, %add3A_644 : vector<16xi32>
      %gather3A_646 = tpu.vector_load_idx %arg15[%add3A_645, %and3A_641] : memref<128x128xf32, #tpu.memory_space<vmem>>[vector<16xi32>, vector<16xi32>], vector<16xf32>,
      %sub3A_647 = arith.subf %gather3A_630, %gather3A_646 : vector<16xf32>
      %jit3A_648 = arith.constant 0.000000e+00 : f32
      %broadcast_in_dim3A_649 = vector.broadcast %jit3A_648 : f32 to vector<16xf32>
      %select_n3A_650 = arith.select %and3A_638, %sub3A_647, %broadcast_in_dim3A_649 : vector<16xi1>, vector<16xf32>
      %add3A_651 = arith.addf %add3A_625, %select_n3A_650 : vector<16xf32>
      %get3A_652 = arith.constant 96 : index
      %get3A_653 = tpu.vector_load %arg9[%get3A_652] {strides = array<i32>} : memref<128xi32, #tpu.memory_space<vmem>>, vector<16xi32>,
      %get3A_654 = arith.constant 96 : index
      %get3A_655 = tpu.vector_load %arg11[%get3A_654] {strides = array<i32>} : memref<128xi32, #tpu.memory_space<vmem>>, vector<16xi32>,
      %gather3A_656 = tpu.vector_load_idx %arg18[%get3A_653] : memref<1000xf32, #tpu.memory_space<vmem>>[vector<16xi32>], vector<16xf32>,
      %sub3A_657 = vector.broadcast %multiple_of3A : i32 to vector<16xi32>
      %sub3A_658 = arith.subi %get3A_655, %sub3A_657 : vector<16xi32>
      %ge3A_659 = arith.constant 0 : i32
      %ge3A_660 = vector.broadcast %ge3A_659 : i32 to vector<16xi32>
      %ge3A_661 = arith.cmpi sge, %sub3A_658, %ge3A_660 : vector<16xi32>
      %lt3A_662 = vector.broadcast %select_n3A_37 : i32 to vector<16xi32>
      %lt3A_663 = arith.cmpi slt, %sub3A_658, %lt3A_662 : vector<16xi32>
      %and3A_664 = arith.andi %ge3A_661, %lt3A_663 : vector<16xi1>
      %and3A_665 = arith.constant 127 : i32
      %and3A_666 = vector.broadcast %and3A_665 : i32 to vector<16xi32>
      %and3A_667 = arith.andi %sub3A_658, %and3A_666 : vector<16xi32>
      %iota3A_668 = tpu.iota {dimensions = array<i32: 0>} : vector<16xi32>
      %add3A_669 = arith.constant 96 : i32
      %add3A_670 = vector.broadcast %add3A_669 : i32 to vector<16xi32>
      %add3A_671 = arith.addi %iota3A_668, %add3A_670 : vector<16xi32>
      %gather3A_672 = tpu.vector_load_idx %arg15[%add3A_671, %and3A_667] : memref<128x128xf32, #tpu.memory_space<vmem>>[vector<16xi32>, vector<16xi32>], vector<16xf32>,
      %sub3A_673 = arith.subf %gather3A_656, %gather3A_672 : vector<16xf32>
      %jit3A_674 = arith.constant 0.000000e+00 : f32
      %broadcast_in_dim3A_675 = vector.broadcast %jit3A_674 : f32 to vector<16xf32>
      %select_n3A_676 = arith.select %and3A_664, %sub3A_673, %broadcast_in_dim3A_675 : vector<16xi1>, vector<16xf32>
      %add3A_677 = arith.addf %add3A_651, %select_n3A_676 : vector<16xf32>
      %get3A_678 = arith.constant 112 : index
      %get3A_679 = tpu.vector_load %arg9[%get3A_678] {strides = array<i32>} : memref<128xi32, #tpu.memory_space<vmem>>, vector<16xi32>,
      %get3A_680 = arith.constant 112 : index
      %get3A_681 = tpu.vector_load %arg11[%get3A_680] {strides = array<i32>} : memref<128xi32, #tpu.memory_space<vmem>>, vector<16xi32>,
      %gather3A_682 = tpu.vector_load_idx %arg18[%get3A_679] : memref<1000xf32, #tpu.memory_space<vmem>>[vector<16xi32>], vector<16xf32>,
      %sub3A_683 = vector.broadcast %multiple_of3A : i32 to vector<16xi32>
      %sub3A_684 = arith.subi %get3A_681, %sub3A_683 : vector<16xi32>
      %ge3A_685 = arith.constant 0 : i32
      %ge3A_686 = vector.broadcast %ge3A_685 : i32 to vector<16xi32>
      %ge3A_687 = arith.cmpi sge, %sub3A_684, %ge3A_686 : vector<16xi32>
      %lt3A_688 = vector.broadcast %select_n3A_37 : i32 to vector<16xi32>
      %lt3A_689 = arith.cmpi slt, %sub3A_684, %lt3A_688 : vector<16xi32>
      %and3A_690 = arith.andi %ge3A_687, %lt3A_689 : vector<16xi1>
      %and3A_691 = arith.constant 127 : i32
      %and3A_692 = vector.broadcast %and3A_691 : i32 to vector<16xi32>
      %and3A_693 = arith.andi %sub3A_684, %and3A_692 : vector<16xi32>
      %iota3A_694 = tpu.iota {dimensions = array<i32: 0>} : vector<16xi32>
      %add3A_695 = arith.constant 112 : i32
      %add3A_696 = vector.broadcast %add3A_695 : i32 to vector<16xi32>
      %add3A_697 = arith.addi %iota3A_694, %add3A_696 : vector<16xi32>
      %gather3A_698 = tpu.vector_load_idx %arg15[%add3A_697, %and3A_693] : memref<128x128xf32, #tpu.memory_space<vmem>>[vector<16xi32>, vector<16xi32>], vector<16xf32>,
      %sub3A_699 = arith.subf %gather3A_682, %gather3A_698 : vector<16xf32>
      %jit3A_700 = arith.constant 0.000000e+00 : f32
      %broadcast_in_dim3A_701 = vector.broadcast %jit3A_700 : f32 to vector<16xf32>
      %select_n3A_702 = arith.select %and3A_690, %sub3A_699, %broadcast_in_dim3A_701 : vector<16xi1>, vector<16xf32>
      %add3A_703 = arith.addf %add3A_677, %select_n3A_702 : vector<16xf32>
      %not3A_704 = arith.constant true
      %not3A_705 = arith.xori %eq3A_34, %not3A_704 : i1
      %convert_element_type3A_706 = arith.extui %not3A_705 : i1 to i32
      %cond3A_707 = arith.constant 0 : i32
      %cond3A_708 = arith.cmpi ne, %convert_element_type3A_706, %cond3A_707 : i32
      scf.if %cond3A_708 {
        %mul3A_719 = arith.constant 4 : i32
        %mul3A_720 = arith.muli %mul3A_719, %add3A_477 : i32
        %add3A_721 = arith.addi %select_n3A_30, %mul3A_720 : i32
        %mul3A_722 = arith.constant 128 : i32
        %mul3A_723 = arith.muli %add3A_721, %mul3A_722 : i32
        %multiple_of3A_724 = tpu.assume_multiple %mul3A_723, 128 : i32
        %dma_start3A_725 = arith.constant 0 : i32
        %dma_start3A_726 = arith.constant 0 : i32
        %dma_start3A_727 = tpu.memref_slice %arg17[%dma_start3A_725, %dma_start3A_726] : memref<128x128xf32, #tpu.memory_space<vmem>> -> memref<128x128xf32, #tpu.memory_space<vmem>>
        %dma_start3A_728 = tpu.memref_slice %arg6[%multiple_of3A, %multiple_of3A_724] : memref<1000x51200xf32, #tpu.memory_space<hbm>> -> memref<128x128xf32, #tpu.memory_space<hbm>>
        %dma_start3A_729 = tpu.memref_slice %arg6[%multiple_of3A, %multiple_of3A_724] : memref<1000x51200xf32, #tpu.memory_space<hbm>> -> memref<128x128xf32, #tpu.memory_space<hbm>>
        %dma_start3A_730 = arith.constant 0 : i32
        %dma_start3A_731 = arith.constant 0 : i32
        %dma_start3A_732 = tpu.memref_slice %arg17[%dma_start3A_730, %dma_start3A_731] : memref<128x128xf32, #tpu.memory_space<vmem>> -> memref<128x128xf32, #tpu.memory_space<vmem>>
        tpu.enqueue_dma source(%dma_start3A_732 : memref<128x128xf32, #tpu.memory_space<vmem>>) target(%dma_start3A_729 : memref<128x128xf32, #tpu.memory_space<hbm>>) target_semaphore(%arg23 : memref<!tpu.dma_semaphore, #tpu.memory_space<semaphore_mem>>)
      } else {
      }
      %convert_element_type3A_709 = arith.extui %eq3A_34 : i1 to i32
      %cond3A_710 = arith.constant 0 : i32
      %cond3A_711 = arith.cmpi ne, %convert_element_type3A_709, %cond3A_710 : i32
      scf.if %cond3A_711 {
        %mul3A_719 = arith.constant 4 : i32
        %mul3A_720 = arith.muli %mul3A_719, %add3A_477 : i32
        %add3A_721 = arith.addi %select_n3A_30, %mul3A_720 : i32
        %mul3A_722 = arith.constant 128 : i32
        %mul3A_723 = arith.muli %add3A_721, %mul3A_722 : i32
        %multiple_of3A_724 = tpu.assume_multiple %mul3A_723, 128 : i32
        %dma_start3A_725 = arith.constant 0 : i32
        %dma_start3A_726 = arith.constant 0 : i32
        %dma_start3A_727 = tpu.memref_slice %arg17[%dma_start3A_725, %dma_start3A_726] : memref<128x128xf32, #tpu.memory_space<vmem>> -> memref<104x128xf32, #tpu.memory_space<vmem>>
        %dma_start3A_728 = tpu.memref_slice %arg6[%multiple_of3A, %multiple_of3A_724] : memref<1000x51200xf32, #tpu.memory_space<hbm>> -> memref<104x128xf32, #tpu.memory_space<hbm>>
        %dma_start3A_729 = tpu.memref_slice %arg6[%multiple_of3A, %multiple_of3A_724] : memref<1000x51200xf32, #tpu.memory_space<hbm>> -> memref<104x128xf32, #tpu.memory_space<hbm>>
        %dma_start3A_730 = arith.constant 0 : i32
        %dma_start3A_731 = arith.constant 0 : i32
        %dma_start3A_732 = tpu.memref_slice %arg17[%dma_start3A_730, %dma_start3A_731] : memref<128x128xf32, #tpu.memory_space<vmem>> -> memref<104x128xf32, #tpu.memory_space<vmem>>
        tpu.enqueue_dma source(%dma_start3A_732 : memref<104x128xf32, #tpu.memory_space<vmem>>) target(%dma_start3A_729 : memref<104x128xf32, #tpu.memory_space<hbm>>) target_semaphore(%arg23 : memref<!tpu.dma_semaphore, #tpu.memory_space<semaphore_mem>>)
      } else {
      }
      %add3A_712 = arith.constant 2 : i32
      %add3A_713 = arith.addi %add3A_477, %add3A_712 : i32
      %lt3A_714 = arith.constant 100 : i32
      %lt3A_715 = arith.cmpi slt, %add3A_713, %lt3A_714 : i32
      %convert_element_type3A_716 = arith.extui %lt3A_715 : i1 to i32
      %cond3A_717 = arith.constant 0 : i32
      %cond3A_718 = arith.cmpi ne, %convert_element_type3A_716, %cond3A_717 : i32
      scf.if %cond3A_718 {
        %add3A_719 = arith.constant 2 : i32
        %add3A_720 = arith.addi %add3A_477, %add3A_719 : i32
        %mul3A_721 = arith.constant 4 : i32
        %mul3A_722 = arith.muli %mul3A_721, %add3A_720 : i32
        %add3A_723 = arith.addi %select_n3A_30, %mul3A_722 : i32
        %mul3A_724 = arith.constant 128 : i32
        %mul3A_725 = arith.muli %add3A_723, %mul3A_724 : i32
        %multiple_of3A_726 = tpu.assume_multiple %mul3A_725, 128 : i32
        %dma_start3A_727 = tpu.memref_slice %arg3[%multiple_of3A_726] : memref<51200xi32, #tpu.memory_space<hbm>> -> memref<128xi32, #tpu.memory_space<hbm>>
        %dma_start3A_728 = tpu.memref_slice %arg3[%multiple_of3A_726] : memref<51200xi32, #tpu.memory_space<hbm>> -> memref<128xi32, #tpu.memory_space<hbm>>
        tpu.enqueue_dma source(%dma_start3A_728 : memref<128xi32, #tpu.memory_space<hbm>>) target(%arg9 : memref<128xi32, #tpu.memory_space<vmem>>) target_semaphore(%arg25 : memref<!tpu.dma_semaphore, #tpu.memory_space<semaphore_mem>>)
        %mul3A_729 = arith.constant 4 : i32
        %mul3A_730 = arith.muli %mul3A_729, %add3A_720 : i32
        %add3A_731 = arith.addi %select_n3A_30, %mul3A_730 : i32
        %mul3A_732 = arith.constant 128 : i32
        %mul3A_733 = arith.muli %add3A_731, %mul3A_732 : i32
        %multiple_of3A_734 = tpu.assume_multiple %mul3A_733, 128 : i32
        %dma_start3A_735 = tpu.memref_slice %arg4[%multiple_of3A_734] : memref<51200xi32, #tpu.memory_space<hbm>> -> memref<128xi32, #tpu.memory_space<hbm>>
        %dma_start3A_736 = tpu.memref_slice %arg4[%multiple_of3A_734] : memref<51200xi32, #tpu.memory_space<hbm>> -> memref<128xi32, #tpu.memory_space<hbm>>
        tpu.enqueue_dma source(%dma_start3A_736 : memref<128xi32, #tpu.memory_space<hbm>>) target(%arg11 : memref<128xi32, #tpu.memory_space<vmem>>) target_semaphore(%arg25 : memref<!tpu.dma_semaphore, #tpu.memory_space<semaphore_mem>>)
      } else {
      }
      scf.yield %add3A_703 : vector<16xf32>
    }
    %scan3A_213 = arith.constant 50 : i32
    %not3A = arith.constant true
    %not3A_214 = arith.xori %eq3A_34, %not3A : i1
    %convert_element_type3A = arith.extui %not3A_214 : i1 to i32
    %cond3A = arith.constant 0 : i32
    %cond3A_215 = arith.cmpi ne, %convert_element_type3A, %cond3A : i32
    scf.if %cond3A_215 {
      %add3A_231 = arith.constant 392 : i32
      %add3A_232 = arith.addi %select_n3A_30, %add3A_231 : i32
      %mul3A_233 = arith.constant 128 : i32
      %mul3A_234 = arith.muli %add3A_232, %mul3A_233 : i32
      %multiple_of3A_235 = tpu.assume_multiple %mul3A_234, 128 : i32
      %dma_wait3A = arith.constant 0 : i32
      %dma_wait3A_236 = arith.constant 0 : i32
      %dma_wait3A_237 = tpu.memref_slice %arg16[%dma_wait3A, %dma_wait3A_236] : memref<128x128xf32, #tpu.memory_space<vmem>> -> memref<128x128xf32, #tpu.memory_space<vmem>>
      %dma_wait3A_238 = tpu.memref_slice %arg6[%multiple_of3A, %multiple_of3A_235] : memref<1000x51200xf32, #tpu.memory_space<hbm>> -> memref<128x128xf32, #tpu.memory_space<hbm>>
      %dma_wait3A_239 = tpu.memref_slice %arg6[%multiple_of3A, %multiple_of3A_235] : memref<1000x51200xf32, #tpu.memory_space<hbm>> -> memref<128x128xf32, #tpu.memory_space<hbm>>
      %dma_wait3A_240 = arith.constant 0 : i32
      %dma_wait3A_241 = arith.constant 0 : i32
      %dma_wait3A_242 = tpu.memref_slice %arg16[%dma_wait3A_240, %dma_wait3A_241] : memref<128x128xf32, #tpu.memory_space<vmem>> -> memref<128x128xf32, #tpu.memory_space<vmem>>
      tpu.wait_dma2 semaphore(%arg22 : memref<!tpu.dma_semaphore, #tpu.memory_space<semaphore_mem>>) src(%dma_wait3A_242 : memref<128x128xf32, #tpu.memory_space<vmem>>) dst(%dma_wait3A_239 : memref<128x128xf32, #tpu.memory_space<hbm>>)
    } else {
    }
    %convert_element_type3A_216 = arith.extui %eq3A_34 : i1 to i32
    %cond3A_217 = arith.constant 0 : i32
    %cond3A_218 = arith.cmpi ne, %convert_element_type3A_216, %cond3A_217 : i32
    scf.if %cond3A_218 {
      %add3A_231 = arith.constant 392 : i32
      %add3A_232 = arith.addi %select_n3A_30, %add3A_231 : i32
      %mul3A_233 = arith.constant 128 : i32
      %mul3A_234 = arith.muli %add3A_232, %mul3A_233 : i32
      %multiple_of3A_235 = tpu.assume_multiple %mul3A_234, 128 : i32
      %dma_wait3A = arith.constant 0 : i32
      %dma_wait3A_236 = arith.constant 0 : i32
      %dma_wait3A_237 = tpu.memref_slice %arg16[%dma_wait3A, %dma_wait3A_236] : memref<128x128xf32, #tpu.memory_space<vmem>> -> memref<104x128xf32, #tpu.memory_space<vmem>>
      %dma_wait3A_238 = tpu.memref_slice %arg6[%multiple_of3A, %multiple_of3A_235] : memref<1000x51200xf32, #tpu.memory_space<hbm>> -> memref<104x128xf32, #tpu.memory_space<hbm>>
      %dma_wait3A_239 = tpu.memref_slice %arg6[%multiple_of3A, %multiple_of3A_235] : memref<1000x51200xf32, #tpu.memory_space<hbm>> -> memref<104x128xf32, #tpu.memory_space<hbm>>
      %dma_wait3A_240 = arith.constant 0 : i32
      %dma_wait3A_241 = arith.constant 0 : i32
      %dma_wait3A_242 = tpu.memref_slice %arg16[%dma_wait3A_240, %dma_wait3A_241] : memref<128x128xf32, #tpu.memory_space<vmem>> -> memref<104x128xf32, #tpu.memory_space<vmem>>
      tpu.wait_dma2 semaphore(%arg22 : memref<!tpu.dma_semaphore, #tpu.memory_space<semaphore_mem>>) src(%dma_wait3A_242 : memref<104x128xf32, #tpu.memory_space<vmem>>) dst(%dma_wait3A_239 : memref<104x128xf32, #tpu.memory_space<hbm>>)
    } else {
    }
    %not3A_219 = arith.constant true
    %not3A_220 = arith.xori %eq3A_34, %not3A_219 : i1
    %convert_element_type3A_221 = arith.extui %not3A_220 : i1 to i32
    %cond3A_222 = arith.constant 0 : i32
    %cond3A_223 = arith.cmpi ne, %convert_element_type3A_221, %cond3A_222 : i32
    scf.if %cond3A_223 {
      %add3A_231 = arith.constant 396 : i32
      %add3A_232 = arith.addi %select_n3A_30, %add3A_231 : i32
      %mul3A_233 = arith.constant 128 : i32
      %mul3A_234 = arith.muli %add3A_232, %mul3A_233 : i32
      %multiple_of3A_235 = tpu.assume_multiple %mul3A_234, 128 : i32
      %dma_wait3A = arith.constant 0 : i32
      %dma_wait3A_236 = arith.constant 0 : i32
      %dma_wait3A_237 = tpu.memref_slice %arg17[%dma_wait3A, %dma_wait3A_236] : memref<128x128xf32, #tpu.memory_space<vmem>> -> memref<128x128xf32, #tpu.memory_space<vmem>>
      %dma_wait3A_238 = tpu.memref_slice %arg6[%multiple_of3A, %multiple_of3A_235] : memref<1000x51200xf32, #tpu.memory_space<hbm>> -> memref<128x128xf32, #tpu.memory_space<hbm>>
      %dma_wait3A_239 = tpu.memref_slice %arg6[%multiple_of3A, %multiple_of3A_235] : memref<1000x51200xf32, #tpu.memory_space<hbm>> -> memref<128x128xf32, #tpu.memory_space<hbm>>
      %dma_wait3A_240 = arith.constant 0 : i32
      %dma_wait3A_241 = arith.constant 0 : i32
      %dma_wait3A_242 = tpu.memref_slice %arg17[%dma_wait3A_240, %dma_wait3A_241] : memref<128x128xf32, #tpu.memory_space<vmem>> -> memref<128x128xf32, #tpu.memory_space<vmem>>
      tpu.wait_dma2 semaphore(%arg23 : memref<!tpu.dma_semaphore, #tpu.memory_space<semaphore_mem>>) src(%dma_wait3A_242 : memref<128x128xf32, #tpu.memory_space<vmem>>) dst(%dma_wait3A_239 : memref<128x128xf32, #tpu.memory_space<hbm>>)
    } else {
    }
    %convert_element_type3A_224 = arith.extui %eq3A_34 : i1 to i32
    %cond3A_225 = arith.constant 0 : i32
    %cond3A_226 = arith.cmpi ne, %convert_element_type3A_224, %cond3A_225 : i32
    scf.if %cond3A_226 {
      %add3A_231 = arith.constant 396 : i32
      %add3A_232 = arith.addi %select_n3A_30, %add3A_231 : i32
      %mul3A_233 = arith.constant 128 : i32
      %mul3A_234 = arith.muli %add3A_232, %mul3A_233 : i32
      %multiple_of3A_235 = tpu.assume_multiple %mul3A_234, 128 : i32
      %dma_wait3A = arith.constant 0 : i32
      %dma_wait3A_236 = arith.constant 0 : i32
      %dma_wait3A_237 = tpu.memref_slice %arg17[%dma_wait3A, %dma_wait3A_236] : memref<128x128xf32, #tpu.memory_space<vmem>> -> memref<104x128xf32, #tpu.memory_space<vmem>>
      %dma_wait3A_238 = tpu.memref_slice %arg6[%multiple_of3A, %multiple_of3A_235] : memref<1000x51200xf32, #tpu.memory_space<hbm>> -> memref<104x128xf32, #tpu.memory_space<hbm>>
      %dma_wait3A_239 = tpu.memref_slice %arg6[%multiple_of3A, %multiple_of3A_235] : memref<1000x51200xf32, #tpu.memory_space<hbm>> -> memref<104x128xf32, #tpu.memory_space<hbm>>
      %dma_wait3A_240 = arith.constant 0 : i32
      %dma_wait3A_241 = arith.constant 0 : i32
      %dma_wait3A_242 = tpu.memref_slice %arg17[%dma_wait3A_240, %dma_wait3A_241] : memref<128x128xf32, #tpu.memory_space<vmem>> -> memref<104x128xf32, #tpu.memory_space<vmem>>
      tpu.wait_dma2 semaphore(%arg23 : memref<!tpu.dma_semaphore, #tpu.memory_space<semaphore_mem>>) src(%dma_wait3A_242 : memref<104x128xf32, #tpu.memory_space<vmem>>) dst(%dma_wait3A_239 : memref<104x128xf32, #tpu.memory_space<hbm>>)
    } else {
    }
    %swap3A_227 = arith.constant 0 : index
    %swap3A_228 = tpu.vector_load %arg19[%swap3A_227] {strides = array<i32>} : memref<16xf32, #tpu.memory_space<vmem>>, vector<16xf32>,
    tpu.vector_store %arg19[%swap3A_227], %scan3A_212 {strides = array<i32>} : memref<16xf32, #tpu.memory_space<vmem>>, vector<16xf32>,
    %mul3A_229 = arith.constant 16 : i32
    %mul3A_230 = arith.muli %add3A, %mul3A_229 : i32
    "tpu.region"() ({
      %run_scoped3A = tpu.sem_alloc : memref<!tpu.dma_semaphore, #tpu.memory_space<semaphore_mem>>
      %dma_start3A_231 = tpu.memref_slice %arg7[%mul3A_230] : memref<512xf32, #tpu.memory_space<hbm>> -> memref<16xf32, #tpu.memory_space<hbm>>
      %dma_start3A_232 = tpu.memref_slice %arg7[%mul3A_230] : memref<512xf32, #tpu.memory_space<hbm>> -> memref<16xf32, #tpu.memory_space<hbm>>
      tpu.enqueue_dma source(%arg19 : memref<16xf32, #tpu.memory_space<vmem>>) target(%dma_start3A_232 : memref<16xf32, #tpu.memory_space<hbm>>) target_semaphore(%run_scoped3A : memref<!tpu.dma_semaphore, #tpu.memory_space<semaphore_mem>>)
      %dma_wait3A = tpu.memref_slice %arg7[%mul3A_230] : memref<512xf32, #tpu.memory_space<hbm>> -> memref<16xf32, #tpu.memory_space<hbm>>
      %dma_wait3A_233 = tpu.memref_slice %arg7[%mul3A_230] : memref<512xf32, #tpu.memory_space<hbm>> -> memref<16xf32, #tpu.memory_space<hbm>>
      tpu.wait_dma2 semaphore(%run_scoped3A : memref<!tpu.dma_semaphore, #tpu.memory_space<semaphore_mem>>) src(%arg19 : memref<16xf32, #tpu.memory_space<vmem>>) dst(%dma_wait3A_233 : memref<16xf32, #tpu.memory_space<hbm>>)
      tpu.yield
    }) : () -> ()
    return
  }
}

module attributes {stable_mosaic.version = 14 : i64} {
  func.func @_prep_body(%arg0: memref<1000x1000xf32, #tpu.memory_space<vmem>>, %arg1: memref<1000x1xf32, #tpu.memory_space<vmem>>, %arg2: memref<8000x128xf32, #tpu.memory_space<vmem>>) attributes {dimension_semantics = [], scalar_prefetch = 0 : i64, scratch_operands = 0 : i64, tpu.core_type = #tpu.core_type<tc>} {
    %get3A = arith.constant 0 : index
    %get3A_0 = arith.constant 0 : index
    %get3A_1 = vector.load %arg0[%get3A, %get3A_0] : memref<1000x1000xf32, #tpu.memory_space<vmem>>, vector<1000x1000xf32>
    %reduce_max3A = arith.constant dense<0xFF800000> : vector<1000xf32>
    %reduce_max3A_2 = vector.multi_reduction <maximumf>, %get3A_1, %reduce_max3A [1] : vector<1000x1000xf32> to vector<1000xf32>
    %broadcast_in_dim3A = vector.shape_cast %reduce_max3A_2 : vector<1000xf32> to vector<1000x1xf32>
    %sub3A = vector.broadcast %broadcast_in_dim3A : vector<1000x1xf32> to vector<1000x1000xf32>
    %sub3A_3 = arith.subf %get3A_1, %sub3A : vector<1000x1000xf32>
    %exp3A = math.exp %sub3A_3 : vector<1000x1000xf32>
    %reduce_sum3A = arith.constant dense<0.000000e+00> : vector<1000xf32>
    %reduce_sum3A_4 = vector.multi_reduction <add>, %exp3A, %reduce_sum3A [1] : vector<1000x1000xf32> to vector<1000xf32>
    %broadcast_in_dim3A_5 = vector.shape_cast %reduce_sum3A_4 : vector<1000xf32> to vector<1000x1xf32>
    %log3A = math.log %broadcast_in_dim3A_5 : vector<1000x1xf32>
    %add3A = arith.addf %log3A, %broadcast_in_dim3A : vector<1000x1xf32>
    %swap3A = arith.constant 0 : index
    %swap3A_6 = arith.constant 0 : index
    %swap3A_7 = vector.load %arg1[%swap3A, %swap3A_6] : memref<1000x1xf32, #tpu.memory_space<vmem>>, vector<1000x1xf32>
    tpu.vector_store %arg1[%swap3A, %swap3A_6], %add3A {strides = array<i32>} : memref<1000x1xf32, #tpu.memory_space<vmem>>, vector<1000x1xf32>,
    %slice3A = vector.extract_strided_slice %get3A_1 {offsets = [0, 0], sizes = [1000, 128], strides = [1, 1]} : vector<1000x1000xf32> to vector<1000x128xf32>
    %swap3A_8 = arith.constant 0 : index
    %swap3A_9 = arith.constant 0 : index
    %swap3A_10 = vector.load %arg2[%swap3A_8, %swap3A_9] : memref<8000x128xf32, #tpu.memory_space<vmem>>, vector<1000x128xf32>
    tpu.vector_store %arg2[%swap3A_8, %swap3A_9], %slice3A {strides = array<i32>} : memref<8000x128xf32, #tpu.memory_space<vmem>>, vector<1000x128xf32>,
    %slice3A_11 = vector.extract_strided_slice %get3A_1 {offsets = [0, 128], sizes = [1000, 128], strides = [1, 1]} : vector<1000x1000xf32> to vector<1000x128xf32>
    %swap3A_12 = arith.constant 1000 : index
    %swap3A_13 = arith.constant 0 : index
    %swap3A_14 = vector.load %arg2[%swap3A_12, %swap3A_13] : memref<8000x128xf32, #tpu.memory_space<vmem>>, vector<1000x128xf32>
    tpu.vector_store %arg2[%swap3A_12, %swap3A_13], %slice3A_11 {strides = array<i32>} : memref<8000x128xf32, #tpu.memory_space<vmem>>, vector<1000x128xf32>,
    %slice3A_15 = vector.extract_strided_slice %get3A_1 {offsets = [0, 256], sizes = [1000, 128], strides = [1, 1]} : vector<1000x1000xf32> to vector<1000x128xf32>
    %swap3A_16 = arith.constant 2000 : index
    %swap3A_17 = arith.constant 0 : index
    %swap3A_18 = vector.load %arg2[%swap3A_16, %swap3A_17] : memref<8000x128xf32, #tpu.memory_space<vmem>>, vector<1000x128xf32>
    tpu.vector_store %arg2[%swap3A_16, %swap3A_17], %slice3A_15 {strides = array<i32>} : memref<8000x128xf32, #tpu.memory_space<vmem>>, vector<1000x128xf32>,
    %slice3A_19 = vector.extract_strided_slice %get3A_1 {offsets = [0, 384], sizes = [1000, 128], strides = [1, 1]} : vector<1000x1000xf32> to vector<1000x128xf32>
    %swap3A_20 = arith.constant 3000 : index
    %swap3A_21 = arith.constant 0 : index
    %swap3A_22 = vector.load %arg2[%swap3A_20, %swap3A_21] : memref<8000x128xf32, #tpu.memory_space<vmem>>, vector<1000x128xf32>
    tpu.vector_store %arg2[%swap3A_20, %swap3A_21], %slice3A_19 {strides = array<i32>} : memref<8000x128xf32, #tpu.memory_space<vmem>>, vector<1000x128xf32>,
    %slice3A_23 = vector.extract_strided_slice %get3A_1 {offsets = [0, 512], sizes = [1000, 128], strides = [1, 1]} : vector<1000x1000xf32> to vector<1000x128xf32>
    %swap3A_24 = arith.constant 4000 : index
    %swap3A_25 = arith.constant 0 : index
    %swap3A_26 = vector.load %arg2[%swap3A_24, %swap3A_25] : memref<8000x128xf32, #tpu.memory_space<vmem>>, vector<1000x128xf32>
    tpu.vector_store %arg2[%swap3A_24, %swap3A_25], %slice3A_23 {strides = array<i32>} : memref<8000x128xf32, #tpu.memory_space<vmem>>, vector<1000x128xf32>,
    %slice3A_27 = vector.extract_strided_slice %get3A_1 {offsets = [0, 640], sizes = [1000, 128], strides = [1, 1]} : vector<1000x1000xf32> to vector<1000x128xf32>
    %swap3A_28 = arith.constant 5000 : index
    %swap3A_29 = arith.constant 0 : index
    %swap3A_30 = vector.load %arg2[%swap3A_28, %swap3A_29] : memref<8000x128xf32, #tpu.memory_space<vmem>>, vector<1000x128xf32>
    tpu.vector_store %arg2[%swap3A_28, %swap3A_29], %slice3A_27 {strides = array<i32>} : memref<8000x128xf32, #tpu.memory_space<vmem>>, vector<1000x128xf32>,
    %slice3A_31 = vector.extract_strided_slice %get3A_1 {offsets = [0, 768], sizes = [1000, 128], strides = [1, 1]} : vector<1000x1000xf32> to vector<1000x128xf32>
    %swap3A_32 = arith.constant 6000 : index
    %swap3A_33 = arith.constant 0 : index
    %swap3A_34 = vector.load %arg2[%swap3A_32, %swap3A_33] : memref<8000x128xf32, #tpu.memory_space<vmem>>, vector<1000x128xf32>
    tpu.vector_store %arg2[%swap3A_32, %swap3A_33], %slice3A_31 {strides = array<i32>} : memref<8000x128xf32, #tpu.memory_space<vmem>>, vector<1000x128xf32>,
    %slice3A_35 = vector.extract_strided_slice %get3A_1 {offsets = [0, 896], sizes = [1000, 104], strides = [1, 1]} : vector<1000x1000xf32> to vector<1000x104xf32>
    %broadcast_in_dim3A_36 = arith.constant 0.000000e+00 : f32
    %broadcast_in_dim3A_37 = vector.broadcast %broadcast_in_dim3A_36 : f32 to vector<1000x24xf32>
    %concatenate3A = tpu.concatenate %slice3A_35, %broadcast_in_dim3A_37 in 1 : vector<1000x104xf32>, vector<1000x24xf32> -> vector<1000x128xf32>
    %swap3A_38 = arith.constant 7000 : index
    %swap3A_39 = arith.constant 0 : index
    %swap3A_40 = vector.load %arg2[%swap3A_38, %swap3A_39] : memref<8000x128xf32, #tpu.memory_space<vmem>>, vector<1000x128xf32>
    tpu.vector_store %arg2[%swap3A_38, %swap3A_39], %concatenate3A {strides = array<i32>} : memref<8000x128xf32, #tpu.memory_space<vmem>>, vector<1000x128xf32>,
    return
  }
}

module attributes {stable_mosaic.version = 14 : i64} {
  func.func @_finalize_body(%arg0: memref<32x16xf32, #tpu.memory_space<vmem>>, %arg1: memref<1x1xf32, #tpu.memory_space<vmem>>) attributes {dimension_semantics = [], scalar_prefetch = 0 : i64, scratch_operands = 0 : i64, tpu.core_type = #tpu.core_type<tc>} {
    %get3A = arith.constant 0 : index
    %get3A_0 = arith.constant 0 : index
    %get3A_1 = vector.load %arg0[%get3A, %get3A_0] : memref<32x16xf32, #tpu.memory_space<vmem>>, vector<32x16xf32>
    %reduce_sum3A = vector.shape_cast %get3A_1 : vector<32x16xf32> to vector<1x32x16xf32>
    %reduce_sum3A_2 = arith.constant dense<0.000000e+00> : vector<1xf32>
    %reduce_sum3A_3 = vector.multi_reduction <add>, %reduce_sum3A, %reduce_sum3A_2 [1, 2] : vector<1x32x16xf32> to vector<1xf32>
    %reduce_sum3A_4 = vector.shape_cast %reduce_sum3A_3 : vector<1xf32> to vector<1x1x1xf32>
    %reduce_sum3A_5 = vector.extract %reduce_sum3A_4[0, 0, 0] : f32 from vector<1x1x1xf32>
    %broadcast_in_dim3A = vector.broadcast %reduce_sum3A_5 : f32 to vector<1x1xf32>
    %mul3A = arith.constant 1.95312496E-5 : f32
    %mul3A_6 = vector.broadcast %mul3A : f32 to vector<1x1xf32>
    %mul3A_7 = arith.mulf %broadcast_in_dim3A, %mul3A_6 : vector<1x1xf32>
    %swap3A = arith.constant 0 : index
    %swap3A_8 = arith.constant 0 : index
    %swap3A_9 = vector.load %arg1[%swap3A, %swap3A_8] : memref<1x1xf32, #tpu.memory_space<vmem>>, vector<1x1xf32>
    tpu.vector_store %arg1[%swap3A, %swap3A_8], %mul3A_7 {strides = array<i32>} : memref<1x1xf32, #tpu.memory_space<vmem>>, vector<1x1xf32>,
    return
  }
}

</mosaic_0001>

<sc_bundles>
// kernel: kernel.5.cloned.1.call-start
scs
__scs_entry_jumppad:
0x0: {  	(pc) =	sbr.rel $0x88, $3  }
0x1: {  	(tag) =	ssettag $0x0;
	lr =	simm.s32 $0x1  }
0x2: {  	[smem:$0x3F9E] =	sst lr;
	_ =	strace $0xD0000000  }
0x3: {  	_ = 	snop  }
0x4: {  	_ = 	snop  }
0x5: {  	_ = 	snop  }
0x6: {  	_ = 	snop  }
0x7: {  	_ = 	snop  }
__scs_overlays_trampoline_lowered:
0x8: {  	[smem:$0x3FAD] =	sst s0  }
0x9: {  	[smem:$0x3FAE] =	sst s1  }
0xa: {  	[smem:$0x3FAF] =	sst s2  }
0xb: {  	[smem:$0x3FB0] =	sst s3  }
0xc: {  	[smem:$0x3FB1] =	sst s4  }
0xd: {  	[smem:$0x3FB2] =	sst s5  }
0xe: {  	[smem:$0x3FB3] =	sst s6  }
0xf: {  	[smem:$0x3FB4] =	sst s7  }
0x10: {  	[smem:$0x3FB5] =	sst s8  }
0x11: {  	[smem:$0x3FB6] =	sst s9;
	s0 =	simm.s32 @!p0 $0x0  }
0x12: {  	s1 =	sld [smem:$0x3F9C];
	s0 =	simm.s32 @p0 $0x1  }
0x13: {  	[smem:$0x3FB7] =	sst s0;
	s0 =	simm.s32 @!p1 $0x0  }
0x14: {  	s2 =	sld [smem:$0x3F9B];
	s0 =	simm.s32 @p1 $0x1  }
0x15: {  	[smem:$0x3FB8] =	sst s0;
	s0 =	simm.s32 @!p2 $0x0  }
0x16: {  	s3 =	sld [smem:$0x3FDB];
	s0 =	simm.s32 @p2 $0x1  }
0x17: {  	s4 =	simm.s32 $0x1BF5;
	[smem:$0x3FBA] =	sst s0  }
0x18: {  	s0 =	sld [smem:$0x3F9D];
	_ =	swait.ge [sflag:s4], $0x0  }
0x19: {  	s7 =	sld [smem:$0x3F9E]  }
0x1a: {  	s8 =	sadd.s32 $0xFFFFE003, lr  }
0x1b: {  	s9 =	sadd.s32 $0xFFFFFEF7, lr;
	s5 =	simm.s32 $0xFFFFFFFF;
	p2 =	slt.u32 s8, $0xFFFFF086  }
0x1c: {  	p1 =	slt.u32 s9, $0xF7A;
	s5 =	simm.s32 @!p2 $0x0  }
0x1d: {  	s5 =	simm.s32 @p1 $0x1;
	p0 =	seq.s32 s7, s2  }
0x1e: {  	s7 =	smul.u32 @!p0 $0xF7A, s2;
	p2 =	seq.s32 @!p0 s5, $0x0  }
0x1f: {  	s9 =	smul.u32 $0xF7A, s1;
	s8 =	simm.s32 @!p0 $0x1BF5;
	p2 =	por !p2, p0  }
0x20: {  	[sflag:s8] =	ssyncset.s32 @!p0 $0xFFFFF086;
	s6 =	sadd.s32 @!p0 s3, s7;
	s7 =	simm.s32 @!p0 $0x108  }
0x21: {  	s3 =	sadd.s32 s3, s9;
	s6 =	sadd.s32 @!p0 $0x88, s6;
	s7 =	simm.s32 @p2 $0x1082  }
0x22: {  	[simem:s7], [sflag:s8] =	dma.local @!p0 [hbm:s6], $0xF7A  }
0x23: {  	s9 =	sor.u32 $0xD0000000, s2;
	s6 =	simm.s32 $0x108;
	_ =	swait.ge @!p0 [sflag:s8], $0x0  }
0x24: {  	s3 =	sadd.s32 $0x88, s3;
	s6 =	simm.s32 @!p1 $0x1082;
	[sflag:s4] =	ssyncset.s32 $0xFFFFF086  }
0x25: {  	[simem:s6], [sflag:s4] =	dma.local [hbm:s3], $0xF7A  }
0x26: {  	[smem:$0x3F9E] =	sst s1;
	(tag) =	ssettag s2;
	_ =	strace s9  }
0x27: {  	s1 =	sld [smem:$0x3FAE]  }
0x28: {  	s2 =	sld [smem:$0x3FAF]  }
0x29: {  	s4 =	sld [smem:$0x3FB1]  }
0x2a: {  	p0 =	seq.s32 s5, $0x0;
	s5 =	sld [smem:$0x3FB2]  }
0x2b: {  	s6 =	sld [smem:$0x3FB3]  }
0x2c: {  	s7 =	sld [smem:$0x3FB4]  }
0x2d: {  	s3 =	simm.s32 $0x108;
	s8 =	sld [smem:$0x3FB5]  }
0x2e: {  	s3 =	simm.s32 @!p0 $0x1082;
	s9 =	sld [smem:$0x3FB6]  }
0x2f: {  	lr =	sadd.s32 s0, s3;
	s0 =	sld [smem:$0x3FAD]  }
0x30: {  	s3 =	sld [smem:$0x3FB0]  }
0x31: {  	[smem:$0x3FB9] =	sst s10  }
0x32: {  	s10 =	sld [smem:$0x3FB7];
	_ =	sdelay $0x3  }
0x33: {  	p0 =	seq.s32 s10, $0x1;
	s10 =	sld [smem:$0x3FB9];
	_ =	sdelay $0x3  }
0x34: {  	[smem:$0x3FB9] =	sst s10  }
0x35: {  	s10 =	sld [smem:$0x3FB8];
	_ =	sdelay $0x3  }
0x36: {  	p1 =	seq.s32 s10, $0x1;
	s10 =	sld [smem:$0x3FB9];
	_ =	sdelay $0x3  }
0x37: {  	[smem:$0x3FB9] =	sst s10  }
0x38: {  	s10 =	sld [smem:$0x3FBA]  }
0x39: {  	_ = 	snop;
	(pc) =	sbr.ind lr, $3  }
0x3a: {  	_ = 	snop  }
0x3b: {  	_ = 	snop  }
0x3c: {  	p2 =	seq.s32 s10, $0x1;
	s10 =	sld [smem:$0x3FB9]  }
0x3d: {  	_ =	shalt  }
0x3e: {  	_ =	shalt  }
0x3f: {  	_ =	shalt  }
0x40: {  	_ =	shalt  }
0x41: {  	_ =	shalt  }
0x42: {  	_ =	shalt  }
0x43: {  	_ =	shalt  }
0x44: {  	_ =	shalt  }
0x45: {  	_ =	shalt  }
0x46: {  	_ =	shalt  }
0x47: {  	_ =	shalt  }
0x48: {  	_ =	shalt  }
0x49: {  	_ =	shalt  }
0x4a: {  	_ =	shalt  }
0x4b: {  	_ =	shalt  }
0x4c: {  	_ =	shalt  }
0x4d: {  	_ =	shalt  }
0x4e: {  	_ =	shalt  }
0x4f: {  	_ =	shalt  }
0x50: {  	_ =	shalt  }
0x51: {  	_ =	shalt  }
0x52: {  	_ =	shalt  }
0x53: {  	_ =	shalt  }
0x54: {  	_ =	shalt  }
0x55: {  	_ =	shalt  }
0x56: {  	_ =	shalt  }
0x57: {  	_ =	shalt  }
0x58: {  	_ =	shalt  }
0x59: {  	_ =	shalt  }
0x5a: {  	_ =	shalt  }
0x5b: {  	_ =	shalt  }
0x5c: {  	_ =	shalt  }
0x5d: {  	_ =	shalt  }
0x5e: {  	_ =	shalt  }
0x5f: {  	_ =	shalt  }
0x60: {  	_ =	shalt  }
0x61: {  	_ =	shalt  }
0x62: {  	_ =	shalt  }
0x63: {  	_ =	shalt  }
0x64: {  	_ =	shalt  }
0x65: {  	_ =	shalt  }
0x66: {  	_ =	shalt  }
0x67: {  	_ =	shalt  }
0x68: {  	_ =	shalt  }
0x69: {  	_ =	shalt  }
0x6a: {  	_ =	shalt  }
0x6b: {  	_ =	shalt  }
0x6c: {  	_ =	shalt  }
0x6d: {  	_ =	shalt  }
0x6e: {  	_ =	shalt  }
0x6f: {  	_ =	shalt  }
0x70: {  	_ =	shalt  }
0x71: {  	_ =	shalt  }
0x72: {  	_ =	shalt  }
0x73: {  	_ =	shalt  }
0x74: {  	_ =	shalt  }
0x75: {  	_ =	shalt  }
0x76: {  	_ =	shalt  }
0x77: {  	_ =	shalt  }
0x78: {  	_ =	shalt  }
0x79: {  	_ =	shalt  }
0x7a: {  	_ =	shalt  }
0x7b: {  	_ =	shalt  }
0x7c: {  	_ =	shalt  }
0x7d: {  	_ =	shalt  }
0x7e: {  	_ =	shalt  }
0x7f: {  	_ =	shalt  }
0x80: {  	_ =	shalt  }
0x81: {  	_ =	shalt  }
0x82: {  	_ =	shalt  }
0x83: {  	_ =	shalt  }
0x84: {  	_ =	shalt  }
0x85: {  	_ =	shalt  }
0x86: {  	_ =	shalt  }
0x87: {  	_ =	shalt  }
.Lfunc_end0:
.L_simem_size_0:
called_computation_lowered:
.L_overlay_start_0:
0x88: {  	s2 =	sld [smem:$0x3FD9]  }
0x89: {  	s3 =	sld [smem:$0x3FFE];
	_ =	sdelay $0x1  }
0x8a: {  	s1 =	srdreg.scid  }
0x8b: {  	s0 =	sand.u32 $0x1, s1  }
0x8c: {  	s14 =	sshll.u32 s0, $0xA;
	s2 =	sadd.s32 s3, s2  }
0x8d: {  	s2 =	sadd.s32 s2, s14  }
0x8e: {  	[smem:$0x3FC5] =	sst s2  }
0x8f: {  	_ = 	snop  }
0x90: {  	s2 =	sld [smem:$0x3FD0];
	_ =	sdelay $0x2  }
0x91: {  	s15 =	simm.s32 $0xA;
	s4 =	simm.s32 $0x10  }
0x92: {  	[smem:s4], [sflag:s15] =	dma.local [hbm:s2], $0x1  }
0x93: {  	_ =	swait.eq [sflag:s15], $0x1  }
0x94: {  	[sflag:s15] =	ssyncset.done $0x0  }
0x95: {  	[sflag:s15] =	ssyncadd.s32 $0xFFFFFFFF  }
0x96: {  	s16 =	sld [smem:$0x10];
	(tm) =	ssettm $0x1  }
0x97: {  	s17 =	sld [smem:$0x3FFB];
	_ =	sdelay $0x3  }
0x98: {  	_ =	strace s17  }
0x99: {  	s3 =	sld [smem:$0x3FFC];
	_ =	sdelay $0x3  }
0x9a: {  	_ =	strace s3  }
0x9b: {  	s3 =	sld [smem:$0x3FFD];
	_ =	sdelay $0x3  }
0x9c: {  	_ =	strace s3  }
0x9d: {  	_ =	strace $0x8FFFFFFF  }
0x9e: {  	s18 =	sld [smem:$0x3FDB];
	_ =	sdelay $0x1  }
0x9f: {  	s19 =	simm.s32 $_scs_section_size  }
0xa0: {  	s5 =	simm.s32 $_size__tile_overlayer_lowered;
	s6 =	simm.s32 $_tile_overlayer_lowered  }
0xa1: {  	s22 =	simm.s32 $0x1BFF;
	s21 =	sshll.u32 s6, $0x1;
	s3 =	sadd.s32 s19, s18  }
0xa2: {  	s7 =	simm.s32 $0x0;
	s20 =	sshll.u32 s5, $0x1;
	s5 =	sadd.s32 s21, s3  }
0xa3: {  	[timem:s7], [sflag:s22] =	dma.local [hbm:s5], s20  }
0xa4: {  	_ =	swait.ge [sflag:s22], s20  }
0xa5: {  	s4 =	ssub.s32 $0x0, s20;
	[sflag:s22] =	ssyncset.done $0x0  }
0xa6: {  	[sflag:s22] =	ssyncadd.s32 s4;
	_ =	sdelay $0x1  }
0xa7: {  	s23 =	simm.s32 $0x1B8B  }
0xa8: {  	_ =	swait.ge [sflag:s23], $0x1  }
0xa9: {  	[sflag:s23] =	ssyncset.done $0x0  }
0xaa: {  	s25 =	simm.s32 $0x1B8E;
	s24 =	sld [smem:$0x3FFE];
	[sflag:s23] =	ssyncadd.s32 $0xFFFFFFFF  }
0xab: {  	s26 =	simm.s32 $execute0_lowered;
	[smem:$0x3FD2] =	sst s25  }
0xac: {  	s5 =	sshll.u32 s26, $0x1;
	_ =	strace $0x80000046;
	[dreg:$0x1] =	wrdreg $0xFFFFFFFF  }
0xad: {  	s28 =	simm.s32 $_size_execute0_lowered;
	s3 =	sadd.s32 s3, s5;
	[dreg:$0x0] =	wrdreg $0x0  }
0xae: {  	s5 =	sshll.u32 s28, $0x1;
	[dreg:$0x2] =	wrdreg s3  }
0xaf: {  	[dreg:$0x3] =	wrdreg s5  }
0xb0: {  	[dreg:$0x4] =	wrdreg $0xC0  }
0xb1: {  	_ =	task [dreg:s7], $0x5FFFF  }
0xb2: {  	[dreg:$0x1] =	wrdreg $0xFFFFFFFF  }
0xb3: {  	[dreg:$0x0] =	wrdreg $0x60  }
0xb4: {  	[dreg:$0x2] =	wrdreg s24  }
0xb5: {  	[dreg:$0x3] =	wrdreg s16  }
0xb6: {  	[dreg:$0x4] =	wrdreg $0x9  }
0xb7: {  	_ =	task.clear_ibuf [dreg:s7], $0x5FFFF;
	_ =	strace $0x90000046  }
0xb8: {  	s29 =	simm.s32 $0x9;
	_ =	strace $0x80000048  }
0xb9: {  	_ =	swait.ge [sflag:s29], $0x1  }
0xba: {  	[sflag:s29] =	ssyncadd.s32 $0xFFFFFFFF  }
0xbb: {  	_ =	strace $0x90000048  }
0xbc: {  	_ =	sfence  }
0xbd: {  	s30 =	sld [smem:$0x0];
	_ =	sdelay $0x2  }
0xbe: {  	s31 =	sshll.u32 s1, $0xD;
	s1 =	sshrl.u32 s1, $0x2  }
0xbf: {  	s3 =	sand.u32 $0x4000, s31;
	s1 =	sadd.s32 s1, s30  }
0xc0: {  	s0 =	sor.u32 s3, s0;
	s1 =	sshll.u32 s1, $0x11  }
0xc1: {  	s0 =	sor.u32 s1, s0  }
0xc2: {  	s0 =	sadd.s32 $0x8F2B, s0  }
0xc3: {  	[sflag:s0] =	ssyncadd.remote.s32 $0x1  }
0xc4: {  	_ =	sfence.sel $0xFFFF  }
0xc5: {  	[dreg:$0x0] =	wrdreg $0xFFFFFFFF;
	(pc) =	sbr.abs _section_cstart, $3  }
0xc6: {  	[dreg:$0x1] =	wrdreg $0xFFFFFFFF  }
0xc7: {  	_ =	task.clear_ibuf [dreg:s7], $0x2FFFF;
	_ =	strace $0x9FFFFFFF  }
0xc8: {  	(tm) =	ssettm $0x7FFFFFFF  }
0xc9: {  	_ =	shalt  }
tec
execute0_lowered:
.L_overlay_start_1:
0x0: {  	(tag) =	ssettag $0x1  }
0x1: {  	v0 =	vimm.s32 $0xFEDCBA9;
	v1 =	vimm.s32 $0x87654321  }
0x2: {  	v61 =	vlaneseq.u32;
	v5 =	vimm.s32 $0x10FEDCBA;
	v6 =	vimm.s32 $0x98765432  }
0x3: {  	v7 =	vimm.s32 $0x210FEDCB;
	v8 =	vimm.s32 $0xA9876543;
	v11 =	vimm.s32 $0x3210FEDC  }
0x4: {  	v12 =	vimm.s32 $0xBA987654;
	v18 =	vimm.s32 $0x543210FE;
	v21 =	vimm.s32 $0x6543210F  }
0x5: {  	v22 =	vimm.s32 $0xEDCBA987;
	v23 =	vimm.s32 $0xFEDCBA98;
	vm14 =	vcmask $0x300  }
0x6: {  	vm13 =	vcmask $0x704;
	vm12 =	vcmask $0xB08;
	vm11 =	vcmask $0xF0C  }
0x7: {  	vm10 =	vcmask $0x1310;
	vm9 =	vcmask $0x1714;
	vm8 =	vcmask $0x1B18  }
0x8: {  	vm2 =	vcmask $0x1F1C;
	vm0 =	vcmask $0x2320;
	vm1 =	vcmask $0x2724  }
0x9: {  	vm3 =	vcmask $0x2B28;
	vm4 =	vcmask $0x2F2C;
	vm5 =	vcmask $0x3330  }
0xa: {  	vm6 =	vcmask $0x3734;
	vm7 =	vcmask $0x3B38;
	v28 =	vimm.s32 $0x280  }
0xb: {  	v29 =	vimm.s32 $0x200;
	v30 =	vimm.s32 $0x180;
	v31 =	vimm.s32 $0x100  }
0xc: {  	v32 =	vimm.s32 $0x80;
	v33 =	vimm.s32 $0x0;
	v0 =	vunpack.c.l.s4.s8 v0  }
0xd: {  	v1 =	vunpack.c.l.s4.s8 v1;
	v5 =	vunpack.c.l.s4.s8 v5;
	v6 =	vunpack.c.l.s4.s8 v6  }
0xe: {  	v7 =	vunpack.c.l.s4.s8 v7;
	v8 =	vunpack.c.l.s4.s8 v8;
	v11 =	vunpack.c.l.s4.s8 v11  }
0xf: {  	v18 =	vunpack.c.l.s4.s8 v18;
	v21 =	vunpack.c.l.s4.s8 v21;
	v22 =	vunpack.c.l.s4.s8 v22  }
0x10: {  	v23 =	vunpack.c.l.s4.s8 v23;
	v28 =	vsel vm14, $0x300, v28;
	v29 =	vsel vm14, $0x280, v29  }
0x11: {  	v30 =	vsel vm14, $0x200, v30;
	v31 =	vsel vm14, $0x180, v31;
	v32 =	vsel vm14, $0x100, v32  }
0x12: {  	v33 =	vsel vm14, $0x80, v33;
	v34 =	vmul.u32 $0x80, v61;
	v28 =	vsel vm13, $0x380, v28  }
0x13: {  	v29 =	vsel vm13, $0x300, v29;
	v30 =	vsel vm13, $0x280, v30;
	v31 =	vsel vm13, $0x200, v31  }
0x14: {  	v32 =	vsel vm13, $0x180, v32;
	v33 =	vsel vm13, $0x100, v33;
	v9 =	vunpack.c.0.s8.s32 v0  }
0x15: {  	v10 =	vunpack.c.0.s8.s32 v1;
	v13 =	vunpack.c.0.s8.s32 v5;
	v14 =	vunpack.c.0.s8.s32 v6  }
0x16: {  	v5 =	vunpack.c.l.s4.s8 v12;
	v12 =	vunpack.c.0.s8.s32 v7;
	v15 =	vunpack.c.0.s8.s32 v8  }
0x17: {  	v16 =	vunpack.c.0.s8.s32 v11;
	v6 =	vimm.s32 $0xCBA98765;
	v18 =	vunpack.c.0.s8.s32 v18  }
0x18: {  	s0 =	srdreg.scid;
	s9 =	stileid.u32;
	v21 =	vunpack.c.0.s8.s32 v21;
	v22 =	vunpack.c.0.s8.s32 v22;
	v23 =	vunpack.c.0.s8.s32 v23  }
0x19: {  	s2 =	sand.u32 $0x1, s0;
	s18 =	sshll.u32 s9, $0x1;
	v28 =	vsel vm12, $0x400, v28;
	v29 =	vsel vm12, $0x380, v29;
	v30 =	vsel vm12, $0x300, v30  }
0x1a: {  	s0 =	sor.u32 s2, s18;
	v31 =	vsel vm12, $0x280, v31;
	v32 =	vsel vm12, $0x200, v32;
	v33 =	vsel vm12, $0x180, v33  }
0x1b: {  	s1 =	sand.u32 $0x7, s0;
	v6 =	vunpack.c.l.s4.s8 v6;
	v28 =	vsel vm11, $0x480, v28;
	v29 =	vsel vm11, $0x400, v29  }
0x1c: {  	s5 =	sshll.u32 s1, $0x7;
	v30 =	vsel vm11, $0x380, v30;
	v31 =	vsel vm11, $0x300, v31;
	v32 =	vsel vm11, $0x280, v32  }
0x1d: {  	v33 =	vsel vm11, $0x200, v33;
	v4 =	vcombine.low v10, v9;
	v59 =	vmov s5  }
0x1e: {  	v17 =	vunpack.c.0.s8.s32 v5;
	v7 =	vcombine.low v14, v13;
	v8 =	vcombine.low v15, v12  }
0x1f: {  	v5 =	vimm.s32 $0x43210FED;
	v26 =	vcombine.low v22, v21;
	v27 =	vcombine.low v9, v10  }
0x20: {  	v23 =	vand.u32 $0xF, v23;
	v13 =	vcombine.low v13, v14;
	v14 =	vcombine.low v12, v15  }
0x21: {  	s4 =	simm.s32 $0x68;
	s3 =	smul.u32 $0x3E8, s1;
	p0 =	seq.s32 s1, $0x7;
	v28 =	vsel vm10, $0x500, v28;
	v29 =	vsel vm10, $0x480, v29;
	v30 =	vsel vm10, $0x400, v30  }
0x22: {  	s4 =	simm.s32 @!p0 $0x80;
	v31 =	vsel vm10, $0x380, v31;
	v32 =	vsel vm10, $0x300, v32;
	v33 =	vsel vm10, $0x280, v33  }
0x23: {  	v58 =	vmov s3;
	v60 =	vmov s4;
	v5 =	vunpack.c.l.s4.s8 v5  }
0x24: {  	v20 =	vunpack.c.0.s8.s32 v6;
	v28 =	vsel vm9, $0x580, v28;
	v29 =	vsel vm9, $0x500, v29  }
0x25: {  	v30 =	vsel vm9, $0x480, v30;
	v31 =	vsel vm9, $0x400, v31;
	v32 =	vsel vm9, $0x380, v32  }
0x26: {  	v33 =	vsel vm9, $0x300, v33;
	v62 =	vand.u32 $0xF, v4;
	v11 =	vcombine.low v17, v16  }
0x27: {  	v63 =	vand.u32 $0xF, v7;
	v6 =	vand.u32 $0xF, v8;
	v10 =	vand.u32 $0xF, v26  }
0x28: {  	v12 =	vand.u32 $0xF, v27;
	v13 =	vand.u32 $0xF, v13;
	v14 =	vand.u32 $0xF, v14  }
0x29: {  	v15 =	vcombine.low v16, v17;
	v16 =	vimm.s32 $0x700;
	v26 =	vimm.s32 $0x380  }
0x2a: {  	v27 =	vimm.s32 $0x300;
	v28 =	vsel vm8, $0x600, v28;
	v29 =	vsel vm8, $0x580, v29  }
0x2b: {  	v30 =	vsel vm8, $0x500, v30;
	v31 =	vsel vm8, $0x480, v31;
	v32 =	vsel vm8, $0x400, v32  }
0x2c: {  	v33 =	vsel vm8, $0x380, v33;
	v19 =	vunpack.c.0.s8.s32 v5;
	v16 =	vsel vm14, $0x780, v16  }
0x2d: {  	v26 =	vsel vm14, $0x400, v26;
	v27 =	vsel vm14, $0x380, v27;
	v28 =	vsel vm2, $0x680, v28  }
0x2e: {  	v29 =	vsel vm2, $0x600, v29;
	v30 =	vsel vm2, $0x580, v30;
	v31 =	vsel vm2, $0x500, v31  }
0x2f: {  	v32 =	vsel vm2, $0x480, v32;
	v33 =	vsel vm2, $0x400, v33;
	v7 =	vand.u32 $0xF, v11  }
0x30: {  	v11 =	vimm.s32 $0xDCBA9876;
	v15 =	vand.u32 $0xF, v15;
	v26 =	vsel vm13, $0x480, v26  }
0x31: {  	v27 =	vsel vm13, $0x400, v27;
	v28 =	vsel vm0, $0x700, v28;
	v29 =	vsel vm0, $0x680, v29  }
0x32: {  	v30 =	vsel vm0, $0x600, v30;
	v31 =	vsel vm0, $0x580, v31;
	v32 =	vsel vm0, $0x500, v32  }
0x33: {  	v33 =	vsel vm0, $0x480, v33;
	v8 =	vcombine.low v20, v19;
	v11 =	vunpack.c.l.s4.s8 v11  }
0x34: {  	v17 =	vcombine.low v19, v20;
	v19 =	vsel vm13, $0x0, v16;
	v26 =	vsel vm12, $0x500, v26  }
0x35: {  	v27 =	vsel vm12, $0x480, v27;
	v28 =	vsel vm1, $0x780, v28;
	v29 =	vsel vm1, $0x700, v29  }
0x36: {  	v30 =	vsel vm1, $0x680, v30;
	v31 =	vsel vm1, $0x600, v31;
	v32 =	vsel vm1, $0x580, v32  }
0x37: {  	v33 =	vsel vm1, $0x500, v33;
	v26 =	vsel vm11, $0x580, v26;
	v27 =	vsel vm11, $0x500, v27  }
0x38: {  	v28 =	vsel vm3, $0x0, v28;
	v29 =	vsel vm3, $0x780, v29;
	v30 =	vsel vm3, $0x700, v30  }
0x39: {  	v31 =	vsel vm3, $0x680, v31;
	v32 =	vsel vm3, $0x600, v32;
	v33 =	vsel vm3, $0x580, v33  }
0x3a: {  	v24 =	vunpack.c.0.s8.s32 v11;
	v11 =	vimm.s32 $0x76543210;
	v8 =	vand.u32 $0xF, v8  }
0x3b: {  	v16 =	vand.u32 $0xF, v17;
	v17 =	vsel vm12, $0x80, v19;
	v19 =	vcombine.low v21, v22  }
0x3c: {  	v21 =	vimm.s32 $0x600;
	v22 =	vimm.s32 $0x580;
	v26 =	vsel vm10, $0x600, v26  }
0x3d: {  	v27 =	vsel vm10, $0x580, v27;
	v28 =	vsel vm4, $0x80, v28;
	v29 =	vsel vm4, $0x0, v29  }
0x3e: {  	v30 =	vsel vm4, $0x780, v30;
	v31 =	vsel vm4, $0x700, v31;
	v32 =	vsel vm4, $0x680, v32  }
0x3f: {  	v33 =	vsel vm4, $0x600, v33;
	v11 =	vunpack.c.l.s4.s8 v11;
	v17 =	vsel vm11, $0x100, v17  }
0x40: {  	v21 =	vsel vm14, $0x680, v21;
	v22 =	vsel vm14, $0x600, v22;
	v26 =	vsel vm9, $0x680, v26  }
0x41: {  	v27 =	vsel vm9, $0x600, v27;
	v28 =	vsel vm5, $0x100, v28;
	v29 =	vsel vm5, $0x80, v29  }
0x42: {  	v30 =	vsel vm5, $0x0, v30;
	v31 =	vsel vm5, $0x780, v31;
	v32 =	vsel vm5, $0x700, v32  }
0x43: {  	v33 =	vsel vm5, $0x680, v33;
	v25 =	vcombine.low v24, v18;
	v18 =	vcombine.low v18, v24  }
0x44: {  	v20 =	vsel vm10, $0x180, v17;
	v21 =	vsel vm13, $0x700, v21;
	v24 =	vimm.s32 $0x480  }
0x45: {  	v22 =	vsel vm13, $0x680, v22;
	v26 =	vsel vm8, $0x700, v26;
	v27 =	vsel vm8, $0x680, v27  }
0x46: {  	v28 =	vsel vm6, $0x180, v28;
	v29 =	vsel vm6, $0x100, v29;
	v30 =	vsel vm6, $0x80, v30  }
0x47: {  	v31 =	vsel vm6, $0x0, v31;
	v32 =	vsel vm6, $0x780, v32;
	v33 =	vsel vm6, $0x700, v33  }
0x48: {  	v11 =	vunpack.c.0.s8.s32 v11;
	v20 =	vsel vm9, $0x200, v20;
	v21 =	vsel vm12, $0x780, v21  }
0x49: {  	v24 =	vsel vm14, $0x500, v24;
	v22 =	vsel vm12, $0x700, v22;
	v26 =	vsel vm2, $0x780, v26  }
0x4a: {  	v27 =	vsel vm2, $0x700, v27;
	v28 =	vsel vm7, $0x200, v28;
	v29 =	vsel vm7, $0x180, v29  }
0x4b: {  	v30 =	vsel vm7, $0x100, v30;
	v31 =	vsel vm7, $0x80, v31;
	v32 =	vsel vm7, $0x0, v32  }
0x4c: {  	v33 =	vsel vm7, $0x780, v33;
	v9 =	vand.u32 $0xF, v25;
	v17 =	vand.u32 $0xF, v18  }
0x4d: {  	v18 =	vand.u32 $0xF, v19;
	v19 =	vsel vm8, $0x280, v20;
	v20 =	vimm.s32 $0x680  }
0x4e: {  	v21 =	vsel vm11, $0x0, v21;
	v24 =	vsel vm13, $0x580, v24;
	v22 =	vsel vm11, $0x780, v22  }
0x4f: {  	v25 =	vimm.s32 $0x400;
	v26 =	vsel vm0, $0x0, v26;
	v27 =	vsel vm0, $0x780, v27  }
0x50: {  	v11 =	vcombine.low v23, v11;
	v19 =	vsel vm2, $0x300, v19;
	v20 =	vsel vm14, $0x700, v20  }
0x51: {  	v21 =	vsel vm10, $0x80, v21;
	v23 =	vimm.s32 $0x500;
	v24 =	vsel vm12, $0x600, v24  }
0x52: {  	v22 =	vsel vm10, $0x0, v22;
	v25 =	vsel vm14, $0x480, v25;
	v26 =	vsel vm1, $0x80, v26  }
0x53: {  	v27 =	vsel vm1, $0x0, v27;
	v19 =	vsel vm0, $0x380, v19;
	v20 =	vsel vm13, $0x780, v20  }
0x54: {  	v21 =	vsel vm9, $0x100, v21;
	v23 =	vsel vm14, $0x580, v23;
	v24 =	vsel vm11, $0x680, v24  }
0x55: {  	v22 =	vsel vm9, $0x80, v22;
	v25 =	vsel vm13, $0x500, v25;
	v26 =	vsel vm3, $0x100, v26  }
0x56: {  	v27 =	vsel vm3, $0x80, v27;
	v20 =	vsel vm12, $0x0, v20;
	v19 =	vsel vm1, $0x400, v19  }
0x57: {  	v21 =	vsel vm8, $0x180, v21;
	v23 =	vsel vm13, $0x600, v23;
	v24 =	vsel vm10, $0x700, v24  }
0x58: {  	v22 =	vsel vm8, $0x100, v22;
	v25 =	vsel vm12, $0x580, v25;
	v26 =	vsel vm4, $0x180, v26  }
0x59: {  	v27 =	vsel vm4, $0x100, v27;
	v20 =	vsel vm11, $0x80, v20;
	v19 =	vsel vm3, $0x480, v19  }
0x5a: {  	v21 =	vsel vm2, $0x200, v21;
	v23 =	vsel vm12, $0x680, v23;
	v24 =	vsel vm9, $0x780, v24  }
0x5b: {  	v22 =	vsel vm2, $0x180, v22;
	v25 =	vsel vm11, $0x600, v25;
	v26 =	vsel vm5, $0x200, v26  }
0x5c: {  	v27 =	vsel vm5, $0x180, v27;
	v20 =	vsel vm10, $0x100, v20;
	v19 =	vsel vm4, $0x500, v19  }
0x5d: {  	v21 =	vsel vm0, $0x280, v21;
	v23 =	vsel vm11, $0x700, v23;
	v24 =	vsel vm8, $0x0, v24  }
0x5e: {  	v22 =	vsel vm0, $0x200, v22;
	v25 =	vsel vm10, $0x680, v25;
	v26 =	vsel vm6, $0x280, v26  }
0x5f: {  	s8 =	rddreg [dreg:$0x0];
	s28 =	simm.s32 $0x6;
	s29 =	simm.s32 $0x280;
	v27 =	vsel vm6, $0x200, v27;
	v20 =	vsel vm9, $0x180, v20;
	v19 =	vsel vm5, $0x580, v19  }
0x60: {  	s30 =	simm.s32 $0x4300;
	s31 =	simm.s32 $0x8300;
	s13 =	simm.s32 $0x0;
	v21 =	vsel vm1, $0x300, v21;
	v23 =	vsel vm10, $0x780, v23;
	v24 =	vsel vm2, $0x80, v24  }
0x61: {  	s6 =	sadd.s32 $0xA00, s8;
	s7 =	sadd.s32 $0x2400, s8;
	s9 =	sshrl.u32 s9, $0x2;
	v22 =	vsel vm1, $0x280, v22;
	v25 =	vsel vm9, $0x700, v25;
	v26 =	vsel vm7, $0x300, v26  }
0x62: {  	s10 =	sadd.s32 $0x23200, s8;
	s2 =	ssub.s32 $0x2, s2;
	s11 =	sshll.u32 s9, $0x4;
	v27 =	vsel vm7, $0x280, v27;
	v20 =	vsel vm8, $0x200, v20;
	v21 =	vsel vm3, $0x380, v21  }
0x63: {  	s25 =	sshll.u32 s9, $0x7;
	s9 =	sshll.u32 s9, $0xA;
	s0 =	sshll.u32 s0, $0x1;
	[tilespmem:$0x1FFC0] =	vst v59;
	v19 =	vsel vm6, $0x600, v19;
	v23 =	vsel vm9, $0x0, v23;
	v24 =	vsel vm0, $0x100, v24  }
0x64: {  	s19 =	sshrl.u32 s2, $0x1;
	s20 =	sor.u32 $0x40, s11;
	s21 =	sadd.s32 s6, s11;
	[tilespmem:$0x1FFB0] =	vst v58;
	v22 =	vsel vm3, $0x300, v22;
	v25 =	vsel vm8, $0x780, v25;
	v20 =	vsel vm2, $0x280, v20  }
0x65: {  	s22 =	sadd.s32 s7, s11;
	s12 =	sor.u32 $0x80, s11;
	s14 =	sor.u32 $0xC0, s11;
	[tilespmem:$0x1FFD0] =	vst v60;
	v21 =	vsel vm4, $0x400, v21;
	v19 =	vsel vm7, $0x680, v19;
	v23 =	vsel vm8, $0x80, v23  }
0x66: {  	s11 =	simm.s32 $0x7;
	s3 =	rddreg [dreg:$0x1];
	s4 =	simm.s32 $0x0;
	[tilespmem:$0x1FFE0] =	vst v62;
	v24 =	vsel vm1, $0x180, v24;
	v22 =	vsel vm4, $0x380, v22;
	v25 =	vsel vm2, $0x0, v25  }
0x67: {  	s0 =	sadd.s32 s0, s8;
	s2 =	ssub.s32 s2, s19;
	[smem:$0x7FF] =	sst s4;
	[tilespmem:$0x1FFF0] =	vst v63;
	v20 =	vsel vm0, $0x300, v20;
	v21 =	vsel vm5, $0x480, v21;
	v23 =	vsel vm2, $0x100, v23  }
0x68: {  	s23 =	sadd.s32 s6, s20;
	_ =	strace $0x80000047;
	[dreg:$0x3] =	wrdreg s10;
	v24 =	vsel vm3, $0x200, v24;
	v22 =	vsel vm5, $0x400, v22;
	v25 =	vsel vm0, $0x80, v25  }
0x69: {  	s24 =	smul.u32 $0x640000, s1;
	p1 =	sne.s32 s1, $0x7;
	[dreg:$0x4] =	wrdreg s21;
	v20 =	vsel vm1, $0x380, v20;
	v21 =	vsel vm6, $0x500, v21;
	v23 =	vsel vm0, $0x180, v23  }
0x6a: {  	s5 =	sadd.s32 $0x3E00, s8;
	s8 =	sadd.s32 s7, s20;
	[dreg:$0x5] =	wrdreg s22;
	v24 =	vsel vm4, $0x280, v24;
	v22 =	vsel vm6, $0x480, v22;
	v25 =	vsel vm1, $0x100, v25  }
0x6b: {  	s0 =	sadd.s32 $0x23400, s0;
	s26 =	smax.u32 s2, $0x1;
	[dreg:$0x6] =	wrdreg s23;
	v20 =	vsel vm3, $0x400, v20;
	v21 =	vsel vm7, $0x580, v21;
	v23 =	vsel vm1, $0x200, v23  }
0x6c: {  	s2 =	simm.s32 $0x2;
	s15 =	sor.u32 s9, s24;
	[dreg:$0x7] =	wrdreg s8;
	v24 =	vsel vm5, $0x300, v24;
	v22 =	vsel vm7, $0x500, v22;
	v25 =	vsel vm3, $0x180, v25  }
.Ltmp0:
0x6d: {  	s24 =	simm.s32 $0x180;
	[dreg:$0x8] =	wrdreg s12;
	v20 =	vsel vm4, $0x480, v20;
	v23 =	vsel vm3, $0x280, v23;
	v24 =	vsel vm6, $0x380, v24;
	(pc) =	sbr.rel .LBB2_1-.Ltmp0, $4  }
0x6e: {  	s9 =	simm.s32 $0x64000;
	s10 =	sadd.s32 s25, s3;
	[dreg:$0x9] =	wrdreg s0;
	v25 =	vsel vm4, $0x200, v25;
	v20 =	vsel vm5, $0x500, v20;
	v23 =	vsel vm4, $0x300, v23  }
0x6f: {  	[dreg:$0xa] =	wrdreg s26;
	s21 =	simm.s32 $0x80;
	s23 =	simm.s32 $0x300;
	v24 =	vsel vm7, $0x400, v24;
	v25 =	vsel vm5, $0x280, v25;
	v23 =	vsel vm5, $0x380, v23  }
0x70: {  	s25 =	simm.s32 $0x10300;
	s26 =	simm.s32 $0x1;
	s0 =	simm.s32 $0xC300;
	v20 =	vsel vm6, $0x580, v20;
	v25 =	vsel vm6, $0x300, v25;
	v23 =	vsel vm6, $0x400, v23  }
0x71: {  	s8 =	simm.s32 $0x400;
	s12 =	simm.s32 $0x5;
	s16 =	sadd.s32 $0x578000, s10;
	v20 =	vsel vm7, $0x600, v20;
	v25 =	vsel vm7, $0x380, v25;
	v23 =	vsel vm7, $0x480, v23  }
.LBB2_23:
0x72: {  	s10 =	simm.s32 $0x3  }
0x73: {  	_ =	swait.ge [sflag:s10], $0x4000  }
0x74: {  	[sflag:s10] =	ssyncset.done $0x0  }
0x75: {  	s22 =	simm.s32 $0x4;
	[sflag:s10] =	ssyncadd.s32 $0xFFFFC000  }
0x76: {  	_ =	swait.ge [sflag:s22], $0x4000  }
0x77: {  	[sflag:s22] =	ssyncset.done $0x0  }
0x78: {  	s13 =	rddreg [dreg:$0xb];
	[sflag:s22] =	ssyncadd.s32 $0xFFFFC000  }
.LBB2_24:
0x79: {  	[tilespmem:$0x10700] =	vst v0;
	s10 =	rddreg [dreg:$0x9];
	s11 =	simm.s32 $0x10700  }
0x7a: {  	[hbm4b:s10+s4] =	stream.linear.scatter [tilespmem:s11], [sflag:$0x7], $0x10, $0x38;
	[tilespmem:$0x10780] =	vst v63  }
0x7b: {  	s11 =	simm.s32 $0x7  }
0x7c: {  	_ =	swait.ge [sflag:s11], $0x10  }
0x7d: {  	s13 =	sadd.s32 $0x1, s13;
	s22 =	rddreg [dreg:$0xa]  }
0x7e: {  	p2 =	sne.s32 s13, s22  }
.Ltmp1:
0x7f: {  	_ = 	snop;
	(pc) =	sbr.rel @!p2 .LBB2_25-.Ltmp1, $3  }
0x80: {  	_ =	sdelay $0x1  }
0x81: {  	[sflag:s11] =	ssyncset.done $0x0  }
0x82: {  	[sflag:s11] =	ssyncadd.s32 $0xFFFFFFF0  }
.LBB2_1:
0x83: {  	[dreg:$0xb] =	wrdreg s13  }
0x84: {  	s10 =	rddreg [dreg:$0x4]  }
0x85: {  	[tilespmem:s4], [sflag:$0x7] =	stream.linear.gather [hbm4b:s10+s4], $0x80, $0x38;
	[tilespmem:$0x10780] =	vst v63  }
0x86: {  	_ =	swait.ge [sflag:s11], $0x80  }
0x87: {  	[sflag:s11] =	ssyncset.done $0x0  }
0x88: {  	s17 =	simm.s32 $0x100;
	s13 =	rddreg [dreg:$0x5];
	[sflag:s11] =	ssyncadd.s32 $0xFFFFFF80  }
0x89: {  	[tilespmem:s17], [sflag:$0x7] =	stream.linear.gather [hbm4b:s13+s4], $0x80, $0x38;
	[tilespmem:$0x10780] =	vst v63  }
0x8a: {  	_ =	swait.ge [sflag:s11], $0x80  }
0x8b: {  	[sflag:s11] =	ssyncset.done $0x0  }
0x8c: {  	v0 =	vld [tilespmem:$0x1FFB0];
	[sflag:s11] =	ssyncadd.s32 $0xFFFFFF80  }
0x8d: {  	v35 =	vld [tilespmem:$0x0]  }
0x8e: {  	v36 =	vld [tilespmem:$0x10]  }
0x8f: {  	v37 =	vld [tilespmem:$0x20]  }
0x90: {  	v38 =	vld [tilespmem:$0x30]  }
0x91: {  	v39 =	vld [tilespmem:$0x40]  }
0x92: {  	v40 =	vld [tilespmem:$0x50];
	v35 =	vadd.s32 v0, v35  }
0x93: {  	v55 =	vld [tilespmem:$0x60];
	v54 =	vadd.s32 v0, v36;
	[tilespmem:$0x200] =	vst v35  }
0x94: {  	v57 =	vld [tilespmem:$0x70];
	v56 =	vadd.s32 v0, v37;
	[tilespmem:$0x210] =	vst v54  }
0x95: {  	v58 =	vadd.s32 v0, v38;
	[tilespmem:$0x220] =	vst v56  }
0x96: {  	v59 =	vadd.s32 v0, v39;
	[tilespmem:$0x230] =	vst v58  }
0x97: {  	v60 =	vadd.s32 v0, v40;
	[tilespmem:$0x240] =	vst v59  }
0x98: {  	v61 =	vadd.s32 v0, v55;
	[tilespmem:$0x250] =	vst v60  }
0x99: {  	v62 =	vadd.s32 v0, v57;
	[tilespmem:$0x260] =	vst v61  }
0x9a: {  	s18 =	simm.s32 $0x200;
	[tilespmem:$0x270] =	vst v62  }
0x9b: {  	[tilespmem:s23], [sflag:$0x1] =	stream.indirect.gather [hbm4b:s5+s21], $0x80, s18, s21, $0xb8;
	[tilespmem:$0x10780] =	vst v63  }
0x9c: {  	s19 =	rddreg [dreg:$0x6]  }
0x9d: {  	[tilespmem:s21], [sflag:$0x6] =	stream.linear.gather [hbm4b:s19+s4], $0x80, $0x38;
	[tilespmem:$0x10780] =	vst v63  }
0x9e: {  	s20 =	rddreg [dreg:$0x7]  }
0x9f: {  	[tilespmem:s24], [sflag:$0x6] =	stream.linear.gather [hbm4b:s20+s4], $0x80, $0x38;
	[tilespmem:$0x10780] =	vst v63  }
.Ltmp2:
0xa0: {  	s22 =	rddreg [dreg:$0x3];
	(pc) =	sbr.rel .LBB2_2-.Ltmp2, $4  }
0xa1: {  	[tilespmem:s25], [sflag:$0x7] =	stream.linear.gather [hbm4b:s22+s4], $0x400, $0x38;
	[tilespmem:$0x10780] =	vst v63  }
0xa2: {  	_ =	swait.ge [sflag:s11], $0x400  }
0xa3: {  	v63 =	vimm.f32 $0.0e+00;
	[sflag:s11] =	ssyncset.done $0x0  }
0xa4: {  	s18 =	simm.s32 $0x0;
	[tilespmem:$0x1FFA0] =	vst v63;
	[sflag:s11] =	ssyncadd.s32 $0xFFFFFC00  }
.LBB2_21:
.Ltmp3:
0xa5: {  	s10 =	sshll.u32 s10, $0xC;
	(pc) =	sbr.rel @p2 .LBB2_23-.Ltmp3, $4  }
0xa6: {  	s10 =	sadd.s32 s10, s15  }
0xa7: {  	s10 =	sshrl.u32 s10, $0x3  }
0xa8: {  	s10 =	sadd.s32 s3, s10  }
0xa9: {  	[hbm4b:s10+s8] =	stream.strided.scatter [tilespmem:s0], [sflag:$0x4], $0x4000, s9, s8, $0x38;
	[tilespmem:$0x10780] =	vst v63  }
.LBB2_22:
0xaa: {  	s10 =	sshll.u32 s18, $0x7  }
0xab: {  	s10 =	sadd.s32 s14, s10  }
0xac: {  	s11 =	sadd.s32 s6, s10  }
0xad: {  	[tilespmem:s21], [sflag:$0x6] =	stream.linear.gather [hbm4b:s11+s4], $0x80, $0x38;
	[tilespmem:$0x10780] =	vst v63  }
0xae: {  	[tilespmem:$0x1FFA0] =	vst v0;
	s18 =	sadd.s32 $0x1, s18;
	s10 =	sadd.s32 s7, s10  }
0xaf: {  	[tilespmem:s24], [sflag:$0x6] =	stream.linear.gather [hbm4b:s10+s4], $0x80, $0x38;
	[tilespmem:$0x10780] =	vst v63  }
.LBB2_2:
0xb0: {  	_ =	swait.ge [sflag:s26], $0x4000  }
0xb1: {  	[sflag:s26] =	ssyncset.done $0x0  }
0xb2: {  	[sflag:s26] =	ssyncadd.s32 $0xFFFFC000  }
0xb3: {  	_ =	swait.ge [sflag:s28], $0x80  }
0xb4: {  	[sflag:s28] =	ssyncset.done $0x0  }
0xb5: {  	[sflag:s28] =	ssyncadd.s32 $0xFFFFFF80  }
0xb6: {  	_ =	swait.ge [sflag:s28], $0x80  }
0xb7: {  	[sflag:s28] =	ssyncset.done $0x0  }
0xb8: {  	v0 =	vld [tilespmem:$0x1FFB0];
	[sflag:s28] =	ssyncadd.s32 $0xFFFFFF80  }
0xb9: {  	v35 =	vld [tilespmem:$0x80]  }
0xba: {  	v36 =	vld [tilespmem:$0x90]  }
0xbb: {  	v37 =	vld [tilespmem:$0xA0]  }
0xbc: {  	v38 =	vld [tilespmem:$0xB0]  }
0xbd: {  	v39 =	vld [tilespmem:$0xC0]  }
0xbe: {  	v40 =	vld [tilespmem:$0xD0];
	v35 =	vadd.s32 v0, v35  }
0xbf: {  	v56 =	vld [tilespmem:$0xE0];
	v55 =	vadd.s32 v0, v36;
	[tilespmem:$0x280] =	vst v35  }
0xc0: {  	v58 =	vld [tilespmem:$0xF0];
	v57 =	vadd.s32 v0, v37;
	[tilespmem:$0x290] =	vst v55  }
0xc1: {  	v59 =	vadd.s32 v0, v38;
	[tilespmem:$0x2A0] =	vst v57  }
0xc2: {  	v60 =	vadd.s32 v0, v39;
	[tilespmem:$0x2B0] =	vst v59  }
0xc3: {  	p2 =	seq.s32 s18, $0x0;
	v61 =	vadd.s32 v0, v40;
	[tilespmem:$0x2C0] =	vst v60  }
0xc4: {  	p3 =	seq.s32 @!p2 s1, $0x7;
	v62 =	vadd.s32 v0, v56;
	[tilespmem:$0x2D0] =	vst v61  }
0xc5: {  	p4 =	por !p3, p2;
	v63 =	vadd.s32 v0, v58;
	[tilespmem:$0x2E0] =	vst v62  }
0xc6: {  	s10 =	simm.s32 @!p4 $0x3;
	[tilespmem:$0x2F0] =	vst v63  }
0xc7: {  	[tilespmem:s30], [sflag:$0x2] =	stream.indirect.gather [hbm4b:s5+s21], $0x80, s29, s21, $0xb8;
	[tilespmem:$0x10780] =	vst v63  }
0xc8: {  	_ =	swait.ge @!p4 [sflag:s10], $0x3400  }
0xc9: {  	p3 =	por p3, p2;
	[sflag:s10] =	ssyncset.done @!p4 $0x0  }
0xca: {  	s11 =	simm.s32 @!p3 $0x3;
	[sflag:s10] =	ssyncadd.s32 @!p4 $0xFFFFCC00  }
0xcb: {  	_ =	swait.ge @!p3 [sflag:s11], $0x4000  }
0xcc: {  	[sflag:s11] =	ssyncset.done @!p3 $0x0  }
0xcd: {  	s10 =	sshllo.u32 s18, $0x1;
	[sflag:s11] =	ssyncadd.s32 @!p3 $0xFFFFC000;
	s11 =	simm.s32 $0x0  }
.LBB2_3:
0xce: {  	s19 =	sshll.u32 s11, $0x4;
	v0 =	vlaneseq.u32  }
0xcf: {  	v36 =	vor.u32 s19, v0  }
0xd0: {  	v62 =	vld [tilespmem:$0x1FFE0];
	v35 =	vshll.u32 v36, $0x7  }
0xd1: {  	v63 =	vld [tilespmem:$0x1FFF0];
	v37 =	vor.u32 v0, v35  }
0xd2: {  	v40 =	vor.u32 v6, v35;
	v41 =	vor.u32 v7, v35;
	v42 =	vor.u32 v8, v35  }
0xd3: {  	v43 =	vor.u32 v9, v35;
	v44 =	vor.u32 v10, v35;
	v45 =	vor.u32 v11, v35  }
0xd4: {  	v46 =	vor.u32 v12, v35;
	v47 =	vor.u32 v13, v35;
	v48 =	vor.u32 v14, v35  }
0xd5: {  	v49 =	vor.u32 v15, v35;
	v50 =	vor.u32 v16, v35;
	v51 =	vor.u32 v17, v35  }
0xd6: {  	p3 =	por $0x1, $0x1;
	s22 =	simm.s32 $0x0;
	v52 =	vor.u32 v18, v35;
	v38 =	vor.u32 v62, v35;
	v39 =	vor.u32 v63, v35  }
.LBB2_4:
0xd7: {  	v35 =	vor.u32 s22, v37;
	s13 =	sor.u32 $0x10, s22  }
0xd8: {  	v53 =	vmov s22;
	v55 =	vor.u32 s13, v37  }
0xd9: {  	s17 =	sor.u32 $0x20, s22;
	v53 =	vshll.u32 v53, $0x7  }
0xda: {  	s20 =	sor.u32 $0x30, s22;
	v56 =	vmov s13;
	v57 =	vor.u32 s17, v37;
	v54 =	vor.u32 v34, v53  }
0xdb: {  	v59 =	vor.u32 s20, v37;
	v58 =	vadd.s32 v36, v54;
	v54 =	vshll.u32 v56, $0x7  }
0xdc: {  	v60 =	vor.u32 s22, v38;
	v61 =	vmov s17;
	v56 =	vor.u32 v34, v54;
	v35 =	vld.idx.msk [tilespmem:v35+s23+$0x0], $0xffff  }
0xdd: {  	v63 =	vadd.s32 v36, v56;
	v56 =	vmov s20;
	v62 =	vld.idx.msk [tilespmem:v55+s23+$0x0], $0xffff;
	v55 =	vshll.u32 v61, $0x7  }
0xde: {  	v61 =	vor.u32 s13, v38;
	v56 =	vshll.u32 v56, $0x7;
	v0 =	vor.u32 v34, v55  }
0xdf: {  	v57 =	vld.idx.msk [tilespmem:v57+s23+$0x0], $0xffff;
	v1 =	vor.u32 v34, v56;
	v0 =	vadd.s32 v36, v0  }
0xe0: {  	v2 =	vor.u32 s17, v38;
	v59 =	vld.idx.msk [tilespmem:v59+s23+$0x0], $0xffff;
	v1 =	vadd.s32 v36, v1  }
0xe1: {  	v3 =	vor.u32 v33, v53;
	[tilespmem:v58+s31+$0x0] =	vst.idx.msk $0xffff, v35;
	v58 =	vor.u32 s20, v38  }
0xe2: {  	v35 =	vadd.s32 v36, v3;
	v3 =	vor.u32 v33, v54;
	v60 =	vld.idx.msk [tilespmem:v60+s23+$0x0], $0xffff;
	[tilespmem:v63+s31+$0x0] =	vst.idx.msk $0xffff, v62  }
0xe3: {  	v63 =	vor.u32 s22, v39;
	v62 =	vadd.s32 v36, v3;
	v61 =	vld.idx.msk [tilespmem:v61+s23+$0x0], $0xffff  }
0xe4: {  	v3 =	vor.u32 s13, v39;
	[tilespmem:v0+s31+$0x0] =	vst.idx.msk $0xffff, v57;
	v57 =	vor.u32 v33, v55  }
0xe5: {  	[tilespmem:v1+s31+$0x0] =	vst.idx.msk $0xffff, v59;
	v1 =	vor.u32 v33, v56;
	v2 =	vld.idx.msk [tilespmem:v2+s23+$0x0], $0xffff;
	v0 =	vadd.s32 v36, v57  }
0xe6: {  	v57 =	vor.u32 s17, v39;
	v1 =	vadd.s32 v36, v1;
	v58 =	vld.idx.msk [tilespmem:v58+s23+$0x0], $0xffff  }
0xe7: {  	v59 =	vor.u32 s20, v39;
	[tilespmem:v35+s31+$0x0] =	vst.idx.msk $0xffff, v60;
	v35 =	vor.u32 v32, v53  }
0xe8: {  	v60 =	vld.idx.msk [tilespmem:v63+s23+$0x0], $0xffff;
	v35 =	vadd.s32 v36, v35;
	[tilespmem:v62+s31+$0x0] =	vst.idx.msk $0xffff, v61;
	v61 =	vor.u32 v32, v54  }
0xe9: {  	v62 =	vor.u32 s22, v40;
	v3 =	vld.idx.msk [tilespmem:v3+s23+$0x0], $0xffff;
	v61 =	vadd.s32 v36, v61  }
0xea: {  	v63 =	vor.u32 s13, v40;
	[tilespmem:v0+s31+$0x0] =	vst.idx.msk $0xffff, v2;
	v0 =	vor.u32 v32, v55  }
0xeb: {  	v2 =	vld.idx.msk [tilespmem:v57+s23+$0x0], $0xffff;
	v0 =	vadd.s32 v36, v0;
	[tilespmem:v1+s31+$0x0] =	vst.idx.msk $0xffff, v58;
	v1 =	vor.u32 v32, v56  }
0xec: {  	v57 =	vor.u32 s17, v40;
	v58 =	vld.idx.msk [tilespmem:v59+s23+$0x0], $0xffff;
	v1 =	vadd.s32 v36, v1  }
0xed: {  	v59 =	vor.u32 s20, v40;
	[tilespmem:v35+s31+$0x0] =	vst.idx.msk $0xffff, v60;
	v35 =	vor.u32 v31, v53  }
0xee: {  	v60 =	vld.idx.msk [tilespmem:v62+s23+$0x0], $0xffff;
	v35 =	vadd.s32 v36, v35;
	[tilespmem:v61+s31+$0x0] =	vst.idx.msk $0xffff, v3;
	v3 =	vor.u32 v31, v54  }
0xef: {  	v61 =	vor.u32 s22, v41;
	v62 =	vld.idx.msk [tilespmem:v63+s23+$0x0], $0xffff;
	v3 =	vadd.s32 v36, v3  }
0xf0: {  	v63 =	vor.u32 s13, v41;
	[tilespmem:v0+s31+$0x0] =	vst.idx.msk $0xffff, v2;
	v0 =	vor.u32 v31, v55  }
0xf1: {  	v2 =	vld.idx.msk [tilespmem:v57+s23+$0x0], $0xffff;
	v0 =	vadd.s32 v36, v0;
	[tilespmem:v1+s31+$0x0] =	vst.idx.msk $0xffff, v58;
	v1 =	vor.u32 v31, v56  }
0xf2: {  	v57 =	vor.u32 s17, v41;
	v58 =	vld.idx.msk [tilespmem:v59+s23+$0x0], $0xffff;
	v1 =	vadd.s32 v36, v1  }
0xf3: {  	v59 =	vor.u32 s20, v41;
	[tilespmem:v35+s31+$0x0] =	vst.idx.msk $0xffff, v60;
	v35 =	vor.u32 v30, v53  }
0xf4: {  	v60 =	vld.idx.msk [tilespmem:v61+s23+$0x0], $0xffff;
	v35 =	vadd.s32 v36, v35;
	[tilespmem:v3+s31+$0x0] =	vst.idx.msk $0xffff, v62;
	v3 =	vor.u32 v30, v54  }
0xf5: {  	v61 =	vor.u32 s22, v42;
	v62 =	vld.idx.msk [tilespmem:v63+s23+$0x0], $0xffff;
	v3 =	vadd.s32 v36, v3  }
0xf6: {  	v63 =	vor.u32 s13, v42;
	[tilespmem:v0+s31+$0x0] =	vst.idx.msk $0xffff, v2;
	v0 =	vor.u32 v30, v55  }
0xf7: {  	v2 =	vld.idx.msk [tilespmem:v57+s23+$0x0], $0xffff;
	v0 =	vadd.s32 v36, v0;
	[tilespmem:v1+s31+$0x0] =	vst.idx.msk $0xffff, v58;
	v1 =	vor.u32 v30, v56  }
0xf8: {  	v57 =	vor.u32 s17, v42;
	v58 =	vld.idx.msk [tilespmem:v59+s23+$0x0], $0xffff;
	v1 =	vadd.s32 v36, v1  }
0xf9: {  	v59 =	vor.u32 s20, v42;
	[tilespmem:v35+s31+$0x0] =	vst.idx.msk $0xffff, v60;
	v35 =	vor.u32 v29, v53  }
0xfa: {  	v60 =	vld.idx.msk [tilespmem:v61+s23+$0x0], $0xffff;
	v35 =	vadd.s32 v36, v35;
	[tilespmem:v3+s31+$0x0] =	vst.idx.msk $0xffff, v62;
	v3 =	vor.u32 v29, v54  }
0xfb: {  	v61 =	vor.u32 s22, v43;
	v62 =	vld.idx.msk [tilespmem:v63+s23+$0x0], $0xffff;
	v3 =	vadd.s32 v36, v3  }
0xfc: {  	v63 =	vor.u32 s13, v43;
	[tilespmem:v0+s31+$0x0] =	vst.idx.msk $0xffff, v2;
	v0 =	vor.u32 v29, v55  }
0xfd: {  	v2 =	vld.idx.msk [tilespmem:v57+s23+$0x0], $0xffff;
	v0 =	vadd.s32 v36, v0;
	[tilespmem:v1+s31+$0x0] =	vst.idx.msk $0xffff, v58;
	v1 =	vor.u32 v29, v56  }
0xfe: {  	v57 =	vor.u32 s17, v43;
	v58 =	vld.idx.msk [tilespmem:v59+s23+$0x0], $0xffff;
	v1 =	vadd.s32 v36, v1  }
0xff: {  	v59 =	vor.u32 s20, v43;
	[tilespmem:v35+s31+$0x0] =	vst.idx.msk $0xffff, v60;
	v35 =	vor.u32 v28, v53  }
0x100: {  	v60 =	vld.idx.msk [tilespmem:v61+s23+$0x0], $0xffff;
	v35 =	vadd.s32 v36, v35;
	[tilespmem:v3+s31+$0x0] =	vst.idx.msk $0xffff, v62;
	v3 =	vor.u32 v28, v54  }
0x101: {  	v61 =	vor.u32 s22, v44;
	v62 =	vld.idx.msk [tilespmem:v63+s23+$0x0], $0xffff;
	v3 =	vadd.s32 v36, v3  }
0x102: {  	v63 =	vor.u32 s13, v44;
	[tilespmem:v0+s31+$0x0] =	vst.idx.msk $0xffff, v2;
	v0 =	vor.u32 v28, v55  }
0x103: {  	v2 =	vld.idx.msk [tilespmem:v57+s23+$0x0], $0xffff;
	v0 =	vadd.s32 v36, v0;
	[tilespmem:v1+s31+$0x0] =	vst.idx.msk $0xffff, v58;
	v1 =	vor.u32 v28, v56  }
0x104: {  	v57 =	vor.u32 s17, v44;
	v58 =	vld.idx.msk [tilespmem:v59+s23+$0x0], $0xffff;
	v1 =	vadd.s32 v36, v1  }
0x105: {  	v59 =	vor.u32 s20, v44;
	[tilespmem:v35+s31+$0x0] =	vst.idx.msk $0xffff, v60;
	v35 =	vor.u32 v27, v53  }
0x106: {  	v60 =	vld.idx.msk [tilespmem:v61+s23+$0x0], $0xffff;
	v35 =	vadd.s32 v36, v35;
	[tilespmem:v3+s31+$0x0] =	vst.idx.msk $0xffff, v62;
	v3 =	vor.u32 v27, v54  }
0x107: {  	v61 =	vor.u32 s22, v45;
	v62 =	vld.idx.msk [tilespmem:v63+s23+$0x0], $0xffff;
	v3 =	vadd.s32 v36, v3  }
0x108: {  	v63 =	vor.u32 s13, v45;
	[tilespmem:v0+s31+$0x0] =	vst.idx.msk $0xffff, v2;
	v0 =	vor.u32 v27, v55  }
0x109: {  	v2 =	vld.idx.msk [tilespmem:v57+s23+$0x0], $0xffff;
	v0 =	vadd.s32 v36, v0;
	[tilespmem:v1+s31+$0x0] =	vst.idx.msk $0xffff, v58;
	v1 =	vor.u32 v27, v56  }
0x10a: {  	v57 =	vor.u32 s17, v45;
	v58 =	vld.idx.msk [tilespmem:v59+s23+$0x0], $0xffff;
	v1 =	vadd.s32 v36, v1  }
0x10b: {  	v59 =	vor.u32 s20, v45;
	[tilespmem:v35+s31+$0x0] =	vst.idx.msk $0xffff, v60;
	v35 =	vor.u32 v26, v53  }
0x10c: {  	v60 =	vld.idx.msk [tilespmem:v61+s23+$0x0], $0xffff;
	v35 =	vadd.s32 v36, v35;
	[tilespmem:v3+s31+$0x0] =	vst.idx.msk $0xffff, v62;
	v3 =	vor.u32 v26, v54  }
0x10d: {  	v61 =	vor.u32 s22, v46;
	v62 =	vld.idx.msk [tilespmem:v63+s23+$0x0], $0xffff;
	v3 =	vadd.s32 v36, v3  }
0x10e: {  	v63 =	vor.u32 s13, v46;
	[tilespmem:v0+s31+$0x0] =	vst.idx.msk $0xffff, v2;
	v0 =	vor.u32 v26, v55  }
0x10f: {  	v2 =	vld.idx.msk [tilespmem:v57+s23+$0x0], $0xffff;
	v0 =	vadd.s32 v36, v0;
	[tilespmem:v1+s31+$0x0] =	vst.idx.msk $0xffff, v58;
	v1 =	vor.u32 v26, v56  }
0x110: {  	v57 =	vor.u32 s17, v46;
	v58 =	vld.idx.msk [tilespmem:v59+s23+$0x0], $0xffff;
	v1 =	vadd.s32 v36, v1  }
0x111: {  	v59 =	vor.u32 s20, v46;
	[tilespmem:v35+s31+$0x0] =	vst.idx.msk $0xffff, v60;
	v35 =	vor.u32 v25, v53  }
0x112: {  	v60 =	vld.idx.msk [tilespmem:v61+s23+$0x0], $0xffff;
	v35 =	vadd.s32 v36, v35;
	[tilespmem:v3+s31+$0x0] =	vst.idx.msk $0xffff, v62;
	v3 =	vor.u32 v25, v54  }
0x113: {  	v61 =	vor.u32 s22, v47;
	v62 =	vld.idx.msk [tilespmem:v63+s23+$0x0], $0xffff;
	v3 =	vadd.s32 v36, v3  }
0x114: {  	v63 =	vor.u32 s13, v47;
	[tilespmem:v0+s31+$0x0] =	vst.idx.msk $0xffff, v2;
	v0 =	vor.u32 v25, v55  }
0x115: {  	v2 =	vld.idx.msk [tilespmem:v57+s23+$0x0], $0xffff;
	v0 =	vadd.s32 v36, v0;
	[tilespmem:v1+s31+$0x0] =	vst.idx.msk $0xffff, v58;
	v1 =	vor.u32 v25, v56  }
0x116: {  	v57 =	vor.u32 s17, v47;
	v58 =	vld.idx.msk [tilespmem:v59+s23+$0x0], $0xffff;
	v1 =	vadd.s32 v36, v1  }
0x117: {  	v59 =	vor.u32 s20, v47;
	[tilespmem:v35+s31+$0x0] =	vst.idx.msk $0xffff, v60;
	v35 =	vor.u32 v24, v53  }
0x118: {  	v60 =	vld.idx.msk [tilespmem:v61+s23+$0x0], $0xffff;
	v35 =	vadd.s32 v36, v35;
	[tilespmem:v3+s31+$0x0] =	vst.idx.msk $0xffff, v62;
	v3 =	vor.u32 v24, v54  }
0x119: {  	v61 =	vor.u32 s22, v48;
	v62 =	vld.idx.msk [tilespmem:v63+s23+$0x0], $0xffff;
	v3 =	vadd.s32 v36, v3  }
0x11a: {  	v63 =	vor.u32 s13, v48;
	[tilespmem:v0+s31+$0x0] =	vst.idx.msk $0xffff, v2;
	v0 =	vor.u32 v24, v55  }
0x11b: {  	v2 =	vld.idx.msk [tilespmem:v57+s23+$0x0], $0xffff;
	v0 =	vadd.s32 v36, v0;
	[tilespmem:v1+s31+$0x0] =	vst.idx.msk $0xffff, v58;
	v1 =	vor.u32 v24, v56  }
0x11c: {  	v57 =	vor.u32 s17, v48;
	v58 =	vld.idx.msk [tilespmem:v59+s23+$0x0], $0xffff;
	v1 =	vadd.s32 v36, v1  }
0x11d: {  	v59 =	vor.u32 s20, v48;
	[tilespmem:v35+s31+$0x0] =	vst.idx.msk $0xffff, v60;
	v35 =	vor.u32 v23, v53  }
0x11e: {  	v60 =	vld.idx.msk [tilespmem:v61+s23+$0x0], $0xffff;
	v35 =	vadd.s32 v36, v35;
	[tilespmem:v3+s31+$0x0] =	vst.idx.msk $0xffff, v62;
	v3 =	vor.u32 v23, v54  }
0x11f: {  	v61 =	vor.u32 s22, v49;
	v62 =	vld.idx.msk [tilespmem:v63+s23+$0x0], $0xffff;
	v3 =	vadd.s32 v36, v3  }
0x120: {  	v63 =	vor.u32 s13, v49;
	[tilespmem:v0+s31+$0x0] =	vst.idx.msk $0xffff, v2;
	v0 =	vor.u32 v23, v55  }
0x121: {  	v2 =	vld.idx.msk [tilespmem:v57+s23+$0x0], $0xffff;
	v0 =	vadd.s32 v36, v0;
	[tilespmem:v1+s31+$0x0] =	vst.idx.msk $0xffff, v58;
	v1 =	vor.u32 v23, v56  }
0x122: {  	v57 =	vor.u32 s17, v49;
	v58 =	vld.idx.msk [tilespmem:v59+s23+$0x0], $0xffff;
	v1 =	vadd.s32 v36, v1  }
0x123: {  	v59 =	vor.u32 s20, v49;
	[tilespmem:v35+s31+$0x0] =	vst.idx.msk $0xffff, v60;
	v35 =	vor.u32 v22, v53  }
0x124: {  	v60 =	vld.idx.msk [tilespmem:v61+s23+$0x0], $0xffff;
	v35 =	vadd.s32 v36, v35;
	[tilespmem:v3+s31+$0x0] =	vst.idx.msk $0xffff, v62;
	v3 =	vor.u32 v22, v54  }
0x125: {  	v61 =	vor.u32 s22, v50;
	v62 =	vld.idx.msk [tilespmem:v63+s23+$0x0], $0xffff;
	v3 =	vadd.s32 v36, v3  }
0x126: {  	v63 =	vor.u32 s13, v50;
	[tilespmem:v0+s31+$0x0] =	vst.idx.msk $0xffff, v2;
	v0 =	vor.u32 v22, v55  }
0x127: {  	v2 =	vld.idx.msk [tilespmem:v57+s23+$0x0], $0xffff;
	v0 =	vadd.s32 v36, v0;
	[tilespmem:v1+s31+$0x0] =	vst.idx.msk $0xffff, v58;
	v1 =	vor.u32 v22, v56  }
0x128: {  	v57 =	vor.u32 s17, v50;
	v58 =	vld.idx.msk [tilespmem:v59+s23+$0x0], $0xffff;
	v1 =	vadd.s32 v36, v1  }
0x129: {  	[tilespmem:v35+s31+$0x0] =	vst.idx.msk $0xffff, v60;
	v35 =	vor.u32 s20, v50  }
0x12a: {  	v60 =	vor.u32 v21, v53;
	v59 =	vld.idx.msk [tilespmem:v61+s23+$0x0], $0xffff;
	[tilespmem:v3+s31+$0x0] =	vst.idx.msk $0xffff, v62  }
0x12b: {  	v3 =	vadd.s32 v36, v60;
	v60 =	vor.u32 s22, v51;
	v62 =	vor.u32 v21, v54;
	v61 =	vld.idx.msk [tilespmem:v63+s23+$0x0], $0xffff  }
0x12c: {  	v62 =	vadd.s32 v36, v62;
	v63 =	vor.u32 s13, v51;
	[tilespmem:v0+s31+$0x0] =	vst.idx.msk $0xffff, v2;
	v0 =	vor.u32 v21, v55  }
0x12d: {  	v2 =	vld.idx.msk [tilespmem:v57+s23+$0x0], $0xffff;
	v0 =	vadd.s32 v36, v0;
	[tilespmem:v1+s31+$0x0] =	vst.idx.msk $0xffff, v58;
	v1 =	vor.u32 v21, v56  }
0x12e: {  	v57 =	vor.u32 s17, v51;
	v35 =	vld.idx.msk [tilespmem:v35+s23+$0x0], $0xffff;
	v1 =	vadd.s32 v36, v1  }
0x12f: {  	v58 =	vor.u32 s20, v51  }
0x130: {  	v4 =	vor.u32 s22, v52;
	v5 =	vor.u32 s13, v52;
	[tilespmem:v3+s31+$0x0] =	vst.idx.msk $0xffff, v59;
	v3 =	vor.u32 v20, v53  }
0x131: {  	[tilespmem:v62+s31+$0x0] =	vst.idx.msk $0xffff, v61;
	v59 =	vld.idx.msk [tilespmem:v60+s23+$0x0], $0xffff;
	v3 =	vadd.s32 v36, v3;
	v60 =	vor.u32 v20, v54  }
0x132: {  	v62 =	vor.u32 v20, v55;
	v61 =	vld.idx.msk [tilespmem:v63+s23+$0x0], $0xffff;
	v60 =	vadd.s32 v36, v60;
	[tilespmem:v0+s31+$0x0] =	vst.idx.msk $0xffff, v2  }
0x133: {  	v63 =	vor.u32 v20, v56;
	v0 =	vadd.s32 v36, v62;
	v2 =	vld.idx.msk [tilespmem:v57+s23+$0x0], $0xffff;
	[tilespmem:v1+s31+$0x0] =	vst.idx.msk $0xffff, v35  }
0x134: {  	v35 =	vor.u32 s17, v52;
	v1 =	vadd.s32 v36, v63;
	v57 =	vld.idx.msk [tilespmem:v58+s23+$0x0], $0xffff  }
0x135: {  	v58 =	vor.u32 s20, v52  }
0x136: {  	v62 =	vor.u32 v19, v53;
	[tilespmem:v3+s31+$0x0] =	vst.idx.msk $0xffff, v59  }
0x137: {  	v63 =	vor.u32 v19, v54;
	v3 =	vadd.s32 v36, v62;
	[tilespmem:v60+s31+$0x0] =	vst.idx.msk $0xffff, v61;
	v4 =	vld.idx.msk [tilespmem:v4+s23+$0x0], $0xffff  }
0x138: {  	v60 =	vadd.s32 v36, v63;
	v59 =	vld.idx.msk [tilespmem:v5+s23+$0x0], $0xffff;
	v5 =	vor.u32 v19, v55;
	[tilespmem:v0+s31+$0x0] =	vst.idx.msk $0xffff, v2  }
0x139: {  	v62 =	vor.u32 v19, v56;
	v5 =	vadd.s32 v36, v5;
	[tilespmem:v1+s31+$0x0] =	vst.idx.msk $0xffff, v57;
	v61 =	vld.idx.msk [tilespmem:v35+s23+$0x0], $0xffff  }
0x13a: {  	p4 =	por p3, p3;
	v35 =	vadd.s32 v36, v62;
	v63 =	vld.idx.msk [tilespmem:v58+s23+$0x0], $0xffff  }
.Ltmp4:
0x13b: {  	_ = 	snop;
	(pc) =	sbr.rel @p4 .LBB2_4-.Ltmp4, $4  }
0x13c: {  	[tilespmem:v3+s31+$0x0] =	vst.idx.msk $0xffff, v4  }
0x13d: {  	[tilespmem:v60+s31+$0x0] =	vst.idx.msk $0xffff, v59  }
0x13e: {  	[tilespmem:v5+s31+$0x0] =	vst.idx.msk $0xffff, v61  }
0x13f: {  	p3 =	por $0x0, $0x0;
	s22 =	simm.s32 $0x40;
	[tilespmem:v35+s31+$0x0] =	vst.idx.msk $0xffff, v63  }
0x140: {  	s13 =	sor.u32 $0x10, s19;
	v1 =	vlaneseq.u32  }
0x141: {  	v36 =	vor.u32 s13, v1  }
0x142: {  	v62 =	vld [tilespmem:$0x1FFE0];
	v0 =	vshll.u32 v36, $0x7  }
0x143: {  	v63 =	vld [tilespmem:$0x1FFF0];
	v37 =	vor.u32 v1, v0  }
0x144: {  	v40 =	vor.u32 v6, v0;
	v41 =	vor.u32 v7, v0;
	v42 =	vor.u32 v8, v0  }
0x145: {  	v43 =	vor.u32 v9, v0;
	v44 =	vor.u32 v10, v0;
	v45 =	vor.u32 v11, v0  }
0x146: {  	v46 =	vor.u32 v12, v0;
	v47 =	vor.u32 v13, v0;
	v48 =	vor.u32 v14, v0  }
0x147: {  	v49 =	vor.u32 v15, v0;
	v50 =	vor.u32 v16, v0;
	v51 =	vor.u32 v17, v0  }
0x148: {  	s20 =	simm.s32 $0x0;
	p3 =	por $0x1, $0x1;
	v52 =	vor.u32 v18, v0;
	v38 =	vor.u32 v62, v0;
	v39 =	vor.u32 v63, v0  }
.LBB2_6:
0x149: {  	v0 =	vor.u32 s20, v37  }
0x14a: {  	s13 =	sor.u32 $0x10, s20  }
0x14b: {  	v1 =	vmov s20;
	s17 =	sor.u32 $0x20, s20;
	v2 =	vor.u32 s13, v37  }
0x14c: {  	s19 =	sor.u32 $0x30, s20;
	v53 =	vshll.u32 v1, $0x7;
	v3 =	vmov s13;
	v4 =	vor.u32 s17, v37  }
0x14d: {  	v1 =	vor.u32 v34, v53;
	v54 =	vshll.u32 v3, $0x7;
	v3 =	vor.u32 s19, v37  }
0x14e: {  	v5 =	vor.u32 s20, v38;
	v55 =	vmov s17;
	v1 =	vadd.s32 v36, v1;
	v0 =	vld.idx.msk [tilespmem:v0+s23+$0x0], $0xffff  }
0x14f: {  	v56 =	vmov s19;
	v55 =	vshll.u32 v55, $0x7;
	v35 =	vor.u32 v34, v54  }
0x150: {  	v56 =	vshll.u32 v56, $0x7;
	v58 =	vor.u32 v34, v55;
	v35 =	vadd.s32 v36, v35;
	v2 =	vld.idx.msk [tilespmem:v2+s23+$0x0], $0xffff  }
0x151: {  	v57 =	vor.u32 s13, v38;
	v59 =	vor.u32 v34, v56;
	v58 =	vadd.s32 v36, v58;
	v4 =	vld.idx.msk [tilespmem:v4+s23+$0x0], $0xffff  }
0x152: {  	v60 =	vor.u32 s17, v38;
	v59 =	vadd.s32 v36, v59;
	v3 =	vld.idx.msk [tilespmem:v3+s23+$0x0], $0xffff  }
0x153: {  	v61 =	vor.u32 v33, v53;
	[tilespmem:v1+s31+$0x0] =	vst.idx.msk $0xffff, v0;
	v1 =	vor.u32 s19, v38  }
0x154: {  	v0 =	vadd.s32 v36, v61;
	v5 =	vld.idx.msk [tilespmem:v5+s23+$0x0], $0xffff  }
0x155: {  	v62 =	vor.u32 v33, v54;
	v63 =	vor.u32 v33, v56;
	[tilespmem:v35+s31+$0x0] =	vst.idx.msk $0xffff, v2;
	v35 =	vor.u32 s20, v39  }
0x156: {  	v2 =	vadd.s32 v36, v62;
	[tilespmem:v58+s31+$0x0] =	vst.idx.msk $0xffff, v4;
	v4 =	vor.u32 v33, v55;
	v57 =	vld.idx.msk [tilespmem:v57+s23+$0x0], $0xffff  }
0x157: {  	v61 =	vor.u32 s13, v39;
	v58 =	vld.idx.msk [tilespmem:v60+s23+$0x0], $0xffff;
	v4 =	vadd.s32 v36, v4;
	[tilespmem:v59+s31+$0x0] =	vst.idx.msk $0xffff, v3  }
0x158: {  	v59 =	vor.u32 s17, v39;
	v3 =	vadd.s32 v36, v63;
	v1 =	vld.idx.msk [tilespmem:v1+s23+$0x0], $0xffff  }
0x159: {  	v60 =	vor.u32 v32, v53;
	[tilespmem:v0+s31+$0x0] =	vst.idx.msk $0xffff, v5;
	v5 =	vor.u32 s19, v39  }
0x15a: {  	v0 =	vadd.s32 v36, v60;
	v35 =	vld.idx.msk [tilespmem:v35+s23+$0x0], $0xffff  }
0x15b: {  	v62 =	vor.u32 v32, v56;
	[tilespmem:v2+s31+$0x0] =	vst.idx.msk $0xffff, v57;
	v2 =	vor.u32 v32, v54;
	v57 =	vor.u32 s20, v40  }
0x15c: {  	[tilespmem:v4+s31+$0x0] =	vst.idx.msk $0xffff, v58;
	v4 =	vor.u32 v32, v55;
	v60 =	vld.idx.msk [tilespmem:v61+s23+$0x0], $0xffff;
	v2 =	vadd.s32 v36, v2  }
0x15d: {  	v61 =	vor.u32 s13, v40;
	v58 =	vld.idx.msk [tilespmem:v59+s23+$0x0], $0xffff;
	v4 =	vadd.s32 v36, v4;
	[tilespmem:v3+s31+$0x0] =	vst.idx.msk $0xffff, v1  }
0x15e: {  	v3 =	vor.u32 s17, v40;
	v1 =	vadd.s32 v36, v62;
	v5 =	vld.idx.msk [tilespmem:v5+s23+$0x0], $0xffff  }
0x15f: {  	v63 =	vor.u32 v31, v53;
	[tilespmem:v0+s31+$0x0] =	vst.idx.msk $0xffff, v35;
	v35 =	vor.u32 s19, v40  }
0x160: {  	v0 =	vadd.s32 v36, v63;
	v57 =	vld.idx.msk [tilespmem:v57+s23+$0x0], $0xffff  }
0x161: {  	v59 =	vor.u32 s20, v41;
	v62 =	vor.u32 v31, v56;
	[tilespmem:v2+s31+$0x0] =	vst.idx.msk $0xffff, v60;
	v2 =	vor.u32 v31, v54  }
0x162: {  	[tilespmem:v4+s31+$0x0] =	vst.idx.msk $0xffff, v58;
	v4 =	vor.u32 v31, v55;
	v60 =	vld.idx.msk [tilespmem:v61+s23+$0x0], $0xffff;
	v2 =	vadd.s32 v36, v2  }
0x163: {  	v61 =	vor.u32 s13, v41;
	v4 =	vadd.s32 v36, v4;
	v3 =	vld.idx.msk [tilespmem:v3+s23+$0x0], $0xffff;
	[tilespmem:v1+s31+$0x0] =	vst.idx.msk $0xffff, v5  }
0x164: {  	v5 =	vor.u32 s17, v41;
	v1 =	vadd.s32 v36, v62;
	v35 =	vld.idx.msk [tilespmem:v35+s23+$0x0], $0xffff  }
0x165: {  	v63 =	vor.u32 v30, v53;
	[tilespmem:v0+s31+$0x0] =	vst.idx.msk $0xffff, v57;
	v57 =	vor.u32 s19, v41  }
0x166: {  	v0 =	vadd.s32 v36, v63;
	v58 =	vld.idx.msk [tilespmem:v59+s23+$0x0], $0xffff  }
0x167: {  	v62 =	vor.u32 v30, v55;
	[tilespmem:v2+s31+$0x0] =	vst.idx.msk $0xffff, v60;
	v2 =	vor.u32 v30, v54;
	v59 =	vor.u32 s20, v42  }
0x168: {  	v63 =	vor.u32 v30, v56;
	v60 =	vld.idx.msk [tilespmem:v61+s23+$0x0], $0xffff;
	v2 =	vadd.s32 v36, v2;
	[tilespmem:v4+s31+$0x0] =	vst.idx.msk $0xffff, v3  }
0x169: {  	v61 =	vor.u32 s13, v42;
	v3 =	vadd.s32 v36, v62;
	v4 =	vld.idx.msk [tilespmem:v5+s23+$0x0], $0xffff;
	[tilespmem:v1+s31+$0x0] =	vst.idx.msk $0xffff, v35  }
0x16a: {  	v5 =	vor.u32 s17, v42;
	v1 =	vadd.s32 v36, v63;
	v35 =	vld.idx.msk [tilespmem:v57+s23+$0x0], $0xffff  }
0x16b: {  	v62 =	vor.u32 v29, v53;
	v57 =	vor.u32 s19, v42;
	[tilespmem:v0+s31+$0x0] =	vst.idx.msk $0xffff, v58  }
0x16c: {  	v0 =	vadd.s32 v36, v62;
	v58 =	vld.idx.msk [tilespmem:v59+s23+$0x0], $0xffff  }
0x16d: {  	v63 =	vor.u32 v29, v55;
	[tilespmem:v2+s31+$0x0] =	vst.idx.msk $0xffff, v60;
	v2 =	vor.u32 v29, v54;
	v59 =	vor.u32 s20, v43  }
0x16e: {  	v62 =	vor.u32 v29, v56;
	v60 =	vld.idx.msk [tilespmem:v61+s23+$0x0], $0xffff;
	v2 =	vadd.s32 v36, v2;
	[tilespmem:v3+s31+$0x0] =	vst.idx.msk $0xffff, v4  }
0x16f: {  	v61 =	vor.u32 s13, v43;
	v3 =	vadd.s32 v36, v63;
	v4 =	vld.idx.msk [tilespmem:v5+s23+$0x0], $0xffff;
	[tilespmem:v1+s31+$0x0] =	vst.idx.msk $0xffff, v35  }
0x170: {  	v5 =	vor.u32 s17, v43;
	v1 =	vadd.s32 v36, v62;
	v35 =	vld.idx.msk [tilespmem:v57+s23+$0x0], $0xffff  }
0x171: {  	v63 =	vor.u32 v28, v53;
	v57 =	vor.u32 s19, v43;
	[tilespmem:v0+s31+$0x0] =	vst.idx.msk $0xffff, v58  }
0x172: {  	v0 =	vadd.s32 v36, v63;
	v58 =	vld.idx.msk [tilespmem:v59+s23+$0x0], $0xffff  }
0x173: {  	v62 =	vor.u32 v28, v55;
	[tilespmem:v2+s31+$0x0] =	vst.idx.msk $0xffff, v60;
	v2 =	vor.u32 v28, v54;
	v59 =	vor.u32 s20, v44  }
0x174: {  	v63 =	vor.u32 v28, v56;
	v60 =	vld.idx.msk [tilespmem:v61+s23+$0x0], $0xffff;
	v2 =	vadd.s32 v36, v2;
	[tilespmem:v3+s31+$0x0] =	vst.idx.msk $0xffff, v4  }
0x175: {  	v61 =	vor.u32 s13, v44;
	v3 =	vadd.s32 v36, v62;
	v4 =	vld.idx.msk [tilespmem:v5+s23+$0x0], $0xffff;
	[tilespmem:v1+s31+$0x0] =	vst.idx.msk $0xffff, v35  }
0x176: {  	v5 =	vor.u32 s17, v44;
	v1 =	vadd.s32 v36, v63;
	v35 =	vld.idx.msk [tilespmem:v57+s23+$0x0], $0xffff  }
0x177: {  	v62 =	vor.u32 v27, v53;
	v57 =	vor.u32 s19, v44;
	[tilespmem:v0+s31+$0x0] =	vst.idx.msk $0xffff, v58  }
0x178: {  	v0 =	vadd.s32 v36, v62;
	v58 =	vld.idx.msk [tilespmem:v59+s23+$0x0], $0xffff  }
0x179: {  	v63 =	vor.u32 v27, v55;
	[tilespmem:v2+s31+$0x0] =	vst.idx.msk $0xffff, v60;
	v2 =	vor.u32 v27, v54;
	v59 =	vor.u32 s20, v45  }
0x17a: {  	v62 =	vor.u32 v27, v56;
	v60 =	vld.idx.msk [tilespmem:v61+s23+$0x0], $0xffff;
	v2 =	vadd.s32 v36, v2;
	[tilespmem:v3+s31+$0x0] =	vst.idx.msk $0xffff, v4  }
0x17b: {  	v61 =	vor.u32 s13, v45;
	v3 =	vadd.s32 v36, v63;
	v4 =	vld.idx.msk [tilespmem:v5+s23+$0x0], $0xffff;
	[tilespmem:v1+s31+$0x0] =	vst.idx.msk $0xffff, v35  }
0x17c: {  	v5 =	vor.u32 s17, v45;
	v1 =	vadd.s32 v36, v62;
	v35 =	vld.idx.msk [tilespmem:v57+s23+$0x0], $0xffff  }
0x17d: {  	v63 =	vor.u32 v26, v53;
	v57 =	vor.u32 s19, v45;
	[tilespmem:v0+s31+$0x0] =	vst.idx.msk $0xffff, v58  }
0x17e: {  	v0 =	vadd.s32 v36, v63;
	v58 =	vld.idx.msk [tilespmem:v59+s23+$0x0], $0xffff  }
0x17f: {  	v62 =	vor.u32 v26, v55;
	[tilespmem:v2+s31+$0x0] =	vst.idx.msk $0xffff, v60;
	v2 =	vor.u32 v26, v54;
	v59 =	vor.u32 s20, v46  }
0x180: {  	v63 =	vor.u32 v26, v56;
	v60 =	vld.idx.msk [tilespmem:v61+s23+$0x0], $0xffff;
	v2 =	vadd.s32 v36, v2;
	[tilespmem:v3+s31+$0x0] =	vst.idx.msk $0xffff, v4  }
0x181: {  	v61 =	vor.u32 s13, v46;
	v3 =	vadd.s32 v36, v62;
	v4 =	vld.idx.msk [tilespmem:v5+s23+$0x0], $0xffff;
	[tilespmem:v1+s31+$0x0] =	vst.idx.msk $0xffff, v35  }
0x182: {  	v5 =	vor.u32 s17, v46;
	v1 =	vadd.s32 v36, v63;
	v35 =	vld.idx.msk [tilespmem:v57+s23+$0x0], $0xffff  }
0x183: {  	v62 =	vor.u32 v25, v53;
	v57 =	vor.u32 s19, v46;
	[tilespmem:v0+s31+$0x0] =	vst.idx.msk $0xffff, v58  }
0x184: {  	v0 =	vadd.s32 v36, v62;
	v58 =	vld.idx.msk [tilespmem:v59+s23+$0x0], $0xffff  }
0x185: {  	v63 =	vor.u32 v25, v55;
	[tilespmem:v2+s31+$0x0] =	vst.idx.msk $0xffff, v60;
	v2 =	vor.u32 v25, v54;
	v59 =	vor.u32 s20, v47  }
0x186: {  	v62 =	vor.u32 v25, v56;
	v60 =	vld.idx.msk [tilespmem:v61+s23+$0x0], $0xffff;
	v2 =	vadd.s32 v36, v2;
	[tilespmem:v3+s31+$0x0] =	vst.idx.msk $0xffff, v4  }
0x187: {  	v61 =	vor.u32 s13, v47;
	v3 =	vadd.s32 v36, v63;
	v4 =	vld.idx.msk [tilespmem:v5+s23+$0x0], $0xffff;
	[tilespmem:v1+s31+$0x0] =	vst.idx.msk $0xffff, v35  }
0x188: {  	v5 =	vor.u32 s17, v47;
	v1 =	vadd.s32 v36, v62;
	v35 =	vld.idx.msk [tilespmem:v57+s23+$0x0], $0xffff  }
0x189: {  	v63 =	vor.u32 v24, v53;
	v57 =	vor.u32 s19, v47;
	[tilespmem:v0+s31+$0x0] =	vst.idx.msk $0xffff, v58  }
0x18a: {  	v0 =	vadd.s32 v36, v63;
	v58 =	vld.idx.msk [tilespmem:v59+s23+$0x0], $0xffff  }
0x18b: {  	v62 =	vor.u32 v24, v55;
	[tilespmem:v2+s31+$0x0] =	vst.idx.msk $0xffff, v60;
	v2 =	vor.u32 v24, v54;
	v59 =	vor.u32 s20, v48  }
0x18c: {  	v63 =	vor.u32 v24, v56;
	v60 =	vld.idx.msk [tilespmem:v61+s23+$0x0], $0xffff;
	v2 =	vadd.s32 v36, v2;
	[tilespmem:v3+s31+$0x0] =	vst.idx.msk $0xffff, v4  }
0x18d: {  	v61 =	vor.u32 s13, v48;
	v3 =	vadd.s32 v36, v62;
	v4 =	vld.idx.msk [tilespmem:v5+s23+$0x0], $0xffff;
	[tilespmem:v1+s31+$0x0] =	vst.idx.msk $0xffff, v35  }
0x18e: {  	v5 =	vor.u32 s17, v48;
	v1 =	vadd.s32 v36, v63;
	v35 =	vld.idx.msk [tilespmem:v57+s23+$0x0], $0xffff  }
0x18f: {  	v62 =	vor.u32 v23, v53;
	v57 =	vor.u32 s19, v48;
	[tilespmem:v0+s31+$0x0] =	vst.idx.msk $0xffff, v58  }
0x190: {  	v0 =	vadd.s32 v36, v62;
	v58 =	vld.idx.msk [tilespmem:v59+s23+$0x0], $0xffff  }
0x191: {  	v63 =	vor.u32 v23, v55;
	[tilespmem:v2+s31+$0x0] =	vst.idx.msk $0xffff, v60;
	v2 =	vor.u32 v23, v54;
	v59 =	vor.u32 s20, v49  }
0x192: {  	v62 =	vor.u32 v23, v56;
	v60 =	vld.idx.msk [tilespmem:v61+s23+$0x0], $0xffff;
	v2 =	vadd.s32 v36, v2;
	[tilespmem:v3+s31+$0x0] =	vst.idx.msk $0xffff, v4  }
0x193: {  	v61 =	vor.u32 s13, v49;
	v3 =	vadd.s32 v36, v63;
	v4 =	vld.idx.msk [tilespmem:v5+s23+$0x0], $0xffff;
	[tilespmem:v1+s31+$0x0] =	vst.idx.msk $0xffff, v35  }
0x194: {  	v5 =	vor.u32 s17, v49;
	v1 =	vadd.s32 v36, v62;
	v35 =	vld.idx.msk [tilespmem:v57+s23+$0x0], $0xffff  }
0x195: {  	v63 =	vor.u32 v22, v53;
	v57 =	vor.u32 s19, v49;
	[tilespmem:v0+s31+$0x0] =	vst.idx.msk $0xffff, v58  }
0x196: {  	v62 =	vor.u32 v22, v55;
	v0 =	vadd.s32 v36, v63;
	v58 =	vld.idx.msk [tilespmem:v59+s23+$0x0], $0xffff  }
0x197: {  	v63 =	vor.u32 v22, v56;
	[tilespmem:v2+s31+$0x0] =	vst.idx.msk $0xffff, v60;
	v2 =	vor.u32 v22, v54  }
0x198: {  	v59 =	vor.u32 s20, v50;
	v60 =	vld.idx.msk [tilespmem:v61+s23+$0x0], $0xffff;
	v2 =	vadd.s32 v36, v2;
	[tilespmem:v3+s31+$0x0] =	vst.idx.msk $0xffff, v4  }
0x199: {  	v61 =	vor.u32 s13, v50;
	v3 =	vadd.s32 v36, v62;
	v4 =	vld.idx.msk [tilespmem:v5+s23+$0x0], $0xffff;
	[tilespmem:v1+s31+$0x0] =	vst.idx.msk $0xffff, v35  }
0x19a: {  	v5 =	vor.u32 s17, v50;
	v1 =	vadd.s32 v36, v63;
	v35 =	vld.idx.msk [tilespmem:v57+s23+$0x0], $0xffff  }
0x19b: {  	[tilespmem:v0+s31+$0x0] =	vst.idx.msk $0xffff, v58;
	v0 =	vor.u32 s19, v50  }
0x19c: {  	v62 =	vor.u32 v21, v53;
	v63 =	vor.u32 v21, v55  }
0x19d: {  	v57 =	vld.idx.msk [tilespmem:v59+s23+$0x0], $0xffff;
	[tilespmem:v2+s31+$0x0] =	vst.idx.msk $0xffff, v60;
	v2 =	vadd.s32 v36, v62;
	v60 =	vor.u32 v21, v54  }
0x19e: {  	v58 =	vor.u32 s20, v51;
	v59 =	vld.idx.msk [tilespmem:v61+s23+$0x0], $0xffff;
	v60 =	vadd.s32 v36, v60;
	v61 =	vor.u32 s13, v51;
	[tilespmem:v3+s31+$0x0] =	vst.idx.msk $0xffff, v4  }
0x19f: {  	v3 =	vadd.s32 v36, v63;
	v4 =	vld.idx.msk [tilespmem:v5+s23+$0x0], $0xffff;
	[tilespmem:v1+s31+$0x0] =	vst.idx.msk $0xffff, v35;
	v35 =	vor.u32 v21, v56  }
0x1a0: {  	v5 =	vor.u32 s17, v51;
	v0 =	vld.idx.msk [tilespmem:v0+s23+$0x0], $0xffff;
	v1 =	vadd.s32 v36, v35  }
0x1a1: {  	v35 =	vor.u32 s19, v51  }
0x1a2: {  	v62 =	vor.u32 s20, v52;
	v63 =	vor.u32 s13, v52;
	[tilespmem:v2+s31+$0x0] =	vst.idx.msk $0xffff, v57;
	v2 =	vor.u32 v20, v53  }
0x1a3: {  	[tilespmem:v60+s31+$0x0] =	vst.idx.msk $0xffff, v59;
	v57 =	vld.idx.msk [tilespmem:v58+s23+$0x0], $0xffff;
	v2 =	vadd.s32 v36, v2;
	v60 =	vor.u32 v20, v54  }
0x1a4: {  	v59 =	vld.idx.msk [tilespmem:v61+s23+$0x0], $0xffff;
	v58 =	vadd.s32 v36, v60;
	[tilespmem:v3+s31+$0x0] =	vst.idx.msk $0xffff, v4;
	v60 =	vor.u32 v20, v55  }
0x1a5: {  	v61 =	vor.u32 v20, v56;
	v4 =	vld.idx.msk [tilespmem:v5+s23+$0x0], $0xffff;
	v3 =	vadd.s32 v36, v60;
	[tilespmem:v1+s31+$0x0] =	vst.idx.msk $0xffff, v0  }
0x1a6: {  	v1 =	vor.u32 s17, v52;
	v0 =	vadd.s32 v36, v61;
	v5 =	vld.idx.msk [tilespmem:v35+s23+$0x0], $0xffff  }
0x1a7: {  	v35 =	vor.u32 s19, v52  }
0x1a8: {  	[tilespmem:v2+s31+$0x0] =	vst.idx.msk $0xffff, v57;
	v57 =	vor.u32 v19, v53  }
0x1a9: {  	v54 =	vor.u32 v19, v54;
	[tilespmem:v58+s31+$0x0] =	vst.idx.msk $0xffff, v59;
	v59 =	vld.idx.msk [tilespmem:v62+s23+$0x0], $0xffff;
	v2 =	vadd.s32 v36, v57  }
0x1aa: {  	v61 =	vor.u32 v19, v55;
	[tilespmem:v3+s31+$0x0] =	vst.idx.msk $0xffff, v4;
	v60 =	vld.idx.msk [tilespmem:v63+s23+$0x0], $0xffff;
	v4 =	vadd.s32 v36, v54  }
0x1ab: {  	v63 =	vadd.s32 v36, v61;
	v62 =	vld.idx.msk [tilespmem:v1+s23+$0x0], $0xffff;
	[tilespmem:v0+s31+$0x0] =	vst.idx.msk $0xffff, v5;
	v5 =	vor.u32 v19, v56  }
0x1ac: {  	p4 =	por p3, p3;
	v35 =	vld.idx.msk [tilespmem:v35+s23+$0x0], $0xffff;
	v5 =	vadd.s32 v36, v5  }
.Ltmp5:
0x1ad: {  	_ = 	snop;
	(pc) =	sbr.rel @p4 .LBB2_6-.Ltmp5, $4  }
0x1ae: {  	[tilespmem:v2+s31+$0x0] =	vst.idx.msk $0xffff, v59  }
0x1af: {  	[tilespmem:v4+s31+$0x0] =	vst.idx.msk $0xffff, v60  }
0x1b0: {  	[tilespmem:v63+s31+$0x0] =	vst.idx.msk $0xffff, v62  }
0x1b1: {  	p3 =	por $0x0, $0x0;
	s20 =	simm.s32 $0x40;
	[tilespmem:v5+s31+$0x0] =	vst.idx.msk $0xffff, v35  }
0x1b2: {  	p3 =	slt.u32 s11, $0x6  }
.Ltmp6:
0x1b3: {  	_ = 	snop;
	(pc) =	sbr.rel @p3 .LBB2_3-.Ltmp6, $3  }
0x1b4: {  	_ =	sdelay $0x1  }
0x1b5: {  	s13 =	sadd.s32 $0x2, s11  }
0x1b6: {  	s11 =	smov.u32 s13  }
0x1b7: {  	v49 =	vld [tilespmem:$0x100]  }
0x1b8: {  	v48 =	vld [tilespmem:$0x110]  }
0x1b9: {  	v46 =	vld [tilespmem:$0x120]  }
0x1ba: {  	v0 =	vld [tilespmem:$0x0]  }
0x1bb: {  	v1 =	vld [tilespmem:$0x10]  }
0x1bc: {  	v3 =	vld [tilespmem:$0x20]  }
0x1bd: {  	v5 =	vor.u32 $0x800, v34;
	v52 =	vld [tilespmem:$0x130];
	v4 =	vand.u32 $0x7F, v48  }
0x1be: {  	v35 =	vor.u32 $0x1000, v34;
	v54 =	vld [tilespmem:$0x30];
	[tilespmem:$0x1FF30] =	vst v5;
	v4 =	vor.u32 v5, v4;
	v5 =	vand.u32 $0x7F, v46  }
0x1bf: {  	v57 =	vld [tilespmem:$0x40];
	v47 =	vor.u32 v35, v5  }
0x1c0: {  	v45 =	vld [tilespmem:$0x150]  }
0x1c1: {  	v59 =	vld [tilespmem:$0x50]  }
0x1c2: {  	v44 =	vld [tilespmem:$0x160]  }
0x1c3: {  	v43 =	vld [tilespmem:$0x170]  }
0x1c4: {  	v2 =	vand.u32 $0x7F, v49;
	v51 =	vld.idx.msk [tilespmem:v47+s23+$0x0], $0xffff  }
0x1c5: {  	v2 =	vor.u32 v34, v2;
	v47 =	vld [tilespmem:$0x140]  }
0x1c6: {  	v53 =	vld [tilespmem:$0x70]  }
0x1c7: {  	v5 =	vld [tilespmem:$0x60]  }
0x1c8: {  	v60 =	vld.idx.msk [tilespmem:v0+s25+$0x0], $0xffff  }
0x1c9: {  	v58 =	vand.u32 $0x7F, v52;
	v56 =	vld.idx.msk [tilespmem:v4+s23+$0x0], $0xffff;
	v4 =	vor.u32 $0x1800, v34  }
0x1ca: {  	v39 =	vor.u32 $0x2000, v34;
	v62 =	vld.idx.msk [tilespmem:v2+s23+$0x0], $0xffff;
	[tilespmem:$0x1FF50] =	vst v4;
	v2 =	vor.u32 v4, v58;
	v4 =	vand.u32 $0x7F, v47  }
0x1cb: {  	v55 =	vld.idx.msk [tilespmem:v1+s25+$0x0], $0xffff;
	v4 =	vor.u32 v39, v4  }
0x1cc: {  	v50 =	vld.idx.msk [tilespmem:v3+s25+$0x0], $0xffff  }
0x1cd: {  	v36 =	vor.u32 $0x3000, v34;
	v42 =	vand.u32 $0x7F, v44;
	v63 =	vld.idx.msk [tilespmem:v54+s25+$0x0], $0xffff  }
0x1ce: {  	[tilespmem:$0x1FF40] =	vst v35;
	v35 =	vld.idx.msk [tilespmem:v57+s25+$0x0], $0xffff;
	v54 =	vor.u32 v36, v42  }
0x1cf: {  	v41 =	vor.u32 $0x2800, v34;
	v40 =	vand.u32 $0x7F, v45;
	v53 =	vld.idx.msk [tilespmem:v53+s25+$0x0], $0xffff  }
0x1d0: {  	[tilespmem:$0x1FF80] =	vst v36;
	v61 =	vand.u32 $0x7F, v43;
	v0 =	vor.u32 v41, v40;
	v36 =	vld.idx.msk [tilespmem:v4+s23+$0x0], $0xffff;
	v4 =	vor.u32 $0x3800, v34  }
0x1d1: {  	v37 =	vld.idx.msk [tilespmem:v2+s23+$0x0], $0xffff;
	v2 =	vor.u32 v4, v61  }
0x1d2: {  	v58 =	vld.idx.msk [tilespmem:v59+s25+$0x0], $0xffff  }
0x1d3: {  	v59 =	vld.idx.msk [tilespmem:v54+s23+$0x0], $0xffff  }
0x1d4: {  	s11 =	sshll.u32 @p0 s18, $0xA;
	s13 =	simm.s32 @p0 $0x400;
	s17 =	simm.s32 @p0 $0x64000;
	v57 =	vld.idx.msk [tilespmem:v5+s25+$0x0], $0xffff  }
0x1d5: {  	s19 =	simm.s32 @p0 $0x8300;
	p3 =	sne.s32 s18, $0x31;
	s11 =	sadd.s32 @p0 s11, s16;
	v61 =	vld.idx.msk [tilespmem:v0+s23+$0x0], $0xffff  }
0x1d6: {  	v54 =	vld.idx.msk [tilespmem:v2+s23+$0x0], $0xffff;
	[hbm4b:s11+s13] =	stream.strided.scatter @p0 [tilespmem:s19], [sflag:$0x3], $0x3400, s17, s13, $0x38  }
.Ltmp7:
0x1d7: {  	s11 =	sshll.u32 @!p0 s18, $0xD;
	(pc) =	sbr.rel @p3 .LBB2_10-.Ltmp7, $4  }
0x1d8: {  	[tilespmem:$0x1FF60] =	vst v39;
	s11 =	sadd.s32 @!p0 s11, s15  }
0x1d9: {  	[tilespmem:$0x1FF70] =	vst v41;
	s13 =	simm.s32 @!p0 $0x400;
	s11 =	sshrl.u32 @!p0 s11, $0x3  }
0x1da: {  	[tilespmem:$0x1FF90] =	vst v4;
	s17 =	simm.s32 @!p0 $0x64000;
	s19 =	simm.s32 @!p0 $0x8300;
	s11 =	sadd.s32 @!p0 s3, s11  }
0x1db: {  	[hbm4b:s11+s13] =	stream.strided.scatter @!p0 [tilespmem:s19], [sflag:$0x3], $0x4000, s17, s13, $0x38;
	[tilespmem:$0x10780] =	vst v63  }
.Ltmp8:
0x1dc: {  	(pc) =	sbr.rel .LBB2_11-.Ltmp8, $4  }
0x1dd: {  	_ = 	snop  }
0x1de: {  	_ =	swait.ge [sflag:s2], $0x4000  }
0x1df: {  	[sflag:s2] =	ssyncset.done $0x0  }
0x1e0: {  	[sflag:s2] =	ssyncadd.s32 $0xFFFFC000  }
.LBB2_10:
0x1e1: {  	s11 =	sshll.u32 s18, $0x7;
	s13 =	rddreg [dreg:$0x8]  }
0x1e2: {  	s11 =	sadd.s32 s13, s11  }
0x1e3: {  	s13 =	sadd.s32 s6, s11  }
0x1e4: {  	[tilespmem:s4], [sflag:$0x5] =	stream.linear.gather [hbm4b:s13+s4], $0x80, $0x38;
	[tilespmem:$0x10780] =	vst v63  }
0x1e5: {  	s20 =	simm.s32 $0x100;
	s11 =	sadd.s32 s7, s11  }
0x1e6: {  	[tilespmem:s20], [sflag:$0x5] =	stream.linear.gather [hbm4b:s11+s4], $0x80, $0x38;
	[tilespmem:$0x10780] =	vst v63  }
0x1e7: {  	_ =	swait.ge [sflag:s2], $0x4000  }
0x1e8: {  	[sflag:s2] =	ssyncset.done $0x0  }
0x1e9: {  	[sflag:s2] =	ssyncadd.s32 $0xFFFFC000  }
0x1ea: {  	_ =	swait.ge [sflag:s12], $0x80  }
0x1eb: {  	[sflag:s12] =	ssyncset.done $0x0  }
0x1ec: {  	[sflag:s12] =	ssyncadd.s32 $0xFFFFFF80  }
0x1ed: {  	_ =	swait.ge [sflag:s12], $0x80  }
0x1ee: {  	[sflag:s12] =	ssyncset.done $0x0  }
0x1ef: {  	v38 =	vld [tilespmem:$0x1FFB0];
	[sflag:s12] =	ssyncadd.s32 $0xFFFFFF80  }
0x1f0: {  	v0 =	vld [tilespmem:$0x0]  }
0x1f1: {  	v1 =	vld [tilespmem:$0x10]  }
0x1f2: {  	v2 =	vld [tilespmem:$0x20]  }
0x1f3: {  	v3 =	vld [tilespmem:$0x30]  }
0x1f4: {  	v4 =	vld [tilespmem:$0x40]  }
0x1f5: {  	v5 =	vld [tilespmem:$0x50];
	v0 =	vadd.s32 v38, v0  }
0x1f6: {  	v40 =	vadd.s32 v38, v1;
	v1 =	vld [tilespmem:$0x60];
	[tilespmem:$0x200] =	vst v0  }
0x1f7: {  	v41 =	vadd.s32 v38, v2;
	v2 =	vld [tilespmem:$0x70];
	[tilespmem:$0x210] =	vst v40  }
0x1f8: {  	v42 =	vadd.s32 v38, v3;
	[tilespmem:$0x220] =	vst v41  }
0x1f9: {  	v39 =	vadd.s32 v38, v4;
	[tilespmem:$0x230] =	vst v42  }
.Ltmp9:
0x1fa: {  	[tilespmem:$0x240] =	vst v39;
	v40 =	vadd.s32 v38, v5;
	(pc) =	sbr.rel @p2 .LBB2_12-.Ltmp9, $4  }
0x1fb: {  	[tilespmem:$0x250] =	vst v40;
	v41 =	vadd.s32 v38, v1  }
0x1fc: {  	v42 =	vadd.s32 v38, v2;
	[tilespmem:$0x260] =	vst v41  }
0x1fd: {  	s22 =	simm.s32 $0x200;
	[tilespmem:$0x270] =	vst v42  }
0x1fe: {  	[tilespmem:s23], [sflag:$0x1] =	stream.indirect.gather [hbm4b:s5+s21], $0x80, s22, s21, $0xb8;
	[tilespmem:$0x10780] =	vst v63  }
.LBB2_11:
0x1ff: {  	s11 =	simm.s32 @p0 $0x4  }
0x200: {  	_ =	swait.ge @p0 [sflag:s11], $0x3400  }
0x201: {  	[sflag:s11] =	ssyncset.done @p0 $0x0  }
0x202: {  	[sflag:s11] =	ssyncadd.s32 @p0 $0xFFFFCC00;
	s11 =	simm.s32 @!p0 $0x4  }
0x203: {  	_ =	swait.ge @!p0 [sflag:s11], $0x4000  }
0x204: {  	[sflag:s11] =	ssyncset.done @!p0 $0x0  }
0x205: {  	[sflag:s11] =	ssyncadd.s32 @!p0 $0xFFFFC000  }
.LBB2_12:
0x206: {  	v3 =	vld [tilespmem:$0x1FFC0]  }
0x207: {  	v4 =	vld [tilespmem:$0x1FFD0];
	_ =	sdelay $0x1  }
0x208: {  	v39 =	vsub.f32 v60, v62;
	v40 =	vsub.f32 v55, v56  }
0x209: {  	v2 =	vld [tilespmem:$0x1FFA0];
	v42 =	vsub.f32 v50, v51;
	v51 =	vsub.f32 v35, v36  }
0x20a: {  	v56 =	vsub.f32 v58, v61;
	v59 =	vsub.f32 v57, v59;
	v0 =	vsub.s32 v49, v3  }
0x20b: {  	v62 =	vsub.f32 v53, v54;
	vm0 =	vgt.s32 v0, $0xFFFFFFFF;
	vm1 =	vlt.s32 v0, v4  }
0x20c: {  	v1 =	vsub.s32 v48, v3;
	v41 =	vsub.s32 v46, v3;
	vm0 =	vmand vm0, vm1  }
0x20d: {  	vm13 =	vgt.s32 v1, $0xFFFFFFFF;
	vm14 =	vlt.s32 v1, v4;
	v0 =	vnsel vm0, $0x0, v39  }
0x20e: {  	v46 =	vsub.s32 v52, v3;
	vm0 =	vmand vm13, vm14;
	v0 =	vadd.f32 v0, v2  }
0x20f: {  	vm15 =	vgt.s32 v41, $0xFFFFFFFF;
	vm4 =	vlt.s32 v41, v4;
	v1 =	vnsel vm0, $0x0, v40  }
0x210: {  	v48 =	vsub.f32 v63, v37;
	vm0 =	vmand vm15, vm4;
	v0 =	vadd.f32 v1, v0  }
0x211: {  	vm5 =	vgt.s32 v46, $0xFFFFFFFF;
	vm2 =	vlt.s32 v46, v4;
	v1 =	vnsel vm0, $0x0, v42  }
0x212: {  	v50 =	vsub.s32 v47, v3;
	vm6 =	vmand vm5, vm2;
	v0 =	vadd.f32 v1, v0  }
0x213: {  	vm7 =	vgt.s32 v50, $0xFFFFFFFF;
	vm8 =	vlt.s32 v50, v4;
	v49 =	vnsel vm6, $0x0, v48  }
0x214: {  	v55 =	vsub.s32 v45, v3;
	vm0 =	vmand vm7, vm8;
	v0 =	vadd.f32 v49, v0  }
0x215: {  	vm9 =	vgt.s32 v55, $0xFFFFFFFF;
	vm10 =	vlt.s32 v55, v4;
	v52 =	vnsel vm0, $0x0, v51  }
0x216: {  	v58 =	vsub.s32 v44, v3;
	vm0 =	vmand vm9, vm10;
	v0 =	vadd.f32 v52, v0  }
0x217: {  	vm11 =	vgt.s32 v58, $0xFFFFFFFF;
	vm12 =	vlt.s32 v58, v4;
	v1 =	vnsel vm0, $0x0, v56  }
0x218: {  	v61 =	vsub.s32 v43, v3;
	vm13 =	vmand vm11, vm12;
	v0 =	vadd.f32 v1, v0  }
0x219: {  	vm14 =	vgt.s32 v61, $0xFFFFFFFF;
	v60 =	vnsel vm13, $0x0, v59;
	vm15 =	vlt.s32 v61, v4  }
0x21a: {  	vm0 =	vmand vm14, vm15;
	v0 =	vadd.f32 v60, v0  }
0x21b: {  	v63 =	vnsel vm0, $0x0, v62  }
0x21c: {  	v0 =	vadd.f32 v63, v0;
	_ =	sdelay $0x1  }
0x21d: {  	s11 =	simm.s32 $0x0;
	[tilespmem:$0x1FF20] =	vst v0  }
.LBB2_13:
0x21e: {  	s19 =	sshll.u32 s11, $0x4;
	v1 =	vlaneseq.u32  }
0x21f: {  	v43 =	vor.u32 s19, v1  }
0x220: {  	v62 =	vld [tilespmem:$0x1FFE0];
	v0 =	vshll.u32 v43, $0x7  }
0x221: {  	v63 =	vld [tilespmem:$0x1FFF0];
	v44 =	vor.u32 v1, v0  }
0x222: {  	v47 =	vor.u32 v6, v0;
	v48 =	vor.u32 v7, v0;
	v49 =	vor.u32 v8, v0  }
0x223: {  	v50 =	vor.u32 v9, v0;
	v51 =	vor.u32 v10, v0;
	v52 =	vor.u32 v11, v0  }
0x224: {  	v53 =	vor.u32 v12, v0;
	v54 =	vor.u32 v13, v0;
	v55 =	vor.u32 v14, v0  }
0x225: {  	v56 =	vor.u32 v15, v0;
	v57 =	vor.u32 v16, v0;
	v58 =	vor.u32 v17, v0  }
0x226: {  	p2 =	por $0x1, $0x1;
	s22 =	simm.s32 $0x0;
	v59 =	vor.u32 v18, v0;
	v45 =	vor.u32 v62, v0;
	v46 =	vor.u32 v63, v0  }
.LBB2_14:
0x227: {  	v0 =	vor.u32 s22, v44  }
0x228: {  	s13 =	sor.u32 $0x10, s22  }
0x229: {  	v1 =	vmov s22;
	s17 =	sor.u32 $0x20, s22;
	v2 =	vor.u32 s13, v44  }
0x22a: {  	s20 =	sor.u32 $0x30, s22;
	v60 =	vshll.u32 v1, $0x7;
	v3 =	vmov s13;
	v4 =	vor.u32 s17, v44  }
0x22b: {  	v1 =	vor.u32 v34, v60;
	v61 =	vshll.u32 v3, $0x7;
	v3 =	vor.u32 s20, v44  }
0x22c: {  	v5 =	vor.u32 s22, v45;
	v37 =	vmov s17;
	v1 =	vadd.s32 v43, v1;
	v0 =	vld.idx.msk [tilespmem:v0+s30+$0x0], $0xffff  }
0x22d: {  	v41 =	vmov s20;
	v62 =	vshll.u32 v37, $0x7;
	v36 =	vor.u32 v34, v61  }
0x22e: {  	v63 =	vshll.u32 v41, $0x7;
	v38 =	vor.u32 v34, v62;
	v36 =	vadd.s32 v43, v36;
	v2 =	vld.idx.msk [tilespmem:v2+s30+$0x0], $0xffff  }
0x22f: {  	v35 =	vor.u32 s13, v45;
	v42 =	vor.u32 v34, v63;
	v37 =	vadd.s32 v43, v38;
	v4 =	vld.idx.msk [tilespmem:v4+s30+$0x0], $0xffff  }
0x230: {  	v39 =	vor.u32 s17, v45;
	v38 =	vadd.s32 v43, v42;
	v3 =	vld.idx.msk [tilespmem:v3+s30+$0x0], $0xffff  }
0x231: {  	v40 =	vor.u32 v33, v60;
	[tilespmem:v1+s0+$0x0] =	vst.idx.msk $0xffff, v0;
	v1 =	vor.u32 s20, v45  }
0x232: {  	v0 =	vadd.s32 v43, v40;
	v5 =	vld.idx.msk [tilespmem:v5+s30+$0x0], $0xffff  }
0x233: {  	v41 =	vor.u32 v33, v61;
	v42 =	vor.u32 v33, v63;
	[tilespmem:v36+s0+$0x0] =	vst.idx.msk $0xffff, v2;
	v36 =	vor.u32 s22, v46  }
0x234: {  	v2 =	vadd.s32 v43, v41;
	[tilespmem:v37+s0+$0x0] =	vst.idx.msk $0xffff, v4;
	v4 =	vor.u32 v33, v62;
	v35 =	vld.idx.msk [tilespmem:v35+s30+$0x0], $0xffff  }
0x235: {  	v40 =	vor.u32 s13, v46;
	v37 =	vld.idx.msk [tilespmem:v39+s30+$0x0], $0xffff;
	v4 =	vadd.s32 v43, v4;
	[tilespmem:v38+s0+$0x0] =	vst.idx.msk $0xffff, v3  }
0x236: {  	v38 =	vor.u32 s17, v46;
	v3 =	vadd.s32 v43, v42;
	v1 =	vld.idx.msk [tilespmem:v1+s30+$0x0], $0xffff  }
0x237: {  	v41 =	vor.u32 v32, v60;
	[tilespmem:v0+s0+$0x0] =	vst.idx.msk $0xffff, v5;
	v5 =	vor.u32 s20, v46  }
0x238: {  	v42 =	vor.u32 v32, v61;
	v0 =	vadd.s32 v43, v41;
	v36 =	vld.idx.msk [tilespmem:v36+s30+$0x0], $0xffff  }
0x239: {  	[tilespmem:v2+s0+$0x0] =	vst.idx.msk $0xffff, v35;
	v35 =	vor.u32 s22, v47;
	v2 =	vadd.s32 v43, v42  }
0x23a: {  	[tilespmem:v4+s0+$0x0] =	vst.idx.msk $0xffff, v37;
	v4 =	vor.u32 v32, v62;
	v39 =	vld.idx.msk [tilespmem:v40+s30+$0x0], $0xffff;
	v40 =	vor.u32 s13, v47  }
0x23b: {  	v37 =	vld.idx.msk [tilespmem:v38+s30+$0x0], $0xffff;
	v4 =	vadd.s32 v43, v4;
	v38 =	vor.u32 v32, v63;
	[tilespmem:v3+s0+$0x0] =	vst.idx.msk $0xffff, v1  }
0x23c: {  	v3 =	vor.u32 s17, v47;
	v1 =	vadd.s32 v43, v38;
	v5 =	vld.idx.msk [tilespmem:v5+s30+$0x0], $0xffff  }
0x23d: {  	v41 =	vor.u32 v31, v60;
	[tilespmem:v0+s0+$0x0] =	vst.idx.msk $0xffff, v36;
	v36 =	vor.u32 s20, v47  }
0x23e: {  	v42 =	vor.u32 v31, v61;
	v0 =	vadd.s32 v43, v41;
	v35 =	vld.idx.msk [tilespmem:v35+s30+$0x0], $0xffff  }
0x23f: {  	v38 =	vor.u32 s22, v48;
	[tilespmem:v2+s0+$0x0] =	vst.idx.msk $0xffff, v39;
	v2 =	vadd.s32 v43, v42  }
0x240: {  	[tilespmem:v4+s0+$0x0] =	vst.idx.msk $0xffff, v37;
	v4 =	vor.u32 v31, v62;
	v42 =	vor.u32 v31, v63;
	v39 =	vld.idx.msk [tilespmem:v40+s30+$0x0], $0xffff  }
0x241: {  	v40 =	vor.u32 s13, v48;
	v4 =	vadd.s32 v43, v4;
	v3 =	vld.idx.msk [tilespmem:v3+s30+$0x0], $0xffff;
	[tilespmem:v1+s0+$0x0] =	vst.idx.msk $0xffff, v5  }
0x242: {  	v5 =	vor.u32 s17, v48;
	v1 =	vadd.s32 v43, v42;
	v36 =	vld.idx.msk [tilespmem:v36+s30+$0x0], $0xffff  }
0x243: {  	v41 =	vor.u32 v30, v60;
	[tilespmem:v0+s0+$0x0] =	vst.idx.msk $0xffff, v35;
	v35 =	vor.u32 s20, v48  }
0x244: {  	v42 =	vor.u32 v30, v61;
	v0 =	vadd.s32 v43, v41;
	v37 =	vld.idx.msk [tilespmem:v38+s30+$0x0], $0xffff  }
0x245: {  	[tilespmem:v2+s0+$0x0] =	vst.idx.msk $0xffff, v39;
	v38 =	vor.u32 s22, v49;
	v2 =	vadd.s32 v43, v42  }
0x246: {  	v42 =	vor.u32 v30, v62;
	v39 =	vld.idx.msk [tilespmem:v40+s30+$0x0], $0xffff;
	v40 =	vor.u32 s13, v49;
	[tilespmem:v4+s0+$0x0] =	vst.idx.msk $0xffff, v3  }
0x247: {  	v3 =	vadd.s32 v43, v42;
	v4 =	vld.idx.msk [tilespmem:v5+s30+$0x0], $0xffff;
	[tilespmem:v1+s0+$0x0] =	vst.idx.msk $0xffff, v36;
	v36 =	vor.u32 v30, v63  }
0x248: {  	v5 =	vor.u32 s17, v49;
	v35 =	vld.idx.msk [tilespmem:v35+s30+$0x0], $0xffff;
	v1 =	vadd.s32 v43, v36  }
0x249: {  	v41 =	vor.u32 v29, v60;
	v36 =	vor.u32 s20, v49;
	[tilespmem:v0+s0+$0x0] =	vst.idx.msk $0xffff, v37  }
0x24a: {  	v0 =	vadd.s32 v43, v41;
	v37 =	vld.idx.msk [tilespmem:v38+s30+$0x0], $0xffff  }
0x24b: {  	v42 =	vor.u32 v29, v61;
	v41 =	vor.u32 v29, v62;
	[tilespmem:v2+s0+$0x0] =	vst.idx.msk $0xffff, v39;
	v38 =	vor.u32 s22, v50  }
0x24c: {  	v2 =	vadd.s32 v43, v42;
	v42 =	vor.u32 v29, v63;
	v39 =	vld.idx.msk [tilespmem:v40+s30+$0x0], $0xffff;
	[tilespmem:v3+s0+$0x0] =	vst.idx.msk $0xffff, v4  }
0x24d: {  	v40 =	vor.u32 s13, v50;
	v3 =	vadd.s32 v43, v41;
	v4 =	vld.idx.msk [tilespmem:v5+s30+$0x0], $0xffff;
	[tilespmem:v1+s0+$0x0] =	vst.idx.msk $0xffff, v35  }
0x24e: {  	v5 =	vor.u32 s17, v50;
	v1 =	vadd.s32 v43, v42;
	v35 =	vld.idx.msk [tilespmem:v36+s30+$0x0], $0xffff  }
0x24f: {  	v41 =	vor.u32 v28, v60;
	v36 =	vor.u32 s20, v50;
	[tilespmem:v0+s0+$0x0] =	vst.idx.msk $0xffff, v37  }
0x250: {  	v0 =	vadd.s32 v43, v41;
	v37 =	vld.idx.msk [tilespmem:v38+s30+$0x0], $0xffff  }
0x251: {  	v42 =	vor.u32 v28, v61;
	v41 =	vor.u32 v28, v62;
	[tilespmem:v2+s0+$0x0] =	vst.idx.msk $0xffff, v39;
	v38 =	vor.u32 s22, v51  }
0x252: {  	v2 =	vadd.s32 v43, v42;
	v42 =	vor.u32 v28, v63;
	v39 =	vld.idx.msk [tilespmem:v40+s30+$0x0], $0xffff;
	[tilespmem:v3+s0+$0x0] =	vst.idx.msk $0xffff, v4  }
0x253: {  	v40 =	vor.u32 s13, v51;
	v3 =	vadd.s32 v43, v41;
	v4 =	vld.idx.msk [tilespmem:v5+s30+$0x0], $0xffff;
	[tilespmem:v1+s0+$0x0] =	vst.idx.msk $0xffff, v35  }
0x254: {  	v5 =	vor.u32 s17, v51;
	v1 =	vadd.s32 v43, v42;
	v35 =	vld.idx.msk [tilespmem:v36+s30+$0x0], $0xffff  }
0x255: {  	v41 =	vor.u32 v27, v60;
	v36 =	vor.u32 s20, v51;
	[tilespmem:v0+s0+$0x0] =	vst.idx.msk $0xffff, v37  }
0x256: {  	v0 =	vadd.s32 v43, v41;
	v37 =	vld.idx.msk [tilespmem:v38+s30+$0x0], $0xffff  }
0x257: {  	v42 =	vor.u32 v27, v61;
	v41 =	vor.u32 v27, v62;
	[tilespmem:v2+s0+$0x0] =	vst.idx.msk $0xffff, v39;
	v38 =	vor.u32 s22, v52  }
0x258: {  	v2 =	vadd.s32 v43, v42;
	v42 =	vor.u32 v27, v63;
	v39 =	vld.idx.msk [tilespmem:v40+s30+$0x0], $0xffff;
	[tilespmem:v3+s0+$0x0] =	vst.idx.msk $0xffff, v4  }
0x259: {  	v40 =	vor.u32 s13, v52;
	v3 =	vadd.s32 v43, v41;
	v4 =	vld.idx.msk [tilespmem:v5+s30+$0x0], $0xffff;
	[tilespmem:v1+s0+$0x0] =	vst.idx.msk $0xffff, v35  }
0x25a: {  	v5 =	vor.u32 s17, v52;
	v1 =	vadd.s32 v43, v42;
	v35 =	vld.idx.msk [tilespmem:v36+s30+$0x0], $0xffff  }
0x25b: {  	v41 =	vor.u32 v26, v60;
	v36 =	vor.u32 s20, v52;
	[tilespmem:v0+s0+$0x0] =	vst.idx.msk $0xffff, v37  }
0x25c: {  	v0 =	vadd.s32 v43, v41;
	v37 =	vld.idx.msk [tilespmem:v38+s30+$0x0], $0xffff  }
0x25d: {  	v42 =	vor.u32 v26, v61;
	v41 =	vor.u32 v26, v62;
	[tilespmem:v2+s0+$0x0] =	vst.idx.msk $0xffff, v39;
	v38 =	vor.u32 s22, v53  }
0x25e: {  	v2 =	vadd.s32 v43, v42;
	v42 =	vor.u32 v26, v63;
	v39 =	vld.idx.msk [tilespmem:v40+s30+$0x0], $0xffff;
	[tilespmem:v3+s0+$0x0] =	vst.idx.msk $0xffff, v4  }
0x25f: {  	v40 =	vor.u32 s13, v53;
	v3 =	vadd.s32 v43, v41;
	v4 =	vld.idx.msk [tilespmem:v5+s30+$0x0], $0xffff;
	[tilespmem:v1+s0+$0x0] =	vst.idx.msk $0xffff, v35  }
0x260: {  	v5 =	vor.u32 s17, v53;
	v1 =	vadd.s32 v43, v42;
	v35 =	vld.idx.msk [tilespmem:v36+s30+$0x0], $0xffff  }
0x261: {  	v41 =	vor.u32 v25, v60;
	v36 =	vor.u32 s20, v53;
	[tilespmem:v0+s0+$0x0] =	vst.idx.msk $0xffff, v37  }
0x262: {  	v0 =	vadd.s32 v43, v41;
	v37 =	vld.idx.msk [tilespmem:v38+s30+$0x0], $0xffff  }
0x263: {  	v42 =	vor.u32 v25, v61;
	v41 =	vor.u32 v25, v62;
	[tilespmem:v2+s0+$0x0] =	vst.idx.msk $0xffff, v39;
	v38 =	vor.u32 s22, v54  }
0x264: {  	v2 =	vadd.s32 v43, v42;
	v42 =	vor.u32 v25, v63;
	v39 =	vld.idx.msk [tilespmem:v40+s30+$0x0], $0xffff;
	[tilespmem:v3+s0+$0x0] =	vst.idx.msk $0xffff, v4  }
0x265: {  	v40 =	vor.u32 s13, v54;
	v3 =	vadd.s32 v43, v41;
	v4 =	vld.idx.msk [tilespmem:v5+s30+$0x0], $0xffff;
	[tilespmem:v1+s0+$0x0] =	vst.idx.msk $0xffff, v35  }
0x266: {  	v5 =	vor.u32 s17, v54;
	v1 =	vadd.s32 v43, v42;
	v35 =	vld.idx.msk [tilespmem:v36+s30+$0x0], $0xffff  }
0x267: {  	v41 =	vor.u32 v24, v60;
	v36 =	vor.u32 s20, v54;
	[tilespmem:v0+s0+$0x0] =	vst.idx.msk $0xffff, v37  }
0x268: {  	v0 =	vadd.s32 v43, v41;
	v37 =	vld.idx.msk [tilespmem:v38+s30+$0x0], $0xffff  }
0x269: {  	v42 =	vor.u32 v24, v61;
	v41 =	vor.u32 v24, v62;
	[tilespmem:v2+s0+$0x0] =	vst.idx.msk $0xffff, v39;
	v38 =	vor.u32 s22, v55  }
0x26a: {  	v2 =	vadd.s32 v43, v42;
	v42 =	vor.u32 v24, v63;
	v39 =	vld.idx.msk [tilespmem:v40+s30+$0x0], $0xffff;
	[tilespmem:v3+s0+$0x0] =	vst.idx.msk $0xffff, v4  }
0x26b: {  	v40 =	vor.u32 s13, v55;
	v3 =	vadd.s32 v43, v41;
	v4 =	vld.idx.msk [tilespmem:v5+s30+$0x0], $0xffff;
	[tilespmem:v1+s0+$0x0] =	vst.idx.msk $0xffff, v35  }
0x26c: {  	v5 =	vor.u32 s17, v55;
	v1 =	vadd.s32 v43, v42;
	v35 =	vld.idx.msk [tilespmem:v36+s30+$0x0], $0xffff  }
0x26d: {  	v41 =	vor.u32 v23, v60;
	v36 =	vor.u32 s20, v55;
	[tilespmem:v0+s0+$0x0] =	vst.idx.msk $0xffff, v37  }
0x26e: {  	v0 =	vadd.s32 v43, v41;
	v37 =	vld.idx.msk [tilespmem:v38+s30+$0x0], $0xffff  }
0x26f: {  	v42 =	vor.u32 v23, v61;
	v41 =	vor.u32 v23, v62;
	[tilespmem:v2+s0+$0x0] =	vst.idx.msk $0xffff, v39;
	v38 =	vor.u32 s22, v56  }
0x270: {  	v2 =	vadd.s32 v43, v42;
	v42 =	vor.u32 v23, v63;
	v39 =	vld.idx.msk [tilespmem:v40+s30+$0x0], $0xffff;
	[tilespmem:v3+s0+$0x0] =	vst.idx.msk $0xffff, v4  }
0x271: {  	v40 =	vor.u32 s13, v56;
	v3 =	vadd.s32 v43, v41;
	v4 =	vld.idx.msk [tilespmem:v5+s30+$0x0], $0xffff;
	[tilespmem:v1+s0+$0x0] =	vst.idx.msk $0xffff, v35  }
0x272: {  	v5 =	vor.u32 s17, v56;
	v1 =	vadd.s32 v43, v42;
	v35 =	vld.idx.msk [tilespmem:v36+s30+$0x0], $0xffff  }
0x273: {  	v41 =	vor.u32 v22, v60;
	v36 =	vor.u32 s20, v56;
	[tilespmem:v0+s0+$0x0] =	vst.idx.msk $0xffff, v37  }
0x274: {  	v0 =	vadd.s32 v43, v41;
	v37 =	vld.idx.msk [tilespmem:v38+s30+$0x0], $0xffff  }
0x275: {  	v42 =	vor.u32 v22, v61;
	v41 =	vor.u32 v22, v62;
	[tilespmem:v2+s0+$0x0] =	vst.idx.msk $0xffff, v39;
	v38 =	vor.u32 s22, v57  }
0x276: {  	v2 =	vadd.s32 v43, v42;
	v42 =	vor.u32 v22, v63;
	v39 =	vld.idx.msk [tilespmem:v40+s30+$0x0], $0xffff;
	[tilespmem:v3+s0+$0x0] =	vst.idx.msk $0xffff, v4  }
0x277: {  	v40 =	vor.u32 s13, v57;
	v3 =	vadd.s32 v43, v41;
	v4 =	vld.idx.msk [tilespmem:v5+s30+$0x0], $0xffff;
	[tilespmem:v1+s0+$0x0] =	vst.idx.msk $0xffff, v35  }
0x278: {  	v5 =	vor.u32 s17, v57;
	v1 =	vadd.s32 v43, v42;
	v35 =	vld.idx.msk [tilespmem:v36+s30+$0x0], $0xffff  }
0x279: {  	[tilespmem:v0+s0+$0x0] =	vst.idx.msk $0xffff, v37;
	v0 =	vor.u32 s20, v57  }
0x27a: {  	v41 =	vor.u32 v21, v60;
	v42 =	vor.u32 v21, v61  }
0x27b: {  	v36 =	vld.idx.msk [tilespmem:v38+s30+$0x0], $0xffff;
	[tilespmem:v2+s0+$0x0] =	vst.idx.msk $0xffff, v39;
	v2 =	vadd.s32 v43, v41;
	v39 =	vadd.s32 v43, v42  }
0x27c: {  	v37 =	vor.u32 s22, v58;
	v42 =	vor.u32 v21, v62;
	v38 =	vld.idx.msk [tilespmem:v40+s30+$0x0], $0xffff;
	v40 =	vor.u32 s13, v58;
	[tilespmem:v3+s0+$0x0] =	vst.idx.msk $0xffff, v4  }
0x27d: {  	v3 =	vadd.s32 v43, v42;
	v4 =	vld.idx.msk [tilespmem:v5+s30+$0x0], $0xffff;
	[tilespmem:v1+s0+$0x0] =	vst.idx.msk $0xffff, v35;
	v35 =	vor.u32 v21, v63  }
0x27e: {  	v5 =	vor.u32 s17, v58;
	v0 =	vld.idx.msk [tilespmem:v0+s30+$0x0], $0xffff;
	v1 =	vadd.s32 v43, v35  }
0x27f: {  	v35 =	vor.u32 s20, v58  }
0x280: {  	v41 =	vor.u32 s22, v59;
	v42 =	vor.u32 s13, v59;
	[tilespmem:v2+s0+$0x0] =	vst.idx.msk $0xffff, v36;
	v2 =	vor.u32 v20, v60  }
0x281: {  	[tilespmem:v39+s0+$0x0] =	vst.idx.msk $0xffff, v38;
	v36 =	vld.idx.msk [tilespmem:v37+s30+$0x0], $0xffff;
	v2 =	vadd.s32 v43, v2;
	v37 =	vor.u32 v20, v61  }
0x282: {  	v38 =	vld.idx.msk [tilespmem:v40+s30+$0x0], $0xffff;
	v37 =	vadd.s32 v43, v37;
	[tilespmem:v3+s0+$0x0] =	vst.idx.msk $0xffff, v4;
	v40 =	vor.u32 v20, v62  }
0x283: {  	v39 =	vor.u32 v20, v63;
	v4 =	vld.idx.msk [tilespmem:v5+s30+$0x0], $0xffff;
	v3 =	vadd.s32 v43, v40;
	[tilespmem:v1+s0+$0x0] =	vst.idx.msk $0xffff, v0  }
0x284: {  	v1 =	vor.u32 s17, v59;
	v0 =	vadd.s32 v43, v39;
	v5 =	vld.idx.msk [tilespmem:v35+s30+$0x0], $0xffff  }
0x285: {  	v35 =	vor.u32 s20, v59  }
0x286: {  	v40 =	vor.u32 v19, v60;
	[tilespmem:v2+s0+$0x0] =	vst.idx.msk $0xffff, v36  }
0x287: {  	v2 =	vadd.s32 v43, v40;
	[tilespmem:v37+s0+$0x0] =	vst.idx.msk $0xffff, v38;
	v36 =	vld.idx.msk [tilespmem:v41+s30+$0x0], $0xffff;
	v41 =	vor.u32 v19, v61  }
0x288: {  	v60 =	vor.u32 v19, v62;
	[tilespmem:v3+s0+$0x0] =	vst.idx.msk $0xffff, v4;
	v42 =	vld.idx.msk [tilespmem:v42+s30+$0x0], $0xffff;
	v4 =	vadd.s32 v43, v41  }
0x289: {  	v62 =	vadd.s32 v43, v60;
	v61 =	vld.idx.msk [tilespmem:v1+s30+$0x0], $0xffff;
	[tilespmem:v0+s0+$0x0] =	vst.idx.msk $0xffff, v5;
	v5 =	vor.u32 v19, v63  }
0x28a: {  	p3 =	por p2, p2;
	v35 =	vld.idx.msk [tilespmem:v35+s30+$0x0], $0xffff;
	v5 =	vadd.s32 v43, v5  }
.Ltmp10:
0x28b: {  	_ = 	snop;
	(pc) =	sbr.rel @p3 .LBB2_14-.Ltmp10, $4  }
0x28c: {  	[tilespmem:v2+s0+$0x0] =	vst.idx.msk $0xffff, v36  }
0x28d: {  	[tilespmem:v4+s0+$0x0] =	vst.idx.msk $0xffff, v42  }
0x28e: {  	[tilespmem:v62+s0+$0x0] =	vst.idx.msk $0xffff, v61  }
0x28f: {  	p2 =	por $0x0, $0x0;
	s22 =	simm.s32 $0x40;
	[tilespmem:v5+s0+$0x0] =	vst.idx.msk $0xffff, v35  }
0x290: {  	s13 =	sor.u32 $0x10, s19;
	v1 =	vlaneseq.u32  }
0x291: {  	v43 =	vor.u32 s13, v1  }
0x292: {  	v62 =	vld [tilespmem:$0x1FFE0];
	v0 =	vshll.u32 v43, $0x7  }
0x293: {  	v63 =	vld [tilespmem:$0x1FFF0];
	v44 =	vor.u32 v1, v0  }
0x294: {  	v47 =	vor.u32 v6, v0;
	v48 =	vor.u32 v7, v0;
	v49 =	vor.u32 v8, v0  }
0x295: {  	v50 =	vor.u32 v9, v0;
	v51 =	vor.u32 v10, v0;
	v52 =	vor.u32 v11, v0  }
0x296: {  	v53 =	vor.u32 v12, v0;
	v54 =	vor.u32 v13, v0;
	v55 =	vor.u32 v14, v0  }
0x297: {  	v56 =	vor.u32 v15, v0;
	v57 =	vor.u32 v16, v0;
	v58 =	vor.u32 v17, v0  }
0x298: {  	s20 =	simm.s32 $0x0;
	p2 =	por $0x1, $0x1;
	v59 =	vor.u32 v18, v0;
	v45 =	vor.u32 v62, v0;
	v46 =	vor.u32 v63, v0  }
.LBB2_16:
0x299: {  	v0 =	vor.u32 s20, v44  }
0x29a: {  	s13 =	sor.u32 $0x10, s20  }
0x29b: {  	v1 =	vmov s20;
	s17 =	sor.u32 $0x20, s20;
	v2 =	vor.u32 s13, v44  }
0x29c: {  	s19 =	sor.u32 $0x30, s20;
	v60 =	vshll.u32 v1, $0x7;
	v3 =	vmov s13;
	v4 =	vor.u32 s17, v44  }
0x29d: {  	v1 =	vor.u32 v34, v60;
	v61 =	vshll.u32 v3, $0x7;
	v3 =	vor.u32 s19, v44  }
0x29e: {  	v5 =	vor.u32 s20, v45;
	v36 =	vmov s17;
	v1 =	vadd.s32 v43, v1;
	v0 =	vld.idx.msk [tilespmem:v0+s30+$0x0], $0xffff  }
0x29f: {  	v41 =	vmov s19;
	v62 =	vshll.u32 v36, $0x7;
	v35 =	vor.u32 v34, v61  }
0x2a0: {  	v63 =	vshll.u32 v41, $0x7;
	v38 =	vor.u32 v34, v62;
	v35 =	vadd.s32 v43, v35;
	v2 =	vld.idx.msk [tilespmem:v2+s30+$0x0], $0xffff  }
0x2a1: {  	v37 =	vor.u32 s13, v45;
	v42 =	vor.u32 v34, v63;
	v36 =	vadd.s32 v43, v38;
	v4 =	vld.idx.msk [tilespmem:v4+s30+$0x0], $0xffff  }
0x2a2: {  	v39 =	vor.u32 s17, v45;
	v38 =	vadd.s32 v43, v42;
	v3 =	vld.idx.msk [tilespmem:v3+s30+$0x0], $0xffff  }
0x2a3: {  	v40 =	vor.u32 v33, v60;
	[tilespmem:v1+s0+$0x0] =	vst.idx.msk $0xffff, v0;
	v1 =	vor.u32 s19, v45  }
0x2a4: {  	v0 =	vadd.s32 v43, v40;
	v5 =	vld.idx.msk [tilespmem:v5+s30+$0x0], $0xffff  }
0x2a5: {  	v41 =	vor.u32 v33, v61;
	v42 =	vor.u32 v33, v63;
	[tilespmem:v35+s0+$0x0] =	vst.idx.msk $0xffff, v2;
	v35 =	vor.u32 s20, v46  }
0x2a6: {  	v2 =	vadd.s32 v43, v41;
	[tilespmem:v36+s0+$0x0] =	vst.idx.msk $0xffff, v4;
	v4 =	vor.u32 v33, v62;
	v37 =	vld.idx.msk [tilespmem:v37+s30+$0x0], $0xffff  }
0x2a7: {  	v40 =	vor.u32 s13, v46;
	v36 =	vld.idx.msk [tilespmem:v39+s30+$0x0], $0xffff;
	v4 =	vadd.s32 v43, v4;
	[tilespmem:v38+s0+$0x0] =	vst.idx.msk $0xffff, v3  }
0x2a8: {  	v38 =	vor.u32 s17, v46;
	v3 =	vadd.s32 v43, v42;
	v1 =	vld.idx.msk [tilespmem:v1+s30+$0x0], $0xffff  }
0x2a9: {  	v41 =	vor.u32 v32, v60;
	[tilespmem:v0+s0+$0x0] =	vst.idx.msk $0xffff, v5;
	v5 =	vor.u32 s19, v46  }
0x2aa: {  	v42 =	vor.u32 v32, v61;
	v0 =	vadd.s32 v43, v41;
	v35 =	vld.idx.msk [tilespmem:v35+s30+$0x0], $0xffff  }
0x2ab: {  	[tilespmem:v2+s0+$0x0] =	vst.idx.msk $0xffff, v37;
	v37 =	vor.u32 s20, v47;
	v2 =	vadd.s32 v43, v42  }
0x2ac: {  	[tilespmem:v4+s0+$0x0] =	vst.idx.msk $0xffff, v36;
	v4 =	vor.u32 v32, v62;
	v39 =	vld.idx.msk [tilespmem:v40+s30+$0x0], $0xffff;
	v40 =	vor.u32 s13, v47  }
0x2ad: {  	v36 =	vld.idx.msk [tilespmem:v38+s30+$0x0], $0xffff;
	v4 =	vadd.s32 v43, v4;
	v38 =	vor.u32 v32, v63;
	[tilespmem:v3+s0+$0x0] =	vst.idx.msk $0xffff, v1  }
0x2ae: {  	v3 =	vor.u32 s17, v47;
	v1 =	vadd.s32 v43, v38;
	v5 =	vld.idx.msk [tilespmem:v5+s30+$0x0], $0xffff  }
0x2af: {  	v41 =	vor.u32 v31, v60;
	[tilespmem:v0+s0+$0x0] =	vst.idx.msk $0xffff, v35;
	v35 =	vor.u32 s19, v47  }
0x2b0: {  	v42 =	vor.u32 v31, v61;
	v0 =	vadd.s32 v43, v41;
	v37 =	vld.idx.msk [tilespmem:v37+s30+$0x0], $0xffff  }
0x2b1: {  	v38 =	vor.u32 s20, v48;
	[tilespmem:v2+s0+$0x0] =	vst.idx.msk $0xffff, v39;
	v2 =	vadd.s32 v43, v42  }
0x2b2: {  	[tilespmem:v4+s0+$0x0] =	vst.idx.msk $0xffff, v36;
	v4 =	vor.u32 v31, v62;
	v36 =	vor.u32 v31, v63;
	v39 =	vld.idx.msk [tilespmem:v40+s30+$0x0], $0xffff  }
0x2b3: {  	v40 =	vor.u32 s13, v48;
	v4 =	vadd.s32 v43, v4;
	v3 =	vld.idx.msk [tilespmem:v3+s30+$0x0], $0xffff;
	[tilespmem:v1+s0+$0x0] =	vst.idx.msk $0xffff, v5  }
0x2b4: {  	v5 =	vor.u32 s17, v48;
	v1 =	vadd.s32 v43, v36;
	v35 =	vld.idx.msk [tilespmem:v35+s30+$0x0], $0xffff  }
0x2b5: {  	v41 =	vor.u32 v30, v60;
	v36 =	vor.u32 s19, v48;
	[tilespmem:v0+s0+$0x0] =	vst.idx.msk $0xffff, v37  }
0x2b6: {  	v0 =	vadd.s32 v43, v41;
	v37 =	vld.idx.msk [tilespmem:v38+s30+$0x0], $0xffff  }
0x2b7: {  	v42 =	vor.u32 v30, v61;
	v41 =	vor.u32 v30, v62;
	[tilespmem:v2+s0+$0x0] =	vst.idx.msk $0xffff, v39;
	v38 =	vor.u32 s20, v49  }
0x2b8: {  	v2 =	vadd.s32 v43, v42;
	v42 =	vor.u32 v30, v63;
	v39 =	vld.idx.msk [tilespmem:v40+s30+$0x0], $0xffff;
	[tilespmem:v4+s0+$0x0] =	vst.idx.msk $0xffff, v3  }
0x2b9: {  	v40 =	vor.u32 s13, v49;
	v3 =	vadd.s32 v43, v41;
	v4 =	vld.idx.msk [tilespmem:v5+s30+$0x0], $0xffff;
	[tilespmem:v1+s0+$0x0] =	vst.idx.msk $0xffff, v35  }
0x2ba: {  	v5 =	vor.u32 s17, v49;
	v1 =	vadd.s32 v43, v42;
	v35 =	vld.idx.msk [tilespmem:v36+s30+$0x0], $0xffff  }
0x2bb: {  	v41 =	vor.u32 v29, v60;
	v36 =	vor.u32 s19, v49;
	[tilespmem:v0+s0+$0x0] =	vst.idx.msk $0xffff, v37  }
0x2bc: {  	v0 =	vadd.s32 v43, v41;
	v37 =	vld.idx.msk [tilespmem:v38+s30+$0x0], $0xffff  }
0x2bd: {  	v42 =	vor.u32 v29, v61;
	v41 =	vor.u32 v29, v62;
	[tilespmem:v2+s0+$0x0] =	vst.idx.msk $0xffff, v39;
	v38 =	vor.u32 s20, v50  }
0x2be: {  	v2 =	vadd.s32 v43, v42;
	v42 =	vor.u32 v29, v63;
	v39 =	vld.idx.msk [tilespmem:v40+s30+$0x0], $0xffff;
	[tilespmem:v3+s0+$0x0] =	vst.idx.msk $0xffff, v4  }
0x2bf: {  	v40 =	vor.u32 s13, v50;
	v3 =	vadd.s32 v43, v41;
	v4 =	vld.idx.msk [tilespmem:v5+s30+$0x0], $0xffff;
	[tilespmem:v1+s0+$0x0] =	vst.idx.msk $0xffff, v35  }
0x2c0: {  	v5 =	vor.u32 s17, v50;
	v1 =	vadd.s32 v43, v42;
	v35 =	vld.idx.msk [tilespmem:v36+s30+$0x0], $0xffff  }
0x2c1: {  	v41 =	vor.u32 v28, v60;
	v36 =	vor.u32 s19, v50;
	[tilespmem:v0+s0+$0x0] =	vst.idx.msk $0xffff, v37  }
0x2c2: {  	v0 =	vadd.s32 v43, v41;
	v37 =	vld.idx.msk [tilespmem:v38+s30+$0x0], $0xffff  }
0x2c3: {  	v42 =	vor.u32 v28, v61;
	v41 =	vor.u32 v28, v62;
	[tilespmem:v2+s0+$0x0] =	vst.idx.msk $0xffff, v39;
	v38 =	vor.u32 s20, v51  }
0x2c4: {  	v2 =	vadd.s32 v43, v42;
	v42 =	vor.u32 v28, v63;
	v39 =	vld.idx.msk [tilespmem:v40+s30+$0x0], $0xffff;
	[tilespmem:v3+s0+$0x0] =	vst.idx.msk $0xffff, v4  }
0x2c5: {  	v40 =	vor.u32 s13, v51;
	v3 =	vadd.s32 v43, v41;
	v4 =	vld.idx.msk [tilespmem:v5+s30+$0x0], $0xffff;
	[tilespmem:v1+s0+$0x0] =	vst.idx.msk $0xffff, v35  }
0x2c6: {  	v5 =	vor.u32 s17, v51;
	v1 =	vadd.s32 v43, v42;
	v35 =	vld.idx.msk [tilespmem:v36+s30+$0x0], $0xffff  }
0x2c7: {  	v41 =	vor.u32 v27, v60;
	v36 =	vor.u32 s19, v51;
	[tilespmem:v0+s0+$0x0] =	vst.idx.msk $0xffff, v37  }
0x2c8: {  	v0 =	vadd.s32 v43, v41;
	v37 =	vld.idx.msk [tilespmem:v38+s30+$0x0], $0xffff  }
0x2c9: {  	v42 =	vor.u32 v27, v61;
	v41 =	vor.u32 v27, v62;
	[tilespmem:v2+s0+$0x0] =	vst.idx.msk $0xffff, v39;
	v38 =	vor.u32 s20, v52  }
0x2ca: {  	v2 =	vadd.s32 v43, v42;
	v42 =	vor.u32 v27, v63;
	v39 =	vld.idx.msk [tilespmem:v40+s30+$0x0], $0xffff;
	[tilespmem:v3+s0+$0x0] =	vst.idx.msk $0xffff, v4  }
0x2cb: {  	v40 =	vor.u32 s13, v52;
	v3 =	vadd.s32 v43, v41;
	v4 =	vld.idx.msk [tilespmem:v5+s30+$0x0], $0xffff;
	[tilespmem:v1+s0+$0x0] =	vst.idx.msk $0xffff, v35  }
0x2cc: {  	v5 =	vor.u32 s17, v52;
	v1 =	vadd.s32 v43, v42;
	v35 =	vld.idx.msk [tilespmem:v36+s30+$0x0], $0xffff  }
0x2cd: {  	v41 =	vor.u32 v26, v60;
	v36 =	vor.u32 s19, v52;
	[tilespmem:v0+s0+$0x0] =	vst.idx.msk $0xffff, v37  }
0x2ce: {  	v0 =	vadd.s32 v43, v41;
	v37 =	vld.idx.msk [tilespmem:v38+s30+$0x0], $0xffff  }
0x2cf: {  	v42 =	vor.u32 v26, v61;
	v41 =	vor.u32 v26, v62;
	[tilespmem:v2+s0+$0x0] =	vst.idx.msk $0xffff, v39;
	v38 =	vor.u32 s20, v53  }
0x2d0: {  	v2 =	vadd.s32 v43, v42;
	v42 =	vor.u32 v26, v63;
	v39 =	vld.idx.msk [tilespmem:v40+s30+$0x0], $0xffff;
	[tilespmem:v3+s0+$0x0] =	vst.idx.msk $0xffff, v4  }
0x2d1: {  	v40 =	vor.u32 s13, v53;
	v3 =	vadd.s32 v43, v41;
	v4 =	vld.idx.msk [tilespmem:v5+s30+$0x0], $0xffff;
	[tilespmem:v1+s0+$0x0] =	vst.idx.msk $0xffff, v35  }
0x2d2: {  	v5 =	vor.u32 s17, v53;
	v1 =	vadd.s32 v43, v42;
	v35 =	vld.idx.msk [tilespmem:v36+s30+$0x0], $0xffff  }
0x2d3: {  	v41 =	vor.u32 v25, v60;
	v36 =	vor.u32 s19, v53;
	[tilespmem:v0+s0+$0x0] =	vst.idx.msk $0xffff, v37  }
0x2d4: {  	v0 =	vadd.s32 v43, v41;
	v37 =	vld.idx.msk [tilespmem:v38+s30+$0x0], $0xffff  }
0x2d5: {  	v42 =	vor.u32 v25, v61;
	v41 =	vor.u32 v25, v62;
	[tilespmem:v2+s0+$0x0] =	vst.idx.msk $0xffff, v39;
	v38 =	vor.u32 s20, v54  }
0x2d6: {  	v2 =	vadd.s32 v43, v42;
	v42 =	vor.u32 v25, v63;
	v39 =	vld.idx.msk [tilespmem:v40+s30+$0x0], $0xffff;
	[tilespmem:v3+s0+$0x0] =	vst.idx.msk $0xffff, v4  }
0x2d7: {  	v40 =	vor.u32 s13, v54;
	v3 =	vadd.s32 v43, v41;
	v4 =	vld.idx.msk [tilespmem:v5+s30+$0x0], $0xffff;
	[tilespmem:v1+s0+$0x0] =	vst.idx.msk $0xffff, v35  }
0x2d8: {  	v5 =	vor.u32 s17, v54;
	v1 =	vadd.s32 v43, v42;
	v35 =	vld.idx.msk [tilespmem:v36+s30+$0x0], $0xffff  }
0x2d9: {  	v41 =	vor.u32 v24, v60;
	v36 =	vor.u32 s19, v54;
	[tilespmem:v0+s0+$0x0] =	vst.idx.msk $0xffff, v37  }
0x2da: {  	v0 =	vadd.s32 v43, v41;
	v37 =	vld.idx.msk [tilespmem:v38+s30+$0x0], $0xffff  }
0x2db: {  	v42 =	vor.u32 v24, v61;
	v41 =	vor.u32 v24, v62;
	[tilespmem:v2+s0+$0x0] =	vst.idx.msk $0xffff, v39;
	v38 =	vor.u32 s20, v55  }
0x2dc: {  	v2 =	vadd.s32 v43, v42;
	v42 =	vor.u32 v24, v63;
	v39 =	vld.idx.msk [tilespmem:v40+s30+$0x0], $0xffff;
	[tilespmem:v3+s0+$0x0] =	vst.idx.msk $0xffff, v4  }
0x2dd: {  	v40 =	vor.u32 s13, v55;
	v3 =	vadd.s32 v43, v41;
	v4 =	vld.idx.msk [tilespmem:v5+s30+$0x0], $0xffff;
	[tilespmem:v1+s0+$0x0] =	vst.idx.msk $0xffff, v35  }
0x2de: {  	v5 =	vor.u32 s17, v55;
	v1 =	vadd.s32 v43, v42;
	v35 =	vld.idx.msk [tilespmem:v36+s30+$0x0], $0xffff  }
0x2df: {  	v41 =	vor.u32 v23, v60;
	v36 =	vor.u32 s19, v55;
	[tilespmem:v0+s0+$0x0] =	vst.idx.msk $0xffff, v37  }
0x2e0: {  	v0 =	vadd.s32 v43, v41;
	v37 =	vld.idx.msk [tilespmem:v38+s30+$0x0], $0xffff  }
0x2e1: {  	v42 =	vor.u32 v23, v61;
	v41 =	vor.u32 v23, v62;
	[tilespmem:v2+s0+$0x0] =	vst.idx.msk $0xffff, v39;
	v38 =	vor.u32 s20, v56  }
0x2e2: {  	v2 =	vadd.s32 v43, v42;
	v42 =	vor.u32 v23, v63;
	v39 =	vld.idx.msk [tilespmem:v40+s30+$0x0], $0xffff;
	[tilespmem:v3+s0+$0x0] =	vst.idx.msk $0xffff, v4  }
0x2e3: {  	v40 =	vor.u32 s13, v56;
	v3 =	vadd.s32 v43, v41;
	v4 =	vld.idx.msk [tilespmem:v5+s30+$0x0], $0xffff;
	[tilespmem:v1+s0+$0x0] =	vst.idx.msk $0xffff, v35  }
0x2e4: {  	v5 =	vor.u32 s17, v56;
	v1 =	vadd.s32 v43, v42;
	v35 =	vld.idx.msk [tilespmem:v36+s30+$0x0], $0xffff  }
0x2e5: {  	v41 =	vor.u32 v22, v60;
	v36 =	vor.u32 s19, v56;
	[tilespmem:v0+s0+$0x0] =	vst.idx.msk $0xffff, v37  }
0x2e6: {  	v0 =	vadd.s32 v43, v41;
	v37 =	vld.idx.msk [tilespmem:v38+s30+$0x0], $0xffff  }
0x2e7: {  	v42 =	vor.u32 v22, v61;
	v41 =	vor.u32 v22, v62;
	[tilespmem:v2+s0+$0x0] =	vst.idx.msk $0xffff, v39;
	v38 =	vor.u32 s20, v57  }
0x2e8: {  	v2 =	vadd.s32 v43, v42;
	v42 =	vor.u32 v22, v63;
	v39 =	vld.idx.msk [tilespmem:v40+s30+$0x0], $0xffff;
	[tilespmem:v3+s0+$0x0] =	vst.idx.msk $0xffff, v4  }
0x2e9: {  	v40 =	vor.u32 s13, v57;
	v3 =	vadd.s32 v43, v41;
	v4 =	vld.idx.msk [tilespmem:v5+s30+$0x0], $0xffff;
	[tilespmem:v1+s0+$0x0] =	vst.idx.msk $0xffff, v35  }
0x2ea: {  	v5 =	vor.u32 s17, v57;
	v1 =	vadd.s32 v43, v42;
	v35 =	vld.idx.msk [tilespmem:v36+s30+$0x0], $0xffff  }
0x2eb: {  	[tilespmem:v0+s0+$0x0] =	vst.idx.msk $0xffff, v37;
	v0 =	vor.u32 s19, v57  }
0x2ec: {  	v41 =	vor.u32 v21, v60;
	v42 =	vor.u32 v21, v61  }
0x2ed: {  	v36 =	vld.idx.msk [tilespmem:v38+s30+$0x0], $0xffff;
	[tilespmem:v2+s0+$0x0] =	vst.idx.msk $0xffff, v39;
	v2 =	vadd.s32 v43, v41;
	v39 =	vadd.s32 v43, v42  }
0x2ee: {  	v37 =	vor.u32 s20, v58;
	v42 =	vor.u32 v21, v62;
	v38 =	vld.idx.msk [tilespmem:v40+s30+$0x0], $0xffff;
	v40 =	vor.u32 s13, v58;
	[tilespmem:v3+s0+$0x0] =	vst.idx.msk $0xffff, v4  }
0x2ef: {  	v3 =	vadd.s32 v43, v42;
	v4 =	vld.idx.msk [tilespmem:v5+s30+$0x0], $0xffff;
	[tilespmem:v1+s0+$0x0] =	vst.idx.msk $0xffff, v35;
	v35 =	vor.u32 v21, v63  }
0x2f0: {  	v5 =	vor.u32 s17, v58;
	v0 =	vld.idx.msk [tilespmem:v0+s30+$0x0], $0xffff;
	v1 =	vadd.s32 v43, v35  }
0x2f1: {  	v35 =	vor.u32 s19, v58  }
0x2f2: {  	v41 =	vor.u32 s20, v59;
	v42 =	vor.u32 s13, v59;
	[tilespmem:v2+s0+$0x0] =	vst.idx.msk $0xffff, v36;
	v2 =	vor.u32 v20, v60  }
0x2f3: {  	[tilespmem:v39+s0+$0x0] =	vst.idx.msk $0xffff, v38;
	v36 =	vld.idx.msk [tilespmem:v37+s30+$0x0], $0xffff;
	v2 =	vadd.s32 v43, v2;
	v37 =	vor.u32 v20, v61  }
0x2f4: {  	v38 =	vld.idx.msk [tilespmem:v40+s30+$0x0], $0xffff;
	v37 =	vadd.s32 v43, v37;
	[tilespmem:v3+s0+$0x0] =	vst.idx.msk $0xffff, v4;
	v40 =	vor.u32 v20, v62  }
0x2f5: {  	v39 =	vor.u32 v20, v63;
	v4 =	vld.idx.msk [tilespmem:v5+s30+$0x0], $0xffff;
	v3 =	vadd.s32 v43, v40;
	[tilespmem:v1+s0+$0x0] =	vst.idx.msk $0xffff, v0  }
0x2f6: {  	v1 =	vor.u32 s17, v59;
	v0 =	vadd.s32 v43, v39;
	v5 =	vld.idx.msk [tilespmem:v35+s30+$0x0], $0xffff  }
0x2f7: {  	v35 =	vor.u32 s19, v59  }
0x2f8: {  	v40 =	vor.u32 v19, v60;
	[tilespmem:v2+s0+$0x0] =	vst.idx.msk $0xffff, v36  }
0x2f9: {  	v2 =	vadd.s32 v43, v40;
	[tilespmem:v37+s0+$0x0] =	vst.idx.msk $0xffff, v38;
	v36 =	vld.idx.msk [tilespmem:v41+s30+$0x0], $0xffff;
	v41 =	vor.u32 v19, v61  }
0x2fa: {  	v60 =	vor.u32 v19, v62;
	[tilespmem:v3+s0+$0x0] =	vst.idx.msk $0xffff, v4;
	v42 =	vld.idx.msk [tilespmem:v42+s30+$0x0], $0xffff;
	v4 =	vadd.s32 v43, v41  }
0x2fb: {  	v62 =	vadd.s32 v43, v60;
	v61 =	vld.idx.msk [tilespmem:v1+s30+$0x0], $0xffff;
	[tilespmem:v0+s0+$0x0] =	vst.idx.msk $0xffff, v5;
	v5 =	vor.u32 v19, v63  }
0x2fc: {  	p3 =	por p2, p2;
	v35 =	vld.idx.msk [tilespmem:v35+s30+$0x0], $0xffff;
	v5 =	vadd.s32 v43, v5  }
.Ltmp11:
0x2fd: {  	_ = 	snop;
	(pc) =	sbr.rel @p3 .LBB2_16-.Ltmp11, $4  }
0x2fe: {  	[tilespmem:v2+s0+$0x0] =	vst.idx.msk $0xffff, v36  }
0x2ff: {  	[tilespmem:v4+s0+$0x0] =	vst.idx.msk $0xffff, v42  }
0x300: {  	[tilespmem:v62+s0+$0x0] =	vst.idx.msk $0xffff, v61  }
0x301: {  	p2 =	por $0x0, $0x0;
	s20 =	simm.s32 $0x40;
	[tilespmem:v5+s0+$0x0] =	vst.idx.msk $0xffff, v35  }
0x302: {  	p2 =	slt.u32 s11, $0x6  }
.Ltmp12:
0x303: {  	_ = 	snop;
	(pc) =	sbr.rel @p2 .LBB2_13-.Ltmp12, $3  }
0x304: {  	_ =	sdelay $0x1  }
0x305: {  	s13 =	sadd.s32 $0x2, s11  }
0x306: {  	s11 =	smov.u32 s13  }
0x307: {  	v0 =	vld [tilespmem:$0x180]  }
0x308: {  	v1 =	vld [tilespmem:$0x80]  }
0x309: {  	v2 =	vld [tilespmem:$0x190]  }
0x30a: {  	v4 =	vld [tilespmem:$0x90]  }
0x30b: {  	v5 =	vld [tilespmem:$0x1A0]  }
0x30c: {  	v35 =	vld [tilespmem:$0xA0]  }
0x30d: {  	v37 =	vld [tilespmem:$0x1FF30]  }
0x30e: {  	v38 =	vld [tilespmem:$0x1FF40]  }
0x30f: {  	v54 =	vld [tilespmem:$0xB0]  }
0x310: {  	v39 =	vld [tilespmem:$0x1B0]  }
0x311: {  	v41 =	vld [tilespmem:$0x1C0]  }
0x312: {  	v42 =	vld [tilespmem:$0x1FF50]  }
0x313: {  	v55 =	vld [tilespmem:$0xC0]  }
0x314: {  	v47 =	vld [tilespmem:$0x1FFC0]  }
0x315: {  	v43 =	vld [tilespmem:$0x1D0]  }
0x316: {  	v48 =	vld [tilespmem:$0x1FFD0]  }
0x317: {  	v44 =	vld [tilespmem:$0x1E0]  }
0x318: {  	v45 =	vld [tilespmem:$0x1FF60]  }
0x319: {  	v56 =	vld [tilespmem:$0x1FF20];
	v3 =	vand.u32 $0x7F, v0  }
0x31a: {  	v58 =	vld [tilespmem:$0x1F0];
	v3 =	vor.u32 v34, v3  }
0x31b: {  	v46 =	vld [tilespmem:$0x1FF70];
	v36 =	vand.u32 $0x7F, v2  }
0x31c: {  	v59 =	vld [tilespmem:$0xF0];
	v36 =	vor.u32 v37, v36  }
0x31d: {  	v61 =	vld [tilespmem:$0x1FF90]  }
0x31e: {  	v53 =	vand.u32 $0x7F, v5;
	v1 =	vld.idx.msk [tilespmem:v1+s25+$0x0], $0xffff  }
0x31f: {  	v37 =	vor.u32 v38, v53;
	v3 =	vld.idx.msk [tilespmem:v3+s30+$0x0], $0xffff  }
0x320: {  	v4 =	vld.idx.msk [tilespmem:v4+s25+$0x0], $0xffff  }
0x321: {  	v40 =	vand.u32 $0x7F, v39;
	v0 =	vsub.s32 v0, v47;
	v5 =	vsub.s32 v5, v47;
	v36 =	vld.idx.msk [tilespmem:v36+s30+$0x0], $0xffff  }
0x322: {  	v2 =	vsub.s32 v2, v47;
	vm14 =	vgt.s32 v5, $0xFFFFFFFF;
	vm15 =	vlt.s32 v5, v48;
	v5 =	vld [tilespmem:$0x1FF80]  }
0x323: {  	v57 =	vand.u32 $0x7F, v43;
	v40 =	vor.u32 v42, v40;
	vm0 =	vgt.s32 v0, $0xFFFFFFFF;
	v35 =	vld.idx.msk [tilespmem:v35+s25+$0x0], $0xffff  }
0x324: {  	vm1 =	vlt.s32 v0, v48;
	v37 =	vld.idx.msk [tilespmem:v37+s30+$0x0], $0xffff;
	v0 =	vsub.f32 v1, v3;
	v3 =	vand.u32 $0x7F, v41  }
0x325: {  	vm12 =	vgt.s32 v2, $0xFFFFFFFF;
	vm0 =	vmand vm0, vm1;
	v1 =	vld [tilespmem:$0xD0];
	v3 =	vor.u32 v45, v3  }
0x326: {  	vm13 =	vlt.s32 v2, v48;
	v2 =	vsub.f32 v4, v36;
	v4 =	vld [tilespmem:$0xE0];
	v0 =	vnsel vm0, $0x0, v0  }
0x327: {  	v38 =	vld.idx.msk [tilespmem:v54+s25+$0x0], $0xffff;
	v36 =	vor.u32 v46, v57;
	vm0 =	vmand vm12, vm13;
	v0 =	vadd.f32 v0, v56  }
0x328: {  	v40 =	vld.idx.msk [tilespmem:v40+s30+$0x0], $0xffff;
	v2 =	vnsel vm0, $0x0, v2  }
0x329: {  	v42 =	vld.idx.msk [tilespmem:v55+s25+$0x0], $0xffff;
	v0 =	vadd.f32 v2, v0;
	v2 =	vand.u32 $0x7F, v44  }
0x32a: {  	v35 =	vsub.f32 v35, v37;
	v2 =	vor.u32 v5, v2;
	v3 =	vld.idx.msk [tilespmem:v3+s30+$0x0], $0xffff  }
0x32b: {  	v60 =	vand.u32 $0x7F, v58;
	v62 =	vsub.s32 v41, v47;
	vm0 =	vmand vm14, vm15  }
0x32c: {  	v37 =	vor.u32 v61, v60;
	v35 =	vnsel vm0, $0x0, v35;
	v36 =	vld.idx.msk [tilespmem:v36+s30+$0x0], $0xffff;
	v5 =	vsub.s32 v39, v47  }
0x32d: {  	vm4 =	vgt.s32 v5, $0xFFFFFFFF;
	vm2 =	vlt.s32 v5, v48;
	v5 =	vsub.f32 v38, v40;
	v1 =	vld.idx.msk [tilespmem:v1+s25+$0x0], $0xffff  }
0x32e: {  	vm6 =	vgt.s32 v62, $0xFFFFFFFF;
	v0 =	vadd.f32 v35, v0;
	vm5 =	vmand vm4, vm2;
	v4 =	vld.idx.msk [tilespmem:v4+s25+$0x0], $0xffff  }
0x32f: {  	vm7 =	vlt.s32 v62, v48;
	v5 =	vnsel vm5, $0x0, v5;
	v3 =	vsub.f32 v42, v3;
	v2 =	vld.idx.msk [tilespmem:v2+s30+$0x0], $0xffff  }
0x330: {  	vm8 =	vmand vm6, vm7;
	v0 =	vadd.f32 v5, v0  }
0x331: {  	v63 =	vld.idx.msk [tilespmem:v59+s25+$0x0], $0xffff;
	v5 =	vsub.s32 v43, v47;
	v3 =	vnsel vm8, $0x0, v3  }
0x332: {  	vm9 =	vgt.s32 v5, $0xFFFFFFFF;
	vm10 =	vlt.s32 v5, v48;
	v0 =	vadd.f32 v3, v0;
	v3 =	vld.idx.msk [tilespmem:v37+s30+$0x0], $0xffff  }
0x333: {  	v5 =	vsub.s32 v44, v47;
	vm0 =	vmand vm9, vm10;
	v1 =	vsub.f32 v1, v36  }
0x334: {  	vm11 =	vgt.s32 v5, $0xFFFFFFFF;
	vm12 =	vlt.s32 v5, v48;
	v2 =	vsub.f32 v4, v2  }
0x335: {  	vm13 =	vmand vm11, vm12;
	v1 =	vnsel vm0, $0x0, v1  }
.Ltmp13:
0x336: {  	v0 =	vadd.f32 v1, v0;
	v1 =	vnsel vm13, $0x0, v2;
	v2 =	vsub.s32 v58, v47;
	(pc) =	sbr.rel @p1 .LBB2_21-.Ltmp13, $4  }
0x337: {  	vm14 =	vgt.s32 v2, $0xFFFFFFFF;
	vm15 =	vlt.s32 v2, v48;
	v2 =	vsub.f32 v63, v3  }
0x338: {  	v0 =	vadd.f32 v1, v0;
	vm0 =	vmand vm14, vm15  }
0x339: {  	v1 =	vnsel vm0, $0x0, v2  }
0x33a: {  	p2 =	seq.s32 s18, $0x31;
	v0 =	vadd.f32 v1, v0  }
.Ltmp14:
0x33b: {  	(pc) =	sbr.rel @!p2 .LBB2_22-.Ltmp14, $4  }
0x33c: {  	_ = 	snop  }
0x33d: {  	s10 =	sshll.u32 s10, $0x9  }
0x33e: {  	s10 =	sadd.s32 s10, s16  }
0x33f: {  	[hbm4b:s10+s8] =	stream.strided.scatter [tilespmem:s0], [sflag:$0x4], $0x3400, s9, s8, $0x38;
	[tilespmem:$0x10780] =	vst v63  }
0x340: {  	s10 =	simm.s32 $0x3  }
0x341: {  	_ =	swait.ge [sflag:s10], $0x3400  }
.Ltmp15:
0x342: {  	[sflag:s10] =	ssyncset.done $0x0;
	(pc) =	sbr.rel .LBB2_24-.Ltmp15, $4  }
0x343: {  	s22 =	simm.s32 $0x4;
	[sflag:s10] =	ssyncadd.s32 $0xFFFFCC00  }
0x344: {  	_ =	swait.ge [sflag:s22], $0x3400  }
0x345: {  	[sflag:s22] =	ssyncset.done $0x0  }
0x346: {  	s13 =	rddreg [dreg:$0xb];
	[sflag:s22] =	ssyncadd.s32 $0xFFFFCC00  }
.LBB2_25:
0x347: {  	_ =	sfence.sel $0x180000  }
0x348: {  	[bflag:$0x0] =	sbarrier.arrive $0xFFFF  }
0x349: {  	_ =	strace $0x90000047  }
0x34a: {  	s0 =	stileid.u32;
	[bflag:$0x2] =	sbarrier.arrive $0xFFFF  }
0x34b: {  	p0 =	sne.s32 s0, $0x0;
	s0 =	rddreg [dreg:$0x2]  }
0x34c: {  	s0 =	sadd.s32 @!p0 $0x100000, s0  }
0x34d: {  	[sflag:s0] =	ssyncadd.tile.s32 @!p0 $0x1;
	_ =	shalt  }
.Lfunc_end2:
_tile_overlayer_lowered:
.L_overlay_start_2:
0x34e: {  	(tag) =	ssettag $0x2  }
0x34f: {  	s0 =	rddreg [dreg:$0x0];
	s2 =	stileid.u32  }
0x350: {  	s1 =	rddreg [dreg:$0x1];
	p0 =	sne.s32 s2, $0x0  }
0x351: {  	s3 =	rddreg [dreg:$0x2];
	[bflag:$0x3] =	sbarrier.arrive $0xFFFF;
	s2 =	simm.s32 @!p0 $0x1C07  }
0x352: {  	[timem:s3], [sflag:s2] =	dma.local @!p0 [hbm:s0], s1  }
0x353: {  	s0 =	simm.s32 @!p0 $0x7  }
0x354: {  	_ =	swait.ge @!p0 [sflag:s0], s1  }
0x355: {  	s1 =	ssub.s32 @!p0 $0x0, s1;
	[sflag:s0] =	ssyncset.done @!p0 $0x0  }
0x356: {  	[sflag:s0] =	ssyncadd.s32 @!p0 s1  }
0x357: {  	[bflag:$0x3] =	sbarrier.arrive $0xFFFF  }
0x358: {  	_ =	shalt  }

</sc_bundles>
